<compile_context>
chip_gen: v7x
topology: tpu7x:2x2x1
jax: 0.10.2.dev20260603
libtpu: 0.0.44.dev20260713+nightly
codegen_flags: <defaults>
</compile_context>

<pallas_src>
import jax
import jax.numpy as jnp
from jax import lax
from jax.experimental import pallas as pl
from jax.experimental.pallas import tpu as pltpu
from jax.experimental.pallas import tpu_sc as plsc

N_USERS = 1000000
N_ITEMS = 1000000
EMB_DIM = 64
BATCH = 16384

_INFO = plsc.get_sparse_core_info()
_NC = _INFO.num_cores
_NS = _INFO.num_subcores
_NW = _NC * _NS
_B_PER_W = BATCH // _NW
_W_FLAT = _B_PER_W * EMB_DIM

_WINDOW = 32

_PARAMS = pltpu.CompilerParams(needs_layout_passes=False)
_MESH = plsc.VectorSubcoreMesh(core_axis_name="c", subcore_axis_name="s")


def _gather_body(idx_hbm, tab_hbm, out_hbm, idx_v, rows, sem):
    wid = lax.axis_index("s") * _NC + lax.axis_index("c")
    base = wid * _B_PER_W

    pltpu.sync_copy(idx_hbm.at[pl.ds(base, _B_PER_W)], idx_v)

    def fchunk(c, carry):
        def fire(r, carry2):
            ridx = plsc.load_gather(
                idx_v, [jnp.full((16,), r, jnp.int32)])[0]
            pltpu.async_copy(tab_hbm.at[ridx], rows.at[r], sem)
            return carry2

        lax.fori_loop(c * 16, (c + 1) * 16, fire, 0)

        @pl.when(c >= 2)
        def _():
            pltpu.make_async_copy(
                tab_hbm.at[pl.ds(0, 16), :],
                rows.at[pl.ds((c - 2) * 16, 16)], sem).wait()
        return carry

    lax.fori_loop(0, _B_PER_W // 16, fchunk, 0)

    def fdrain(c, carry):
        pltpu.make_async_copy(tab_hbm.at[pl.ds(0, 16), :],
                              rows.at[pl.ds(c * 16, 16)], sem).wait()
        return carry

    lax.fori_loop(_B_PER_W // 16 - 2, _B_PER_W // 16, fdrain, 0)

    def store(r, carry):
        @pl.when(r >= _WINDOW)
        def _():
            r0 = r - _WINDOW
            pltpu.make_async_copy(
                rows.at[r0],
                out_hbm.at[pl.ds((base + r0) * EMB_DIM, EMB_DIM)],
                sem).wait()
        pltpu.async_copy(
            rows.at[r],
            out_hbm.at[pl.ds((base + r) * EMB_DIM, EMB_DIM)], sem)
        return carry

    lax.fori_loop(0, _B_PER_W, store, 0)

    def sdrain(r, carry):
        pltpu.make_async_copy(
            rows.at[r],
            out_hbm.at[pl.ds((base + r) * EMB_DIM, EMB_DIM)], sem).wait()
        return carry

    lax.fori_loop(_B_PER_W - _WINDOW, _B_PER_W, sdrain, 0)


def _dot_body(idx_hbm, tab_hbm, ue_hbm, out_hbm,
              idx_v, rows_u, rows_i, out_v, sem_u, sem_i):
    wid = lax.axis_index("s") * _NC + lax.axis_index("c")
    base = wid * _B_PER_W

    pltpu.sync_copy(idx_hbm.at[pl.ds(base, _B_PER_W)], idx_v)

    cp_u = pltpu.async_copy(ue_hbm.at[pl.ds(base * EMB_DIM, _W_FLAT)],
                            rows_u, sem_u)
    cp_u.wait()

    lane = lax.iota(jnp.int32, 16)

    def group(g):
        row0 = g * 16
        rows16 = row0 + lane
        flat16 = rows16 * EMB_DIM
        acc = jnp.zeros((16,), jnp.float32)
        for k in range(EMB_DIM):
            kk = jnp.full((16,), k, jnp.int32)
            uv = plsc.load_gather(rows_u, [flat16 + k])
            iv = plsc.load_gather(rows_i, [rows16, kk])
            acc = acc + uv * iv
        out_v[pl.ds(row0, 16)] = acc

    def fchunk(c, carry):
        def fire(r, carry2):
            ridx = plsc.load_gather(
                idx_v, [jnp.full((16,), r, jnp.int32)])[0]
            pltpu.async_copy(tab_hbm.at[ridx], rows_i.at[r], sem_i)
            return carry2

        lax.fori_loop(c * 16, (c + 1) * 16, fire, 0)

        @pl.when(c >= 2)
        def _():
            pltpu.make_async_copy(
                tab_hbm.at[pl.ds(0, 16), :],
                rows_i.at[pl.ds((c - 2) * 16, 16)], sem_i).wait()
            group(c - 2)
        return carry

    lax.fori_loop(0, _B_PER_W // 16, fchunk, 0)

    def fdrain(c, carry):
        pltpu.make_async_copy(tab_hbm.at[pl.ds(0, 16), :],
                              rows_i.at[pl.ds(c * 16, 16)], sem_i).wait()
        group(c)
        return carry

    lax.fori_loop(_B_PER_W // 16 - 2, _B_PER_W // 16, fdrain, 0)

    pltpu.sync_copy(out_v, out_hbm.at[pl.ds(base, _B_PER_W)])


@jax.jit
def _mf_sc(u, i, user_table, item_table):
    k_gather = pl.kernel(
        _gather_body,
        mesh=_MESH,
        out_type=jax.ShapeDtypeStruct((BATCH * EMB_DIM,), jnp.float32),
        scratch_types=[
            pltpu.VMEM((_B_PER_W,), jnp.int32),
            pltpu.VMEM((_B_PER_W, EMB_DIM), jnp.float32),
            pltpu.SemaphoreType.DMA,
        ],
        compiler_params=_PARAMS,
    )
    ue = k_gather(u, user_table)

    k_dot = pl.kernel(
        _dot_body,
        mesh=_MESH,
        out_type=jax.ShapeDtypeStruct((BATCH,), jnp.float32),
        scratch_types=[
            pltpu.VMEM((_B_PER_W,), jnp.int32),
            pltpu.VMEM((_W_FLAT,), jnp.float32),
            pltpu.VMEM((_B_PER_W, EMB_DIM), jnp.float32),
            pltpu.VMEM((_B_PER_W,), jnp.float32),
            pltpu.SemaphoreType.DMA,
            pltpu.SemaphoreType.DMA,
        ],
        compiler_params=_PARAMS,
    )
    return k_dot(i, item_table, ue)


def kernel(u, i, user_table, item_table):
    return _mf_sc(u, i, user_table, item_table)

# --- scband reference (transcript-rebuilt; emitter-appended) ---
"""Pipeline reference for scband-mf-20925080666834 (READ-ONLY COPY).

The authoritative reference and input builder live on the scoring server;
editing this copy changes nothing except your own understanding.
"""

import jax, jax.numpy as jnp
import numpy as np

N_USERS = 1000000
N_ITEMS = 1000000
EMB_DIM = 64
BATCH = 16384


def setup_inputs(seed: int = 0) -> dict:
    key = jax.random.key(seed)
    k_u, k_i, k_ut, k_it = jax.random.split(key, 4)
    u = jax.random.randint(k_u, (BATCH,), 0, N_USERS, dtype=jnp.int64) if jax.config.jax_enable_x64 else jax.random.randint(k_u, (BATCH,), 0, N_USERS, dtype=jnp.int32)
    i = jax.random.randint(k_i, (BATCH,), 0, N_ITEMS, dtype=jnp.int32)
    u = u.astype(jnp.int32)
    user_table = jax.random.normal(k_ut, (N_USERS, EMB_DIM), dtype=jnp.float32)
    item_table = jax.random.normal(k_it, (N_ITEMS, EMB_DIM), dtype=jnp.float32)
    return {"u": u, "i": i, "user_table": user_table, "item_table": item_table}


def reference(u, i, user_table, item_table):
    # MF.forward: (self.user(u) * self.item(i)).sum(1)
    ue = jnp.take(user_table, u, axis=0)  # [B, D] gather
    ie = jnp.take(item_table, i, axis=0)  # [B, D] gather
    return (ue * ie).sum(axis=1)  # [B]

if __name__ == "__main__":
    import jax
    _d = setup_inputs()
    print(jax.jit(kernel)(*tuple(_d.values())))

</pallas_src>

<mosaic_0001>
#map = affine_map<(d0, d1) -> (0)>
#map1 = affine_map<(d0, d1) -> (0, 0)>
module attributes {stable_mosaic.version = 14 : i64} {
  func.func @_gather_body(%arg0: i32, %arg1: i32, %arg2: memref<16384xi32, #tpu.memory_space<hbm>>, %arg3: memref<1000000x64xf32, #tpu.memory_space<hbm>>, %arg4: memref<1048576xf32, #tpu.memory_space<hbm>>, %arg5: memref<512xi32, #tpu.memory_space<vmem>>, %arg6: memref<512x64xf32, #tpu.memory_space<vmem>>, %arg7: memref<!tpu.dma_semaphore, #tpu.memory_space<semaphore_mem>>) attributes {dimension_semantics = [#tpu.dimension_semantics<core_parallel>, #tpu.dimension_semantics<subcore_parallel>], iteration_bounds = array<i64: 2, 16>, scalar_prefetch = 0 : i64, scratch_operands = 3 : i64, tpu.core_type = #tpu.core_type<sc_vector_subcore>, window_params = [{transform_indices = #map}, {transform_indices = #map1}, {transform_indices = #map}]} {
    %mul3A = arith.constant 2 : i32
    %mul3A_0 = arith.muli %arg1, %mul3A : i32
    %add3A = arith.addi %mul3A_0, %arg0 : i32
    %mul3A_1 = arith.constant 512 : i32
    %mul3A_2 = arith.muli %add3A, %mul3A_1 : i32
    "tpu.region"() ({
      %run_scoped3A = tpu.sem_alloc : memref<!tpu.dma_semaphore, #tpu.memory_space<semaphore_mem>>
      %dma_start3A = tpu.memref_slice %arg2[%mul3A_2] : memref<16384xi32, #tpu.memory_space<hbm>> -> memref<512xi32, #tpu.memory_space<hbm>>
      %dma_start3A_26 = tpu.memref_slice %arg2[%mul3A_2] : memref<16384xi32, #tpu.memory_space<hbm>> -> memref<512xi32, #tpu.memory_space<hbm>>
      tpu.enqueue_dma source(%dma_start3A_26 : memref<512xi32, #tpu.memory_space<hbm>>) target(%arg5 : memref<512xi32, #tpu.memory_space<vmem>>) target_semaphore(%run_scoped3A : memref<!tpu.dma_semaphore, #tpu.memory_space<semaphore_mem>>)
      %dma_wait3A = tpu.memref_slice %arg2[%mul3A_2] : memref<16384xi32, #tpu.memory_space<hbm>> -> memref<512xi32, #tpu.memory_space<hbm>>
      %dma_wait3A_27 = tpu.memref_slice %arg2[%mul3A_2] : memref<16384xi32, #tpu.memory_space<hbm>> -> memref<512xi32, #tpu.memory_space<hbm>>
      tpu.wait_dma2 semaphore(%run_scoped3A : memref<!tpu.dma_semaphore, #tpu.memory_space<semaphore_mem>>) src(%dma_wait3A_27 : memref<512xi32, #tpu.memory_space<hbm>>) dst(%arg5 : memref<512xi32, #tpu.memory_space<vmem>>)
      tpu.yield
    }) : () -> ()
    %scan3A = arith.constant 0 : i32
    %scan3A_3 = arith.constant 0 : i32
    %scan3A_4 = arith.constant 32 : i32
    %scan3A_5 = arith.addi %scan3A_3, %scan3A_4 : i32
    %scan3A_6 = arith.constant 1 : i32
    scf.for %scan3A_26 = %scan3A_3 to %scan3A_5 step %scan3A_6  : i32 {
      %mul3A_27 = arith.constant 16 : i32
      %mul3A_28 = arith.muli %scan3A_26, %mul3A_27 : i32
      %add3A_29 = arith.constant 1 : i32
      %add3A_30 = arith.addi %scan3A_26, %add3A_29 : i32
      %mul3A_31 = arith.constant 16 : i32
      %mul3A_32 = arith.muli %add3A_30, %mul3A_31 : i32
      %while3A = arith.constant 0 : i32
      %while3A_33 = arith.subi %mul3A_32, %mul3A_28 : i32
      %while3A_34 = arith.addi %mul3A_28, %while3A_33 : i32
      %while3A_35 = arith.constant 1 : i32
      %while3A_36 = arith.divsi %while3A_33, %while3A_35 : i32
      %while3A_37 = arith.muli %while3A_36, %while3A_35 : i32
      %while3A_38 = arith.addi %mul3A_28, %while3A_37 : i32
      %while3A_39 = arith.constant 1 : i32
      scf.for %while3A_43 = %mul3A_28 to %while3A_38 step %while3A_39  : i32 {
        %broadcast_in_dim3A = vector.broadcast %while3A_43 : i32 to vector<16xi32>
        %gather3A = tpu.vector_load_idx %arg5[%broadcast_in_dim3A] : memref<512xi32, #tpu.memory_space<vmem>>[vector<16xi32>], vector<16xi32>,
        %slice3A = vector.extract_strided_slice %gather3A {offsets = [0], sizes = [1], strides = [1]} : vector<16xi32> to vector<1xi32>
        %squeeze3A = vector.extract %slice3A[0] : i32 from vector<1xi32>
        %dma_start3A = arith.constant 0 : i32
        %dma_start3A_44 = tpu.memref_slice %arg6[%while3A_43, %dma_start3A] : memref<512x64xf32, #tpu.memory_space<vmem>> -> memref<1x64xf32, #tpu.memory_space<vmem>>
        %dma_start3A_45 = tpu.memref_squeeze %dma_start3A_44 : memref<1x64xf32, #tpu.memory_space<vmem>> -> memref<64xf32, #tpu.memory_space<vmem>>
        %dma_start3A_46 = arith.constant 0 : i32
        %dma_start3A_47 = tpu.memref_slice %arg3[%squeeze3A, %dma_start3A_46] : memref<1000000x64xf32, #tpu.memory_space<hbm>> -> memref<1x64xf32, #tpu.memory_space<hbm>>
        %dma_start3A_48 = tpu.memref_squeeze %dma_start3A_47 : memref<1x64xf32, #tpu.memory_space<hbm>> -> memref<64xf32, #tpu.memory_space<hbm>>
        %dma_start3A_49 = arith.constant 0 : i32
        %dma_start3A_50 = tpu.memref_slice %arg6[%while3A_43, %dma_start3A_49] : memref<512x64xf32, #tpu.memory_space<vmem>> -> memref<1x64xf32, #tpu.memory_space<vmem>>
        %dma_start3A_51 = tpu.memref_squeeze %dma_start3A_50 : memref<1x64xf32, #tpu.memory_space<vmem>> -> memref<64xf32, #tpu.memory_space<vmem>>
        %dma_start3A_52 = arith.constant 0 : i32
        %dma_start3A_53 = tpu.memref_slice %arg3[%squeeze3A, %dma_start3A_52] : memref<1000000x64xf32, #tpu.memory_space<hbm>> -> memref<1x64xf32, #tpu.memory_space<hbm>>
        %dma_start3A_54 = tpu.memref_squeeze %dma_start3A_53 : memref<1x64xf32, #tpu.memory_space<hbm>> -> memref<64xf32, #tpu.memory_space<hbm>>
        tpu.enqueue_dma source(%dma_start3A_54 : memref<64xf32, #tpu.memory_space<hbm>>) target(%dma_start3A_51 : memref<64xf32, #tpu.memory_space<vmem>>) target_semaphore(%arg7 : memref<!tpu.dma_semaphore, #tpu.memory_space<semaphore_mem>>)
      }
      %while3A_40 = arith.constant 1 : i32
      scf.for %while3A_43 = %while3A_38 to %while3A_34 step %while3A_40  : i32 {
        %broadcast_in_dim3A = vector.broadcast %while3A_43 : i32 to vector<16xi32>
        %gather3A = tpu.vector_load_idx %arg5[%broadcast_in_dim3A] : memref<512xi32, #tpu.memory_space<vmem>>[vector<16xi32>], vector<16xi32>,
        %slice3A = vector.extract_strided_slice %gather3A {offsets = [0], sizes = [1], strides = [1]} : vector<16xi32> to vector<1xi32>
        %squeeze3A = vector.extract %slice3A[0] : i32 from vector<1xi32>
        %dma_start3A = arith.constant 0 : i32
        %dma_start3A_44 = tpu.memref_slice %arg6[%while3A_43, %dma_start3A] : memref<512x64xf32, #tpu.memory_space<vmem>> -> memref<1x64xf32, #tpu.memory_space<vmem>>
        %dma_start3A_45 = tpu.memref_squeeze %dma_start3A_44 : memref<1x64xf32, #tpu.memory_space<vmem>> -> memref<64xf32, #tpu.memory_space<vmem>>
        %dma_start3A_46 = arith.constant 0 : i32
        %dma_start3A_47 = tpu.memref_slice %arg3[%squeeze3A, %dma_start3A_46] : memref<1000000x64xf32, #tpu.memory_space<hbm>> -> memref<1x64xf32, #tpu.memory_space<hbm>>
        %dma_start3A_48 = tpu.memref_squeeze %dma_start3A_47 : memref<1x64xf32, #tpu.memory_space<hbm>> -> memref<64xf32, #tpu.memory_space<hbm>>
        %dma_start3A_49 = arith.constant 0 : i32
        %dma_start3A_50 = tpu.memref_slice %arg6[%while3A_43, %dma_start3A_49] : memref<512x64xf32, #tpu.memory_space<vmem>> -> memref<1x64xf32, #tpu.memory_space<vmem>>
        %dma_start3A_51 = tpu.memref_squeeze %dma_start3A_50 : memref<1x64xf32, #tpu.memory_space<vmem>> -> memref<64xf32, #tpu.memory_space<vmem>>
        %dma_start3A_52 = arith.constant 0 : i32
        %dma_start3A_53 = tpu.memref_slice %arg3[%squeeze3A, %dma_start3A_52] : memref<1000000x64xf32, #tpu.memory_space<hbm>> -> memref<1x64xf32, #tpu.memory_space<hbm>>
        %dma_start3A_54 = tpu.memref_squeeze %dma_start3A_53 : memref<1x64xf32, #tpu.memory_space<hbm>> -> memref<64xf32, #tpu.memory_space<hbm>>
        tpu.enqueue_dma source(%dma_start3A_54 : memref<64xf32, #tpu.memory_space<hbm>>) target(%dma_start3A_51 : memref<64xf32, #tpu.memory_space<vmem>>) target_semaphore(%arg7 : memref<!tpu.dma_semaphore, #tpu.memory_space<semaphore_mem>>)
      }
      %ge3A = arith.constant 2 : i32
      %ge3A_41 = arith.cmpi sge, %scan3A_26, %ge3A : i32
      %convert_element_type3A = arith.extui %ge3A_41 : i1 to i32
      %cond3A = arith.constant 0 : i32
      %cond3A_42 = arith.cmpi ne, %convert_element_type3A, %cond3A : i32
      scf.if %cond3A_42 {
        %sub3A = arith.constant 2 : i32
        %sub3A_43 = arith.subi %scan3A_26, %sub3A : i32
        %mul3A_44 = arith.constant 16 : i32
        %mul3A_45 = arith.muli %sub3A_43, %mul3A_44 : i32
        %dma_wait3A = arith.constant 0 : i32
        %dma_wait3A_46 = tpu.memref_slice %arg6[%mul3A_45, %dma_wait3A] : memref<512x64xf32, #tpu.memory_space<vmem>> -> memref<16x64xf32, #tpu.memory_space<vmem>>
        %dma_wait3A_47 = arith.constant 0 : i32
        %dma_wait3A_48 = arith.constant 0 : i32
        %dma_wait3A_49 = tpu.memref_slice %arg3[%dma_wait3A_47, %dma_wait3A_48] : memref<1000000x64xf32, #tpu.memory_space<hbm>> -> memref<16x64xf32, #tpu.memory_space<hbm>>
        %dma_wait3A_50 = arith.constant 0 : i32
        %dma_wait3A_51 = tpu.memref_slice %arg6[%mul3A_45, %dma_wait3A_50] : memref<512x64xf32, #tpu.memory_space<vmem>> -> memref<16x64xf32, #tpu.memory_space<vmem>>
        %dma_wait3A_52 = arith.constant 0 : i32
        %dma_wait3A_53 = arith.constant 0 : i32
        %dma_wait3A_54 = tpu.memref_slice %arg3[%dma_wait3A_52, %dma_wait3A_53] : memref<1000000x64xf32, #tpu.memory_space<hbm>> -> memref<16x64xf32, #tpu.memory_space<hbm>>
        tpu.wait_dma2 semaphore(%arg7 : memref<!tpu.dma_semaphore, #tpu.memory_space<semaphore_mem>>) src(%dma_wait3A_54 : memref<16x64xf32, #tpu.memory_space<hbm>>) dst(%dma_wait3A_51 : memref<16x64xf32, #tpu.memory_space<vmem>>)
      } else {
      }
    }
    %scan3A_7 = arith.constant 32 : i32
    %scan3A_8 = arith.constant 0 : i32
    %scan3A_9 = arith.constant 30 : i32
    %scan3A_10 = arith.constant 2 : i32
    %scan3A_11 = arith.addi %scan3A_9, %scan3A_10 : i32
    %scan3A_12 = arith.constant 1 : i32
    scf.for %scan3A_26 = %scan3A_9 to %scan3A_11 step %scan3A_12  : i32 {
      %mul3A_27 = arith.constant 16 : i32
      %mul3A_28 = arith.muli %scan3A_26, %mul3A_27 : i32
      %dma_wait3A = arith.constant 0 : i32
      %dma_wait3A_29 = tpu.memref_slice %arg6[%mul3A_28, %dma_wait3A] : memref<512x64xf32, #tpu.memory_space<vmem>> -> memref<16x64xf32, #tpu.memory_space<vmem>>
      %dma_wait3A_30 = arith.constant 0 : i32
      %dma_wait3A_31 = arith.constant 0 : i32
      %dma_wait3A_32 = tpu.memref_slice %arg3[%dma_wait3A_30, %dma_wait3A_31] : memref<1000000x64xf32, #tpu.memory_space<hbm>> -> memref<16x64xf32, #tpu.memory_space<hbm>>
      %dma_wait3A_33 = arith.constant 0 : i32
      %dma_wait3A_34 = tpu.memref_slice %arg6[%mul3A_28, %dma_wait3A_33] : memref<512x64xf32, #tpu.memory_space<vmem>> -> memref<16x64xf32, #tpu.memory_space<vmem>>
      %dma_wait3A_35 = arith.constant 0 : i32
      %dma_wait3A_36 = arith.constant 0 : i32
      %dma_wait3A_37 = tpu.memref_slice %arg3[%dma_wait3A_35, %dma_wait3A_36] : memref<1000000x64xf32, #tpu.memory_space<hbm>> -> memref<16x64xf32, #tpu.memory_space<hbm>>
      tpu.wait_dma2 semaphore(%arg7 : memref<!tpu.dma_semaphore, #tpu.memory_space<semaphore_mem>>) src(%dma_wait3A_37 : memref<16x64xf32, #tpu.memory_space<hbm>>) dst(%dma_wait3A_34 : memref<16x64xf32, #tpu.memory_space<vmem>>)
    }
    %scan3A_13 = arith.constant 2 : i32
    %scan3A_14 = arith.constant 0 : i32
    %scan3A_15 = arith.constant 0 : i32
    %scan3A_16 = arith.constant 512 : i32
    %scan3A_17 = arith.addi %scan3A_15, %scan3A_16 : i32
    %scan3A_18 = arith.constant 1 : i32
    scf.for %scan3A_26 = %scan3A_15 to %scan3A_17 step %scan3A_18  : i32 {
      %ge3A = arith.constant 32 : i32
      %ge3A_27 = arith.cmpi sge, %scan3A_26, %ge3A : i32
      %convert_element_type3A = arith.extui %ge3A_27 : i1 to i32
      %cond3A = arith.constant 0 : i32
      %cond3A_28 = arith.cmpi ne, %convert_element_type3A, %cond3A : i32
      scf.if %cond3A_28 {
        %sub3A = arith.constant 32 : i32
        %sub3A_39 = arith.subi %scan3A_26, %sub3A : i32
        %add3A_40 = arith.addi %mul3A_2, %sub3A_39 : i32
        %mul3A_41 = arith.constant 64 : i32
        %mul3A_42 = arith.muli %add3A_40, %mul3A_41 : i32
        %dma_wait3A = arith.constant 0 : i32
        %dma_wait3A_43 = tpu.memref_slice %arg6[%sub3A_39, %dma_wait3A] : memref<512x64xf32, #tpu.memory_space<vmem>> -> memref<1x64xf32, #tpu.memory_space<vmem>>
        %dma_wait3A_44 = tpu.memref_squeeze %dma_wait3A_43 : memref<1x64xf32, #tpu.memory_space<vmem>> -> memref<64xf32, #tpu.memory_space<vmem>>
        %dma_wait3A_45 = tpu.memref_slice %arg4[%mul3A_42] : memref<1048576xf32, #tpu.memory_space<hbm>> -> memref<64xf32, #tpu.memory_space<hbm>>
        %dma_wait3A_46 = tpu.memref_slice %arg4[%mul3A_42] : memref<1048576xf32, #tpu.memory_space<hbm>> -> memref<64xf32, #tpu.memory_space<hbm>>
        %dma_wait3A_47 = arith.constant 0 : i32
        %dma_wait3A_48 = tpu.memref_slice %arg6[%sub3A_39, %dma_wait3A_47] : memref<512x64xf32, #tpu.memory_space<vmem>> -> memref<1x64xf32, #tpu.memory_space<vmem>>
        %dma_wait3A_49 = tpu.memref_squeeze %dma_wait3A_48 : memref<1x64xf32, #tpu.memory_space<vmem>> -> memref<64xf32, #tpu.memory_space<vmem>>
        tpu.wait_dma2 semaphore(%arg7 : memref<!tpu.dma_semaphore, #tpu.memory_space<semaphore_mem>>) src(%dma_wait3A_49 : memref<64xf32, #tpu.memory_space<vmem>>) dst(%dma_wait3A_46 : memref<64xf32, #tpu.memory_space<hbm>>)
      } else {
      }
      %add3A_29 = arith.addi %mul3A_2, %scan3A_26 : i32
      %mul3A_30 = arith.constant 64 : i32
      %mul3A_31 = arith.muli %add3A_29, %mul3A_30 : i32
      %dma_start3A = arith.constant 0 : i32
      %dma_start3A_32 = tpu.memref_slice %arg6[%scan3A_26, %dma_start3A] : memref<512x64xf32, #tpu.memory_space<vmem>> -> memref<1x64xf32, #tpu.memory_space<vmem>>
      %dma_start3A_33 = tpu.memref_squeeze %dma_start3A_32 : memref<1x64xf32, #tpu.memory_space<vmem>> -> memref<64xf32, #tpu.memory_space<vmem>>
      %dma_start3A_34 = tpu.memref_slice %arg4[%mul3A_31] : memref<1048576xf32, #tpu.memory_space<hbm>> -> memref<64xf32, #tpu.memory_space<hbm>>
      %dma_start3A_35 = tpu.memref_slice %arg4[%mul3A_31] : memref<1048576xf32, #tpu.memory_space<hbm>> -> memref<64xf32, #tpu.memory_space<hbm>>
      %dma_start3A_36 = arith.constant 0 : i32
      %dma_start3A_37 = tpu.memref_slice %arg6[%scan3A_26, %dma_start3A_36] : memref<512x64xf32, #tpu.memory_space<vmem>> -> memref<1x64xf32, #tpu.memory_space<vmem>>
      %dma_start3A_38 = tpu.memref_squeeze %dma_start3A_37 : memref<1x64xf32, #tpu.memory_space<vmem>> -> memref<64xf32, #tpu.memory_space<vmem>>
      tpu.enqueue_dma source(%dma_start3A_38 : memref<64xf32, #tpu.memory_space<vmem>>) target(%dma_start3A_35 : memref<64xf32, #tpu.memory_space<hbm>>) target_semaphore(%arg7 : memref<!tpu.dma_semaphore, #tpu.memory_space<semaphore_mem>>)
    }
    %scan3A_19 = arith.constant 512 : i32
    %scan3A_20 = arith.constant 0 : i32
    %scan3A_21 = arith.constant 480 : i32
    %scan3A_22 = arith.constant 32 : i32
    %scan3A_23 = arith.addi %scan3A_21, %scan3A_22 : i32
    %scan3A_24 = arith.constant 1 : i32
    scf.for %scan3A_26 = %scan3A_21 to %scan3A_23 step %scan3A_24  : i32 {
      %add3A_27 = arith.addi %mul3A_2, %scan3A_26 : i32
      %mul3A_28 = arith.constant 64 : i32
      %mul3A_29 = arith.muli %add3A_27, %mul3A_28 : i32
      %dma_wait3A = arith.constant 0 : i32
      %dma_wait3A_30 = tpu.memref_slice %arg6[%scan3A_26, %dma_wait3A] : memref<512x64xf32, #tpu.memory_space<vmem>> -> memref<1x64xf32, #tpu.memory_space<vmem>>
      %dma_wait3A_31 = tpu.memref_squeeze %dma_wait3A_30 : memref<1x64xf32, #tpu.memory_space<vmem>> -> memref<64xf32, #tpu.memory_space<vmem>>
      %dma_wait3A_32 = tpu.memref_slice %arg4[%mul3A_29] : memref<1048576xf32, #tpu.memory_space<hbm>> -> memref<64xf32, #tpu.memory_space<hbm>>
      %dma_wait3A_33 = tpu.memref_slice %arg4[%mul3A_29] : memref<1048576xf32, #tpu.memory_space<hbm>> -> memref<64xf32, #tpu.memory_space<hbm>>
      %dma_wait3A_34 = arith.constant 0 : i32
      %dma_wait3A_35 = tpu.memref_slice %arg6[%scan3A_26, %dma_wait3A_34] : memref<512x64xf32, #tpu.memory_space<vmem>> -> memref<1x64xf32, #tpu.memory_space<vmem>>
      %dma_wait3A_36 = tpu.memref_squeeze %dma_wait3A_35 : memref<1x64xf32, #tpu.memory_space<vmem>> -> memref<64xf32, #tpu.memory_space<vmem>>
      tpu.wait_dma2 semaphore(%arg7 : memref<!tpu.dma_semaphore, #tpu.memory_space<semaphore_mem>>) src(%dma_wait3A_36 : memref<64xf32, #tpu.memory_space<vmem>>) dst(%dma_wait3A_33 : memref<64xf32, #tpu.memory_space<hbm>>)
    }
    %scan3A_25 = arith.constant 32 : i32
    return
  }
}

#map = affine_map<(d0, d1) -> (0)>
#map1 = affine_map<(d0, d1) -> (0, 0)>
module attributes {stable_mosaic.version = 14 : i64} {
  func.func @_dot_body(%arg0: i32, %arg1: i32, %arg2: memref<16384xi32, #tpu.memory_space<hbm>>, %arg3: memref<1000000x64xf32, #tpu.memory_space<hbm>>, %arg4: memref<1048576xf32, #tpu.memory_space<hbm>>, %arg5: memref<16384xf32, #tpu.memory_space<hbm>>, %arg6: memref<512xi32, #tpu.memory_space<vmem>>, %arg7: memref<32768xf32, #tpu.memory_space<vmem>>, %arg8: memref<512x64xf32, #tpu.memory_space<vmem>>, %arg9: memref<512xf32, #tpu.memory_space<vmem>>, %arg10: memref<!tpu.dma_semaphore, #tpu.memory_space<semaphore_mem>>, %arg11: memref<!tpu.dma_semaphore, #tpu.memory_space<semaphore_mem>>) attributes {dimension_semantics = [#tpu.dimension_semantics<core_parallel>, #tpu.dimension_semantics<subcore_parallel>], iteration_bounds = array<i64: 2, 16>, scalar_prefetch = 0 : i64, scratch_operands = 6 : i64, tpu.core_type = #tpu.core_type<sc_vector_subcore>, window_params = [{transform_indices = #map}, {transform_indices = #map1}, {transform_indices = #map}, {transform_indices = #map}]} {
    %mul3A = arith.constant 2 : i32
    %mul3A_0 = arith.muli %arg1, %mul3A : i32
    %add3A = arith.addi %mul3A_0, %arg0 : i32
    %mul3A_1 = arith.constant 512 : i32
    %mul3A_2 = arith.muli %add3A, %mul3A_1 : i32
    "tpu.region"() ({
      %run_scoped3A = tpu.sem_alloc : memref<!tpu.dma_semaphore, #tpu.memory_space<semaphore_mem>>
      %dma_start3A_18 = tpu.memref_slice %arg2[%mul3A_2] : memref<16384xi32, #tpu.memory_space<hbm>> -> memref<512xi32, #tpu.memory_space<hbm>>
      %dma_start3A_19 = tpu.memref_slice %arg2[%mul3A_2] : memref<16384xi32, #tpu.memory_space<hbm>> -> memref<512xi32, #tpu.memory_space<hbm>>
      tpu.enqueue_dma source(%dma_start3A_19 : memref<512xi32, #tpu.memory_space<hbm>>) target(%arg6 : memref<512xi32, #tpu.memory_space<vmem>>) target_semaphore(%run_scoped3A : memref<!tpu.dma_semaphore, #tpu.memory_space<semaphore_mem>>)
      %dma_wait3A_20 = tpu.memref_slice %arg2[%mul3A_2] : memref<16384xi32, #tpu.memory_space<hbm>> -> memref<512xi32, #tpu.memory_space<hbm>>
      %dma_wait3A_21 = tpu.memref_slice %arg2[%mul3A_2] : memref<16384xi32, #tpu.memory_space<hbm>> -> memref<512xi32, #tpu.memory_space<hbm>>
      tpu.wait_dma2 semaphore(%run_scoped3A : memref<!tpu.dma_semaphore, #tpu.memory_space<semaphore_mem>>) src(%dma_wait3A_21 : memref<512xi32, #tpu.memory_space<hbm>>) dst(%arg6 : memref<512xi32, #tpu.memory_space<vmem>>)
      tpu.yield
    }) : () -> ()
    %mul3A_3 = arith.constant 64 : i32
    %mul3A_4 = arith.muli %mul3A_2, %mul3A_3 : i32
    %dma_start3A = tpu.memref_slice %arg4[%mul3A_4] : memref<1048576xf32, #tpu.memory_space<hbm>> -> memref<32768xf32, #tpu.memory_space<hbm>>
    %dma_start3A_5 = tpu.memref_slice %arg4[%mul3A_4] : memref<1048576xf32, #tpu.memory_space<hbm>> -> memref<32768xf32, #tpu.memory_space<hbm>>
    tpu.enqueue_dma source(%dma_start3A_5 : memref<32768xf32, #tpu.memory_space<hbm>>) target(%arg7 : memref<32768xf32, #tpu.memory_space<vmem>>) target_semaphore(%arg10 : memref<!tpu.dma_semaphore, #tpu.memory_space<semaphore_mem>>)
    %dma_wait3A = tpu.memref_slice %arg4[%mul3A_4] : memref<1048576xf32, #tpu.memory_space<hbm>> -> memref<32768xf32, #tpu.memory_space<hbm>>
    %dma_wait3A_6 = tpu.memref_slice %arg4[%mul3A_4] : memref<1048576xf32, #tpu.memory_space<hbm>> -> memref<32768xf32, #tpu.memory_space<hbm>>
    tpu.wait_dma2 semaphore(%arg10 : memref<!tpu.dma_semaphore, #tpu.memory_space<semaphore_mem>>) src(%dma_wait3A_6 : memref<32768xf32, #tpu.memory_space<hbm>>) dst(%arg7 : memref<32768xf32, #tpu.memory_space<vmem>>)
    %iota3A = tpu.iota {dimensions = array<i32: 0>} : vector<16xi32>
    %scan3A = arith.constant 0 : i32
    %scan3A_7 = arith.constant 0 : i32
    %scan3A_8 = arith.constant 32 : i32
    %scan3A_9 = arith.addi %scan3A_7, %scan3A_8 : i32
    %scan3A_10 = arith.constant 1 : i32
    scf.for %scan3A_18 = %scan3A_7 to %scan3A_9 step %scan3A_10  : i32 {
      %mul3A_19 = arith.constant 16 : i32
      %mul3A_20 = arith.muli %scan3A_18, %mul3A_19 : i32
      %add3A_21 = arith.constant 1 : i32
      %add3A_22 = arith.addi %scan3A_18, %add3A_21 : i32
      %mul3A_23 = arith.constant 16 : i32
      %mul3A_24 = arith.muli %add3A_22, %mul3A_23 : i32
      %while3A = arith.constant 0 : i32
      %while3A_25 = arith.subi %mul3A_24, %mul3A_20 : i32
      %while3A_26 = arith.addi %mul3A_20, %while3A_25 : i32
      %while3A_27 = arith.constant 1 : i32
      %while3A_28 = arith.divsi %while3A_25, %while3A_27 : i32
      %while3A_29 = arith.muli %while3A_28, %while3A_27 : i32
      %while3A_30 = arith.addi %mul3A_20, %while3A_29 : i32
      %while3A_31 = arith.constant 1 : i32
      scf.for %while3A_35 = %mul3A_20 to %while3A_30 step %while3A_31  : i32 {
        %broadcast_in_dim3A = vector.broadcast %while3A_35 : i32 to vector<16xi32>
        %gather3A = tpu.vector_load_idx %arg6[%broadcast_in_dim3A] : memref<512xi32, #tpu.memory_space<vmem>>[vector<16xi32>], vector<16xi32>,
        %slice3A = vector.extract_strided_slice %gather3A {offsets = [0], sizes = [1], strides = [1]} : vector<16xi32> to vector<1xi32>
        %squeeze3A = vector.extract %slice3A[0] : i32 from vector<1xi32>
        %dma_start3A_36 = arith.constant 0 : i32
        %dma_start3A_37 = tpu.memref_slice %arg8[%while3A_35, %dma_start3A_36] : memref<512x64xf32, #tpu.memory_space<vmem>> -> memref<1x64xf32, #tpu.memory_space<vmem>>
        %dma_start3A_38 = tpu.memref_squeeze %dma_start3A_37 : memref<1x64xf32, #tpu.memory_space<vmem>> -> memref<64xf32, #tpu.memory_space<vmem>>
        %dma_start3A_39 = arith.constant 0 : i32
        %dma_start3A_40 = tpu.memref_slice %arg3[%squeeze3A, %dma_start3A_39] : memref<1000000x64xf32, #tpu.memory_space<hbm>> -> memref<1x64xf32, #tpu.memory_space<hbm>>
        %dma_start3A_41 = tpu.memref_squeeze %dma_start3A_40 : memref<1x64xf32, #tpu.memory_space<hbm>> -> memref<64xf32, #tpu.memory_space<hbm>>
        %dma_start3A_42 = arith.constant 0 : i32
        %dma_start3A_43 = tpu.memref_slice %arg8[%while3A_35, %dma_start3A_42] : memref<512x64xf32, #tpu.memory_space<vmem>> -> memref<1x64xf32, #tpu.memory_space<vmem>>
        %dma_start3A_44 = tpu.memref_squeeze %dma_start3A_43 : memref<1x64xf32, #tpu.memory_space<vmem>> -> memref<64xf32, #tpu.memory_space<vmem>>
        %dma_start3A_45 = arith.constant 0 : i32
        %dma_start3A_46 = tpu.memref_slice %arg3[%squeeze3A, %dma_start3A_45] : memref<1000000x64xf32, #tpu.memory_space<hbm>> -> memref<1x64xf32, #tpu.memory_space<hbm>>
        %dma_start3A_47 = tpu.memref_squeeze %dma_start3A_46 : memref<1x64xf32, #tpu.memory_space<hbm>> -> memref<64xf32, #tpu.memory_space<hbm>>
        tpu.enqueue_dma source(%dma_start3A_47 : memref<64xf32, #tpu.memory_space<hbm>>) target(%dma_start3A_44 : memref<64xf32, #tpu.memory_space<vmem>>) target_semaphore(%arg11 : memref<!tpu.dma_semaphore, #tpu.memory_space<semaphore_mem>>)
      }
      %while3A_32 = arith.constant 1 : i32
      scf.for %while3A_35 = %while3A_30 to %while3A_26 step %while3A_32  : i32 {
        %broadcast_in_dim3A = vector.broadcast %while3A_35 : i32 to vector<16xi32>
        %gather3A = tpu.vector_load_idx %arg6[%broadcast_in_dim3A] : memref<512xi32, #tpu.memory_space<vmem>>[vector<16xi32>], vector<16xi32>,
        %slice3A = vector.extract_strided_slice %gather3A {offsets = [0], sizes = [1], strides = [1]} : vector<16xi32> to vector<1xi32>
        %squeeze3A = vector.extract %slice3A[0] : i32 from vector<1xi32>
        %dma_start3A_36 = arith.constant 0 : i32
        %dma_start3A_37 = tpu.memref_slice %arg8[%while3A_35, %dma_start3A_36] : memref<512x64xf32, #tpu.memory_space<vmem>> -> memref<1x64xf32, #tpu.memory_space<vmem>>
        %dma_start3A_38 = tpu.memref_squeeze %dma_start3A_37 : memref<1x64xf32, #tpu.memory_space<vmem>> -> memref<64xf32, #tpu.memory_space<vmem>>
        %dma_start3A_39 = arith.constant 0 : i32
        %dma_start3A_40 = tpu.memref_slice %arg3[%squeeze3A, %dma_start3A_39] : memref<1000000x64xf32, #tpu.memory_space<hbm>> -> memref<1x64xf32, #tpu.memory_space<hbm>>
        %dma_start3A_41 = tpu.memref_squeeze %dma_start3A_40 : memref<1x64xf32, #tpu.memory_space<hbm>> -> memref<64xf32, #tpu.memory_space<hbm>>
        %dma_start3A_42 = arith.constant 0 : i32
        %dma_start3A_43 = tpu.memref_slice %arg8[%while3A_35, %dma_start3A_42] : memref<512x64xf32, #tpu.memory_space<vmem>> -> memref<1x64xf32, #tpu.memory_space<vmem>>
        %dma_start3A_44 = tpu.memref_squeeze %dma_start3A_43 : memref<1x64xf32, #tpu.memory_space<vmem>> -> memref<64xf32, #tpu.memory_space<vmem>>
        %dma_start3A_45 = arith.constant 0 : i32
        %dma_start3A_46 = tpu.memref_slice %arg3[%squeeze3A, %dma_start3A_45] : memref<1000000x64xf32, #tpu.memory_space<hbm>> -> memref<1x64xf32, #tpu.memory_space<hbm>>
        %dma_start3A_47 = tpu.memref_squeeze %dma_start3A_46 : memref<1x64xf32, #tpu.memory_space<hbm>> -> memref<64xf32, #tpu.memory_space<hbm>>
        tpu.enqueue_dma source(%dma_start3A_47 : memref<64xf32, #tpu.memory_space<hbm>>) target(%dma_start3A_44 : memref<64xf32, #tpu.memory_space<vmem>>) target_semaphore(%arg11 : memref<!tpu.dma_semaphore, #tpu.memory_space<semaphore_mem>>)
      }
      %ge3A = arith.constant 2 : i32
      %ge3A_33 = arith.cmpi sge, %scan3A_18, %ge3A : i32
      %convert_element_type3A = arith.extui %ge3A_33 : i1 to i32
      %cond3A = arith.constant 0 : i32
      %cond3A_34 = arith.cmpi ne, %convert_element_type3A, %cond3A : i32
      scf.if %cond3A_34 {
        %sub3A = arith.constant 2 : i32
        %sub3A_35 = arith.subi %scan3A_18, %sub3A : i32
        %mul3A_36 = arith.constant 16 : i32
        %mul3A_37 = arith.muli %sub3A_35, %mul3A_36 : i32
        %dma_wait3A_38 = arith.constant 0 : i32
        %dma_wait3A_39 = tpu.memref_slice %arg8[%mul3A_37, %dma_wait3A_38] : memref<512x64xf32, #tpu.memory_space<vmem>> -> memref<16x64xf32, #tpu.memory_space<vmem>>
        %dma_wait3A_40 = arith.constant 0 : i32
        %dma_wait3A_41 = arith.constant 0 : i32
        %dma_wait3A_42 = tpu.memref_slice %arg3[%dma_wait3A_40, %dma_wait3A_41] : memref<1000000x64xf32, #tpu.memory_space<hbm>> -> memref<16x64xf32, #tpu.memory_space<hbm>>
        %dma_wait3A_43 = arith.constant 0 : i32
        %dma_wait3A_44 = tpu.memref_slice %arg8[%mul3A_37, %dma_wait3A_43] : memref<512x64xf32, #tpu.memory_space<vmem>> -> memref<16x64xf32, #tpu.memory_space<vmem>>
        %dma_wait3A_45 = arith.constant 0 : i32
        %dma_wait3A_46 = arith.constant 0 : i32
        %dma_wait3A_47 = tpu.memref_slice %arg3[%dma_wait3A_45, %dma_wait3A_46] : memref<1000000x64xf32, #tpu.memory_space<hbm>> -> memref<16x64xf32, #tpu.memory_space<hbm>>
        tpu.wait_dma2 semaphore(%arg11 : memref<!tpu.dma_semaphore, #tpu.memory_space<semaphore_mem>>) src(%dma_wait3A_47 : memref<16x64xf32, #tpu.memory_space<hbm>>) dst(%dma_wait3A_44 : memref<16x64xf32, #tpu.memory_space<vmem>>)
        %sub3A_48 = arith.constant 2 : i32
        %sub3A_49 = arith.subi %scan3A_18, %sub3A_48 : i32
        %mul3A_50 = arith.constant 16 : i32
        %mul3A_51 = arith.muli %sub3A_49, %mul3A_50 : i32
        %add3A_52 = vector.broadcast %mul3A_51 : i32 to vector<16xi32>
        %add3A_53 = arith.addi %add3A_52, %iota3A : vector<16xi32>
        %mul3A_54 = arith.constant 64 : i32
        %mul3A_55 = vector.broadcast %mul3A_54 : i32 to vector<16xi32>
        %mul3A_56 = arith.muli %add3A_53, %mul3A_55 : vector<16xi32>
        %broadcast_in_dim3A = arith.constant 0.000000e+00 : f32
        %broadcast_in_dim3A_57 = vector.broadcast %broadcast_in_dim3A : f32 to vector<16xf32>
        %broadcast_in_dim3A_58 = arith.constant 0 : i32
        %broadcast_in_dim3A_59 = vector.broadcast %broadcast_in_dim3A_58 : i32 to vector<16xi32>
        %add3A_60 = arith.constant 0 : i32
        %add3A_61 = vector.broadcast %add3A_60 : i32 to vector<16xi32>
        %add3A_62 = arith.addi %mul3A_56, %add3A_61 : vector<16xi32>
        %gather3A = tpu.vector_load_idx %arg7[%add3A_62] : memref<32768xf32, #tpu.memory_space<vmem>>[vector<16xi32>], vector<16xf32>,
        %gather3A_63 = tpu.vector_load_idx %arg8[%add3A_53, %broadcast_in_dim3A_59] : memref<512x64xf32, #tpu.memory_space<vmem>>[vector<16xi32>, vector<16xi32>], vector<16xf32>,
        %mul3A_64 = arith.mulf %gather3A, %gather3A_63 : vector<16xf32>
        %add3A_65 = arith.addf %broadcast_in_dim3A_57, %mul3A_64 : vector<16xf32>
        %broadcast_in_dim3A_66 = arith.constant 1 : i32
        %broadcast_in_dim3A_67 = vector.broadcast %broadcast_in_dim3A_66 : i32 to vector<16xi32>
        %add3A_68 = arith.constant 1 : i32
        %add3A_69 = vector.broadcast %add3A_68 : i32 to vector<16xi32>
        %add3A_70 = arith.addi %mul3A_56, %add3A_69 : vector<16xi32>
        %gather3A_71 = tpu.vector_load_idx %arg7[%add3A_70] : memref<32768xf32, #tpu.memory_space<vmem>>[vector<16xi32>], vector<16xf32>,
        %gather3A_72 = tpu.vector_load_idx %arg8[%add3A_53, %broadcast_in_dim3A_67] : memref<512x64xf32, #tpu.memory_space<vmem>>[vector<16xi32>, vector<16xi32>], vector<16xf32>,
        %mul3A_73 = arith.mulf %gather3A_71, %gather3A_72 : vector<16xf32>
        %add3A_74 = arith.addf %add3A_65, %mul3A_73 : vector<16xf32>
        %broadcast_in_dim3A_75 = arith.constant 2 : i32
        %broadcast_in_dim3A_76 = vector.broadcast %broadcast_in_dim3A_75 : i32 to vector<16xi32>
        %add3A_77 = arith.constant 2 : i32
        %add3A_78 = vector.broadcast %add3A_77 : i32 to vector<16xi32>
        %add3A_79 = arith.addi %mul3A_56, %add3A_78 : vector<16xi32>
        %gather3A_80 = tpu.vector_load_idx %arg7[%add3A_79] : memref<32768xf32, #tpu.memory_space<vmem>>[vector<16xi32>], vector<16xf32>,
        %gather3A_81 = tpu.vector_load_idx %arg8[%add3A_53, %broadcast_in_dim3A_76] : memref<512x64xf32, #tpu.memory_space<vmem>>[vector<16xi32>, vector<16xi32>], vector<16xf32>,
        %mul3A_82 = arith.mulf %gather3A_80, %gather3A_81 : vector<16xf32>
        %add3A_83 = arith.addf %add3A_74, %mul3A_82 : vector<16xf32>
        %broadcast_in_dim3A_84 = arith.constant 3 : i32
        %broadcast_in_dim3A_85 = vector.broadcast %broadcast_in_dim3A_84 : i32 to vector<16xi32>
        %add3A_86 = arith.constant 3 : i32
        %add3A_87 = vector.broadcast %add3A_86 : i32 to vector<16xi32>
        %add3A_88 = arith.addi %mul3A_56, %add3A_87 : vector<16xi32>
        %gather3A_89 = tpu.vector_load_idx %arg7[%add3A_88] : memref<32768xf32, #tpu.memory_space<vmem>>[vector<16xi32>], vector<16xf32>,
        %gather3A_90 = tpu.vector_load_idx %arg8[%add3A_53, %broadcast_in_dim3A_85] : memref<512x64xf32, #tpu.memory_space<vmem>>[vector<16xi32>, vector<16xi32>], vector<16xf32>,
        %mul3A_91 = arith.mulf %gather3A_89, %gather3A_90 : vector<16xf32>
        %add3A_92 = arith.addf %add3A_83, %mul3A_91 : vector<16xf32>
        %broadcast_in_dim3A_93 = arith.constant 4 : i32
        %broadcast_in_dim3A_94 = vector.broadcast %broadcast_in_dim3A_93 : i32 to vector<16xi32>
        %add3A_95 = arith.constant 4 : i32
        %add3A_96 = vector.broadcast %add3A_95 : i32 to vector<16xi32>
        %add3A_97 = arith.addi %mul3A_56, %add3A_96 : vector<16xi32>
        %gather3A_98 = tpu.vector_load_idx %arg7[%add3A_97] : memref<32768xf32, #tpu.memory_space<vmem>>[vector<16xi32>], vector<16xf32>,
        %gather3A_99 = tpu.vector_load_idx %arg8[%add3A_53, %broadcast_in_dim3A_94] : memref<512x64xf32, #tpu.memory_space<vmem>>[vector<16xi32>, vector<16xi32>], vector<16xf32>,
        %mul3A_100 = arith.mulf %gather3A_98, %gather3A_99 : vector<16xf32>
        %add3A_101 = arith.addf %add3A_92, %mul3A_100 : vector<16xf32>
        %broadcast_in_dim3A_102 = arith.constant 5 : i32
        %broadcast_in_dim3A_103 = vector.broadcast %broadcast_in_dim3A_102 : i32 to vector<16xi32>
        %add3A_104 = arith.constant 5 : i32
        %add3A_105 = vector.broadcast %add3A_104 : i32 to vector<16xi32>
        %add3A_106 = arith.addi %mul3A_56, %add3A_105 : vector<16xi32>
        %gather3A_107 = tpu.vector_load_idx %arg7[%add3A_106] : memref<32768xf32, #tpu.memory_space<vmem>>[vector<16xi32>], vector<16xf32>,
        %gather3A_108 = tpu.vector_load_idx %arg8[%add3A_53, %broadcast_in_dim3A_103] : memref<512x64xf32, #tpu.memory_space<vmem>>[vector<16xi32>, vector<16xi32>], vector<16xf32>,
        %mul3A_109 = arith.mulf %gather3A_107, %gather3A_108 : vector<16xf32>
        %add3A_110 = arith.addf %add3A_101, %mul3A_109 : vector<16xf32>
        %broadcast_in_dim3A_111 = arith.constant 6 : i32
        %broadcast_in_dim3A_112 = vector.broadcast %broadcast_in_dim3A_111 : i32 to vector<16xi32>
        %add3A_113 = arith.constant 6 : i32
        %add3A_114 = vector.broadcast %add3A_113 : i32 to vector<16xi32>
        %add3A_115 = arith.addi %mul3A_56, %add3A_114 : vector<16xi32>
        %gather3A_116 = tpu.vector_load_idx %arg7[%add3A_115] : memref<32768xf32, #tpu.memory_space<vmem>>[vector<16xi32>], vector<16xf32>,
        %gather3A_117 = tpu.vector_load_idx %arg8[%add3A_53, %broadcast_in_dim3A_112] : memref<512x64xf32, #tpu.memory_space<vmem>>[vector<16xi32>, vector<16xi32>], vector<16xf32>,
        %mul3A_118 = arith.mulf %gather3A_116, %gather3A_117 : vector<16xf32>
        %add3A_119 = arith.addf %add3A_110, %mul3A_118 : vector<16xf32>
        %broadcast_in_dim3A_120 = arith.constant 7 : i32
        %broadcast_in_dim3A_121 = vector.broadcast %broadcast_in_dim3A_120 : i32 to vector<16xi32>
        %add3A_122 = arith.constant 7 : i32
        %add3A_123 = vector.broadcast %add3A_122 : i32 to vector<16xi32>
        %add3A_124 = arith.addi %mul3A_56, %add3A_123 : vector<16xi32>
        %gather3A_125 = tpu.vector_load_idx %arg7[%add3A_124] : memref<32768xf32, #tpu.memory_space<vmem>>[vector<16xi32>], vector<16xf32>,
        %gather3A_126 = tpu.vector_load_idx %arg8[%add3A_53, %broadcast_in_dim3A_121] : memref<512x64xf32, #tpu.memory_space<vmem>>[vector<16xi32>, vector<16xi32>], vector<16xf32>,
        %mul3A_127 = arith.mulf %gather3A_125, %gather3A_126 : vector<16xf32>
        %add3A_128 = arith.addf %add3A_119, %mul3A_127 : vector<16xf32>
        %broadcast_in_dim3A_129 = arith.constant 8 : i32
        %broadcast_in_dim3A_130 = vector.broadcast %broadcast_in_dim3A_129 : i32 to vector<16xi32>
        %add3A_131 = arith.constant 8 : i32
        %add3A_132 = vector.broadcast %add3A_131 : i32 to vector<16xi32>
        %add3A_133 = arith.addi %mul3A_56, %add3A_132 : vector<16xi32>
        %gather3A_134 = tpu.vector_load_idx %arg7[%add3A_133] : memref<32768xf32, #tpu.memory_space<vmem>>[vector<16xi32>], vector<16xf32>,
        %gather3A_135 = tpu.vector_load_idx %arg8[%add3A_53, %broadcast_in_dim3A_130] : memref<512x64xf32, #tpu.memory_space<vmem>>[vector<16xi32>, vector<16xi32>], vector<16xf32>,
        %mul3A_136 = arith.mulf %gather3A_134, %gather3A_135 : vector<16xf32>
        %add3A_137 = arith.addf %add3A_128, %mul3A_136 : vector<16xf32>
        %broadcast_in_dim3A_138 = arith.constant 9 : i32
        %broadcast_in_dim3A_139 = vector.broadcast %broadcast_in_dim3A_138 : i32 to vector<16xi32>
        %add3A_140 = arith.constant 9 : i32
        %add3A_141 = vector.broadcast %add3A_140 : i32 to vector<16xi32>
        %add3A_142 = arith.addi %mul3A_56, %add3A_141 : vector<16xi32>
        %gather3A_143 = tpu.vector_load_idx %arg7[%add3A_142] : memref<32768xf32, #tpu.memory_space<vmem>>[vector<16xi32>], vector<16xf32>,
        %gather3A_144 = tpu.vector_load_idx %arg8[%add3A_53, %broadcast_in_dim3A_139] : memref<512x64xf32, #tpu.memory_space<vmem>>[vector<16xi32>, vector<16xi32>], vector<16xf32>,
        %mul3A_145 = arith.mulf %gather3A_143, %gather3A_144 : vector<16xf32>
        %add3A_146 = arith.addf %add3A_137, %mul3A_145 : vector<16xf32>
        %broadcast_in_dim3A_147 = arith.constant 10 : i32
        %broadcast_in_dim3A_148 = vector.broadcast %broadcast_in_dim3A_147 : i32 to vector<16xi32>
        %add3A_149 = arith.constant 10 : i32
        %add3A_150 = vector.broadcast %add3A_149 : i32 to vector<16xi32>
        %add3A_151 = arith.addi %mul3A_56, %add3A_150 : vector<16xi32>
        %gather3A_152 = tpu.vector_load_idx %arg7[%add3A_151] : memref<32768xf32, #tpu.memory_space<vmem>>[vector<16xi32>], vector<16xf32>,
        %gather3A_153 = tpu.vector_load_idx %arg8[%add3A_53, %broadcast_in_dim3A_148] : memref<512x64xf32, #tpu.memory_space<vmem>>[vector<16xi32>, vector<16xi32>], vector<16xf32>,
        %mul3A_154 = arith.mulf %gather3A_152, %gather3A_153 : vector<16xf32>
        %add3A_155 = arith.addf %add3A_146, %mul3A_154 : vector<16xf32>
        %broadcast_in_dim3A_156 = arith.constant 11 : i32
        %broadcast_in_dim3A_157 = vector.broadcast %broadcast_in_dim3A_156 : i32 to vector<16xi32>
        %add3A_158 = arith.constant 11 : i32
        %add3A_159 = vector.broadcast %add3A_158 : i32 to vector<16xi32>
        %add3A_160 = arith.addi %mul3A_56, %add3A_159 : vector<16xi32>
        %gather3A_161 = tpu.vector_load_idx %arg7[%add3A_160] : memref<32768xf32, #tpu.memory_space<vmem>>[vector<16xi32>], vector<16xf32>,
        %gather3A_162 = tpu.vector_load_idx %arg8[%add3A_53, %broadcast_in_dim3A_157] : memref<512x64xf32, #tpu.memory_space<vmem>>[vector<16xi32>, vector<16xi32>], vector<16xf32>,
        %mul3A_163 = arith.mulf %gather3A_161, %gather3A_162 : vector<16xf32>
        %add3A_164 = arith.addf %add3A_155, %mul3A_163 : vector<16xf32>
        %broadcast_in_dim3A_165 = arith.constant 12 : i32
        %broadcast_in_dim3A_166 = vector.broadcast %broadcast_in_dim3A_165 : i32 to vector<16xi32>
        %add3A_167 = arith.constant 12 : i32
        %add3A_168 = vector.broadcast %add3A_167 : i32 to vector<16xi32>
        %add3A_169 = arith.addi %mul3A_56, %add3A_168 : vector<16xi32>
        %gather3A_170 = tpu.vector_load_idx %arg7[%add3A_169] : memref<32768xf32, #tpu.memory_space<vmem>>[vector<16xi32>], vector<16xf32>,
        %gather3A_171 = tpu.vector_load_idx %arg8[%add3A_53, %broadcast_in_dim3A_166] : memref<512x64xf32, #tpu.memory_space<vmem>>[vector<16xi32>, vector<16xi32>], vector<16xf32>,
        %mul3A_172 = arith.mulf %gather3A_170, %gather3A_171 : vector<16xf32>
        %add3A_173 = arith.addf %add3A_164, %mul3A_172 : vector<16xf32>
        %broadcast_in_dim3A_174 = arith.constant 13 : i32
        %broadcast_in_dim3A_175 = vector.broadcast %broadcast_in_dim3A_174 : i32 to vector<16xi32>
        %add3A_176 = arith.constant 13 : i32
        %add3A_177 = vector.broadcast %add3A_176 : i32 to vector<16xi32>
        %add3A_178 = arith.addi %mul3A_56, %add3A_177 : vector<16xi32>
        %gather3A_179 = tpu.vector_load_idx %arg7[%add3A_178] : memref<32768xf32, #tpu.memory_space<vmem>>[vector<16xi32>], vector<16xf32>,
        %gather3A_180 = tpu.vector_load_idx %arg8[%add3A_53, %broadcast_in_dim3A_175] : memref<512x64xf32, #tpu.memory_space<vmem>>[vector<16xi32>, vector<16xi32>], vector<16xf32>,
        %mul3A_181 = arith.mulf %gather3A_179, %gather3A_180 : vector<16xf32>
        %add3A_182 = arith.addf %add3A_173, %mul3A_181 : vector<16xf32>
        %broadcast_in_dim3A_183 = arith.constant 14 : i32
        %broadcast_in_dim3A_184 = vector.broadcast %broadcast_in_dim3A_183 : i32 to vector<16xi32>
        %add3A_185 = arith.constant 14 : i32
        %add3A_186 = vector.broadcast %add3A_185 : i32 to vector<16xi32>
        %add3A_187 = arith.addi %mul3A_56, %add3A_186 : vector<16xi32>
        %gather3A_188 = tpu.vector_load_idx %arg7[%add3A_187] : memref<32768xf32, #tpu.memory_space<vmem>>[vector<16xi32>], vector<16xf32>,
        %gather3A_189 = tpu.vector_load_idx %arg8[%add3A_53, %broadcast_in_dim3A_184] : memref<512x64xf32, #tpu.memory_space<vmem>>[vector<16xi32>, vector<16xi32>], vector<16xf32>,
        %mul3A_190 = arith.mulf %gather3A_188, %gather3A_189 : vector<16xf32>
        %add3A_191 = arith.addf %add3A_182, %mul3A_190 : vector<16xf32>
        %broadcast_in_dim3A_192 = arith.constant 15 : i32
        %broadcast_in_dim3A_193 = vector.broadcast %broadcast_in_dim3A_192 : i32 to vector<16xi32>
        %add3A_194 = arith.constant 15 : i32
        %add3A_195 = vector.broadcast %add3A_194 : i32 to vector<16xi32>
        %add3A_196 = arith.addi %mul3A_56, %add3A_195 : vector<16xi32>
        %gather3A_197 = tpu.vector_load_idx %arg7[%add3A_196] : memref<32768xf32, #tpu.memory_space<vmem>>[vector<16xi32>], vector<16xf32>,
        %gather3A_198 = tpu.vector_load_idx %arg8[%add3A_53, %broadcast_in_dim3A_193] : memref<512x64xf32, #tpu.memory_space<vmem>>[vector<16xi32>, vector<16xi32>], vector<16xf32>,
        %mul3A_199 = arith.mulf %gather3A_197, %gather3A_198 : vector<16xf32>
        %add3A_200 = arith.addf %add3A_191, %mul3A_199 : vector<16xf32>
        %broadcast_in_dim3A_201 = arith.constant 16 : i32
        %broadcast_in_dim3A_202 = vector.broadcast %broadcast_in_dim3A_201 : i32 to vector<16xi32>
        %add3A_203 = arith.constant 16 : i32
        %add3A_204 = vector.broadcast %add3A_203 : i32 to vector<16xi32>
        %add3A_205 = arith.addi %mul3A_56, %add3A_204 : vector<16xi32>
        %gather3A_206 = tpu.vector_load_idx %arg7[%add3A_205] : memref<32768xf32, #tpu.memory_space<vmem>>[vector<16xi32>], vector<16xf32>,
        %gather3A_207 = tpu.vector_load_idx %arg8[%add3A_53, %broadcast_in_dim3A_202] : memref<512x64xf32, #tpu.memory_space<vmem>>[vector<16xi32>, vector<16xi32>], vector<16xf32>,
        %mul3A_208 = arith.mulf %gather3A_206, %gather3A_207 : vector<16xf32>
        %add3A_209 = arith.addf %add3A_200, %mul3A_208 : vector<16xf32>
        %broadcast_in_dim3A_210 = arith.constant 17 : i32
        %broadcast_in_dim3A_211 = vector.broadcast %broadcast_in_dim3A_210 : i32 to vector<16xi32>
        %add3A_212 = arith.constant 17 : i32
        %add3A_213 = vector.broadcast %add3A_212 : i32 to vector<16xi32>
        %add3A_214 = arith.addi %mul3A_56, %add3A_213 : vector<16xi32>
        %gather3A_215 = tpu.vector_load_idx %arg7[%add3A_214] : memref<32768xf32, #tpu.memory_space<vmem>>[vector<16xi32>], vector<16xf32>,
        %gather3A_216 = tpu.vector_load_idx %arg8[%add3A_53, %broadcast_in_dim3A_211] : memref<512x64xf32, #tpu.memory_space<vmem>>[vector<16xi32>, vector<16xi32>], vector<16xf32>,
        %mul3A_217 = arith.mulf %gather3A_215, %gather3A_216 : vector<16xf32>
        %add3A_218 = arith.addf %add3A_209, %mul3A_217 : vector<16xf32>
        %broadcast_in_dim3A_219 = arith.constant 18 : i32
        %broadcast_in_dim3A_220 = vector.broadcast %broadcast_in_dim3A_219 : i32 to vector<16xi32>
        %add3A_221 = arith.constant 18 : i32
        %add3A_222 = vector.broadcast %add3A_221 : i32 to vector<16xi32>
        %add3A_223 = arith.addi %mul3A_56, %add3A_222 : vector<16xi32>
        %gather3A_224 = tpu.vector_load_idx %arg7[%add3A_223] : memref<32768xf32, #tpu.memory_space<vmem>>[vector<16xi32>], vector<16xf32>,
        %gather3A_225 = tpu.vector_load_idx %arg8[%add3A_53, %broadcast_in_dim3A_220] : memref<512x64xf32, #tpu.memory_space<vmem>>[vector<16xi32>, vector<16xi32>], vector<16xf32>,
        %mul3A_226 = arith.mulf %gather3A_224, %gather3A_225 : vector<16xf32>
        %add3A_227 = arith.addf %add3A_218, %mul3A_226 : vector<16xf32>
        %broadcast_in_dim3A_228 = arith.constant 19 : i32
        %broadcast_in_dim3A_229 = vector.broadcast %broadcast_in_dim3A_228 : i32 to vector<16xi32>
        %add3A_230 = arith.constant 19 : i32
        %add3A_231 = vector.broadcast %add3A_230 : i32 to vector<16xi32>
        %add3A_232 = arith.addi %mul3A_56, %add3A_231 : vector<16xi32>
        %gather3A_233 = tpu.vector_load_idx %arg7[%add3A_232] : memref<32768xf32, #tpu.memory_space<vmem>>[vector<16xi32>], vector<16xf32>,
        %gather3A_234 = tpu.vector_load_idx %arg8[%add3A_53, %broadcast_in_dim3A_229] : memref<512x64xf32, #tpu.memory_space<vmem>>[vector<16xi32>, vector<16xi32>], vector<16xf32>,
        %mul3A_235 = arith.mulf %gather3A_233, %gather3A_234 : vector<16xf32>
        %add3A_236 = arith.addf %add3A_227, %mul3A_235 : vector<16xf32>
        %broadcast_in_dim3A_237 = arith.constant 20 : i32
        %broadcast_in_dim3A_238 = vector.broadcast %broadcast_in_dim3A_237 : i32 to vector<16xi32>
        %add3A_239 = arith.constant 20 : i32
        %add3A_240 = vector.broadcast %add3A_239 : i32 to vector<16xi32>
        %add3A_241 = arith.addi %mul3A_56, %add3A_240 : vector<16xi32>
        %gather3A_242 = tpu.vector_load_idx %arg7[%add3A_241] : memref<32768xf32, #tpu.memory_space<vmem>>[vector<16xi32>], vector<16xf32>,
        %gather3A_243 = tpu.vector_load_idx %arg8[%add3A_53, %broadcast_in_dim3A_238] : memref<512x64xf32, #tpu.memory_space<vmem>>[vector<16xi32>, vector<16xi32>], vector<16xf32>,
        %mul3A_244 = arith.mulf %gather3A_242, %gather3A_243 : vector<16xf32>
        %add3A_245 = arith.addf %add3A_236, %mul3A_244 : vector<16xf32>
        %broadcast_in_dim3A_246 = arith.constant 21 : i32
        %broadcast_in_dim3A_247 = vector.broadcast %broadcast_in_dim3A_246 : i32 to vector<16xi32>
        %add3A_248 = arith.constant 21 : i32
        %add3A_249 = vector.broadcast %add3A_248 : i32 to vector<16xi32>
        %add3A_250 = arith.addi %mul3A_56, %add3A_249 : vector<16xi32>
        %gather3A_251 = tpu.vector_load_idx %arg7[%add3A_250] : memref<32768xf32, #tpu.memory_space<vmem>>[vector<16xi32>], vector<16xf32>,
        %gather3A_252 = tpu.vector_load_idx %arg8[%add3A_53, %broadcast_in_dim3A_247] : memref<512x64xf32, #tpu.memory_space<vmem>>[vector<16xi32>, vector<16xi32>], vector<16xf32>,
        %mul3A_253 = arith.mulf %gather3A_251, %gather3A_252 : vector<16xf32>
        %add3A_254 = arith.addf %add3A_245, %mul3A_253 : vector<16xf32>
        %broadcast_in_dim3A_255 = arith.constant 22 : i32
        %broadcast_in_dim3A_256 = vector.broadcast %broadcast_in_dim3A_255 : i32 to vector<16xi32>
        %add3A_257 = arith.constant 22 : i32
        %add3A_258 = vector.broadcast %add3A_257 : i32 to vector<16xi32>
        %add3A_259 = arith.addi %mul3A_56, %add3A_258 : vector<16xi32>
        %gather3A_260 = tpu.vector_load_idx %arg7[%add3A_259] : memref<32768xf32, #tpu.memory_space<vmem>>[vector<16xi32>], vector<16xf32>,
        %gather3A_261 = tpu.vector_load_idx %arg8[%add3A_53, %broadcast_in_dim3A_256] : memref<512x64xf32, #tpu.memory_space<vmem>>[vector<16xi32>, vector<16xi32>], vector<16xf32>,
        %mul3A_262 = arith.mulf %gather3A_260, %gather3A_261 : vector<16xf32>
        %add3A_263 = arith.addf %add3A_254, %mul3A_262 : vector<16xf32>
        %broadcast_in_dim3A_264 = arith.constant 23 : i32
        %broadcast_in_dim3A_265 = vector.broadcast %broadcast_in_dim3A_264 : i32 to vector<16xi32>
        %add3A_266 = arith.constant 23 : i32
        %add3A_267 = vector.broadcast %add3A_266 : i32 to vector<16xi32>
        %add3A_268 = arith.addi %mul3A_56, %add3A_267 : vector<16xi32>
        %gather3A_269 = tpu.vector_load_idx %arg7[%add3A_268] : memref<32768xf32, #tpu.memory_space<vmem>>[vector<16xi32>], vector<16xf32>,
        %gather3A_270 = tpu.vector_load_idx %arg8[%add3A_53, %broadcast_in_dim3A_265] : memref<512x64xf32, #tpu.memory_space<vmem>>[vector<16xi32>, vector<16xi32>], vector<16xf32>,
        %mul3A_271 = arith.mulf %gather3A_269, %gather3A_270 : vector<16xf32>
        %add3A_272 = arith.addf %add3A_263, %mul3A_271 : vector<16xf32>
        %broadcast_in_dim3A_273 = arith.constant 24 : i32
        %broadcast_in_dim3A_274 = vector.broadcast %broadcast_in_dim3A_273 : i32 to vector<16xi32>
        %add3A_275 = arith.constant 24 : i32
        %add3A_276 = vector.broadcast %add3A_275 : i32 to vector<16xi32>
        %add3A_277 = arith.addi %mul3A_56, %add3A_276 : vector<16xi32>
        %gather3A_278 = tpu.vector_load_idx %arg7[%add3A_277] : memref<32768xf32, #tpu.memory_space<vmem>>[vector<16xi32>], vector<16xf32>,
        %gather3A_279 = tpu.vector_load_idx %arg8[%add3A_53, %broadcast_in_dim3A_274] : memref<512x64xf32, #tpu.memory_space<vmem>>[vector<16xi32>, vector<16xi32>], vector<16xf32>,
        %mul3A_280 = arith.mulf %gather3A_278, %gather3A_279 : vector<16xf32>
        %add3A_281 = arith.addf %add3A_272, %mul3A_280 : vector<16xf32>
        %broadcast_in_dim3A_282 = arith.constant 25 : i32
        %broadcast_in_dim3A_283 = vector.broadcast %broadcast_in_dim3A_282 : i32 to vector<16xi32>
        %add3A_284 = arith.constant 25 : i32
        %add3A_285 = vector.broadcast %add3A_284 : i32 to vector<16xi32>
        %add3A_286 = arith.addi %mul3A_56, %add3A_285 : vector<16xi32>
        %gather3A_287 = tpu.vector_load_idx %arg7[%add3A_286] : memref<32768xf32, #tpu.memory_space<vmem>>[vector<16xi32>], vector<16xf32>,
        %gather3A_288 = tpu.vector_load_idx %arg8[%add3A_53, %broadcast_in_dim3A_283] : memref<512x64xf32, #tpu.memory_space<vmem>>[vector<16xi32>, vector<16xi32>], vector<16xf32>,
        %mul3A_289 = arith.mulf %gather3A_287, %gather3A_288 : vector<16xf32>
        %add3A_290 = arith.addf %add3A_281, %mul3A_289 : vector<16xf32>
        %broadcast_in_dim3A_291 = arith.constant 26 : i32
        %broadcast_in_dim3A_292 = vector.broadcast %broadcast_in_dim3A_291 : i32 to vector<16xi32>
        %add3A_293 = arith.constant 26 : i32
        %add3A_294 = vector.broadcast %add3A_293 : i32 to vector<16xi32>
        %add3A_295 = arith.addi %mul3A_56, %add3A_294 : vector<16xi32>
        %gather3A_296 = tpu.vector_load_idx %arg7[%add3A_295] : memref<32768xf32, #tpu.memory_space<vmem>>[vector<16xi32>], vector<16xf32>,
        %gather3A_297 = tpu.vector_load_idx %arg8[%add3A_53, %broadcast_in_dim3A_292] : memref<512x64xf32, #tpu.memory_space<vmem>>[vector<16xi32>, vector<16xi32>], vector<16xf32>,
        %mul3A_298 = arith.mulf %gather3A_296, %gather3A_297 : vector<16xf32>
        %add3A_299 = arith.addf %add3A_290, %mul3A_298 : vector<16xf32>
        %broadcast_in_dim3A_300 = arith.constant 27 : i32
        %broadcast_in_dim3A_301 = vector.broadcast %broadcast_in_dim3A_300 : i32 to vector<16xi32>
        %add3A_302 = arith.constant 27 : i32
        %add3A_303 = vector.broadcast %add3A_302 : i32 to vector<16xi32>
        %add3A_304 = arith.addi %mul3A_56, %add3A_303 : vector<16xi32>
        %gather3A_305 = tpu.vector_load_idx %arg7[%add3A_304] : memref<32768xf32, #tpu.memory_space<vmem>>[vector<16xi32>], vector<16xf32>,
        %gather3A_306 = tpu.vector_load_idx %arg8[%add3A_53, %broadcast_in_dim3A_301] : memref<512x64xf32, #tpu.memory_space<vmem>>[vector<16xi32>, vector<16xi32>], vector<16xf32>,
        %mul3A_307 = arith.mulf %gather3A_305, %gather3A_306 : vector<16xf32>
        %add3A_308 = arith.addf %add3A_299, %mul3A_307 : vector<16xf32>
        %broadcast_in_dim3A_309 = arith.constant 28 : i32
        %broadcast_in_dim3A_310 = vector.broadcast %broadcast_in_dim3A_309 : i32 to vector<16xi32>
        %add3A_311 = arith.constant 28 : i32
        %add3A_312 = vector.broadcast %add3A_311 : i32 to vector<16xi32>
        %add3A_313 = arith.addi %mul3A_56, %add3A_312 : vector<16xi32>
        %gather3A_314 = tpu.vector_load_idx %arg7[%add3A_313] : memref<32768xf32, #tpu.memory_space<vmem>>[vector<16xi32>], vector<16xf32>,
        %gather3A_315 = tpu.vector_load_idx %arg8[%add3A_53, %broadcast_in_dim3A_310] : memref<512x64xf32, #tpu.memory_space<vmem>>[vector<16xi32>, vector<16xi32>], vector<16xf32>,
        %mul3A_316 = arith.mulf %gather3A_314, %gather3A_315 : vector<16xf32>
        %add3A_317 = arith.addf %add3A_308, %mul3A_316 : vector<16xf32>
        %broadcast_in_dim3A_318 = arith.constant 29 : i32
        %broadcast_in_dim3A_319 = vector.broadcast %broadcast_in_dim3A_318 : i32 to vector<16xi32>
        %add3A_320 = arith.constant 29 : i32
        %add3A_321 = vector.broadcast %add3A_320 : i32 to vector<16xi32>
        %add3A_322 = arith.addi %mul3A_56, %add3A_321 : vector<16xi32>
        %gather3A_323 = tpu.vector_load_idx %arg7[%add3A_322] : memref<32768xf32, #tpu.memory_space<vmem>>[vector<16xi32>], vector<16xf32>,
        %gather3A_324 = tpu.vector_load_idx %arg8[%add3A_53, %broadcast_in_dim3A_319] : memref<512x64xf32, #tpu.memory_space<vmem>>[vector<16xi32>, vector<16xi32>], vector<16xf32>,
        %mul3A_325 = arith.mulf %gather3A_323, %gather3A_324 : vector<16xf32>
        %add3A_326 = arith.addf %add3A_317, %mul3A_325 : vector<16xf32>
        %broadcast_in_dim3A_327 = arith.constant 30 : i32
        %broadcast_in_dim3A_328 = vector.broadcast %broadcast_in_dim3A_327 : i32 to vector<16xi32>
        %add3A_329 = arith.constant 30 : i32
        %add3A_330 = vector.broadcast %add3A_329 : i32 to vector<16xi32>
        %add3A_331 = arith.addi %mul3A_56, %add3A_330 : vector<16xi32>
        %gather3A_332 = tpu.vector_load_idx %arg7[%add3A_331] : memref<32768xf32, #tpu.memory_space<vmem>>[vector<16xi32>], vector<16xf32>,
        %gather3A_333 = tpu.vector_load_idx %arg8[%add3A_53, %broadcast_in_dim3A_328] : memref<512x64xf32, #tpu.memory_space<vmem>>[vector<16xi32>, vector<16xi32>], vector<16xf32>,
        %mul3A_334 = arith.mulf %gather3A_332, %gather3A_333 : vector<16xf32>
        %add3A_335 = arith.addf %add3A_326, %mul3A_334 : vector<16xf32>
        %broadcast_in_dim3A_336 = arith.constant 31 : i32
        %broadcast_in_dim3A_337 = vector.broadcast %broadcast_in_dim3A_336 : i32 to vector<16xi32>
        %add3A_338 = arith.constant 31 : i32
        %add3A_339 = vector.broadcast %add3A_338 : i32 to vector<16xi32>
        %add3A_340 = arith.addi %mul3A_56, %add3A_339 : vector<16xi32>
        %gather3A_341 = tpu.vector_load_idx %arg7[%add3A_340] : memref<32768xf32, #tpu.memory_space<vmem>>[vector<16xi32>], vector<16xf32>,
        %gather3A_342 = tpu.vector_load_idx %arg8[%add3A_53, %broadcast_in_dim3A_337] : memref<512x64xf32, #tpu.memory_space<vmem>>[vector<16xi32>, vector<16xi32>], vector<16xf32>,
        %mul3A_343 = arith.mulf %gather3A_341, %gather3A_342 : vector<16xf32>
        %add3A_344 = arith.addf %add3A_335, %mul3A_343 : vector<16xf32>
        %broadcast_in_dim3A_345 = arith.constant 32 : i32
        %broadcast_in_dim3A_346 = vector.broadcast %broadcast_in_dim3A_345 : i32 to vector<16xi32>
        %add3A_347 = arith.constant 32 : i32
        %add3A_348 = vector.broadcast %add3A_347 : i32 to vector<16xi32>
        %add3A_349 = arith.addi %mul3A_56, %add3A_348 : vector<16xi32>
        %gather3A_350 = tpu.vector_load_idx %arg7[%add3A_349] : memref<32768xf32, #tpu.memory_space<vmem>>[vector<16xi32>], vector<16xf32>,
        %gather3A_351 = tpu.vector_load_idx %arg8[%add3A_53, %broadcast_in_dim3A_346] : memref<512x64xf32, #tpu.memory_space<vmem>>[vector<16xi32>, vector<16xi32>], vector<16xf32>,
        %mul3A_352 = arith.mulf %gather3A_350, %gather3A_351 : vector<16xf32>
        %add3A_353 = arith.addf %add3A_344, %mul3A_352 : vector<16xf32>
        %broadcast_in_dim3A_354 = arith.constant 33 : i32
        %broadcast_in_dim3A_355 = vector.broadcast %broadcast_in_dim3A_354 : i32 to vector<16xi32>
        %add3A_356 = arith.constant 33 : i32
        %add3A_357 = vector.broadcast %add3A_356 : i32 to vector<16xi32>
        %add3A_358 = arith.addi %mul3A_56, %add3A_357 : vector<16xi32>
        %gather3A_359 = tpu.vector_load_idx %arg7[%add3A_358] : memref<32768xf32, #tpu.memory_space<vmem>>[vector<16xi32>], vector<16xf32>,
        %gather3A_360 = tpu.vector_load_idx %arg8[%add3A_53, %broadcast_in_dim3A_355] : memref<512x64xf32, #tpu.memory_space<vmem>>[vector<16xi32>, vector<16xi32>], vector<16xf32>,
        %mul3A_361 = arith.mulf %gather3A_359, %gather3A_360 : vector<16xf32>
        %add3A_362 = arith.addf %add3A_353, %mul3A_361 : vector<16xf32>
        %broadcast_in_dim3A_363 = arith.constant 34 : i32
        %broadcast_in_dim3A_364 = vector.broadcast %broadcast_in_dim3A_363 : i32 to vector<16xi32>
        %add3A_365 = arith.constant 34 : i32
        %add3A_366 = vector.broadcast %add3A_365 : i32 to vector<16xi32>
        %add3A_367 = arith.addi %mul3A_56, %add3A_366 : vector<16xi32>
        %gather3A_368 = tpu.vector_load_idx %arg7[%add3A_367] : memref<32768xf32, #tpu.memory_space<vmem>>[vector<16xi32>], vector<16xf32>,
        %gather3A_369 = tpu.vector_load_idx %arg8[%add3A_53, %broadcast_in_dim3A_364] : memref<512x64xf32, #tpu.memory_space<vmem>>[vector<16xi32>, vector<16xi32>], vector<16xf32>,
        %mul3A_370 = arith.mulf %gather3A_368, %gather3A_369 : vector<16xf32>
        %add3A_371 = arith.addf %add3A_362, %mul3A_370 : vector<16xf32>
        %broadcast_in_dim3A_372 = arith.constant 35 : i32
        %broadcast_in_dim3A_373 = vector.broadcast %broadcast_in_dim3A_372 : i32 to vector<16xi32>
        %add3A_374 = arith.constant 35 : i32
        %add3A_375 = vector.broadcast %add3A_374 : i32 to vector<16xi32>
        %add3A_376 = arith.addi %mul3A_56, %add3A_375 : vector<16xi32>
        %gather3A_377 = tpu.vector_load_idx %arg7[%add3A_376] : memref<32768xf32, #tpu.memory_space<vmem>>[vector<16xi32>], vector<16xf32>,
        %gather3A_378 = tpu.vector_load_idx %arg8[%add3A_53, %broadcast_in_dim3A_373] : memref<512x64xf32, #tpu.memory_space<vmem>>[vector<16xi32>, vector<16xi32>], vector<16xf32>,
        %mul3A_379 = arith.mulf %gather3A_377, %gather3A_378 : vector<16xf32>
        %add3A_380 = arith.addf %add3A_371, %mul3A_379 : vector<16xf32>
        %broadcast_in_dim3A_381 = arith.constant 36 : i32
        %broadcast_in_dim3A_382 = vector.broadcast %broadcast_in_dim3A_381 : i32 to vector<16xi32>
        %add3A_383 = arith.constant 36 : i32
        %add3A_384 = vector.broadcast %add3A_383 : i32 to vector<16xi32>
        %add3A_385 = arith.addi %mul3A_56, %add3A_384 : vector<16xi32>
        %gather3A_386 = tpu.vector_load_idx %arg7[%add3A_385] : memref<32768xf32, #tpu.memory_space<vmem>>[vector<16xi32>], vector<16xf32>,
        %gather3A_387 = tpu.vector_load_idx %arg8[%add3A_53, %broadcast_in_dim3A_382] : memref<512x64xf32, #tpu.memory_space<vmem>>[vector<16xi32>, vector<16xi32>], vector<16xf32>,
        %mul3A_388 = arith.mulf %gather3A_386, %gather3A_387 : vector<16xf32>
        %add3A_389 = arith.addf %add3A_380, %mul3A_388 : vector<16xf32>
        %broadcast_in_dim3A_390 = arith.constant 37 : i32
        %broadcast_in_dim3A_391 = vector.broadcast %broadcast_in_dim3A_390 : i32 to vector<16xi32>
        %add3A_392 = arith.constant 37 : i32
        %add3A_393 = vector.broadcast %add3A_392 : i32 to vector<16xi32>
        %add3A_394 = arith.addi %mul3A_56, %add3A_393 : vector<16xi32>
        %gather3A_395 = tpu.vector_load_idx %arg7[%add3A_394] : memref<32768xf32, #tpu.memory_space<vmem>>[vector<16xi32>], vector<16xf32>,
        %gather3A_396 = tpu.vector_load_idx %arg8[%add3A_53, %broadcast_in_dim3A_391] : memref<512x64xf32, #tpu.memory_space<vmem>>[vector<16xi32>, vector<16xi32>], vector<16xf32>,
        %mul3A_397 = arith.mulf %gather3A_395, %gather3A_396 : vector<16xf32>
        %add3A_398 = arith.addf %add3A_389, %mul3A_397 : vector<16xf32>
        %broadcast_in_dim3A_399 = arith.constant 38 : i32
        %broadcast_in_dim3A_400 = vector.broadcast %broadcast_in_dim3A_399 : i32 to vector<16xi32>
        %add3A_401 = arith.constant 38 : i32
        %add3A_402 = vector.broadcast %add3A_401 : i32 to vector<16xi32>
        %add3A_403 = arith.addi %mul3A_56, %add3A_402 : vector<16xi32>
        %gather3A_404 = tpu.vector_load_idx %arg7[%add3A_403] : memref<32768xf32, #tpu.memory_space<vmem>>[vector<16xi32>], vector<16xf32>,
        %gather3A_405 = tpu.vector_load_idx %arg8[%add3A_53, %broadcast_in_dim3A_400] : memref<512x64xf32, #tpu.memory_space<vmem>>[vector<16xi32>, vector<16xi32>], vector<16xf32>,
        %mul3A_406 = arith.mulf %gather3A_404, %gather3A_405 : vector<16xf32>
        %add3A_407 = arith.addf %add3A_398, %mul3A_406 : vector<16xf32>
        %broadcast_in_dim3A_408 = arith.constant 39 : i32
        %broadcast_in_dim3A_409 = vector.broadcast %broadcast_in_dim3A_408 : i32 to vector<16xi32>
        %add3A_410 = arith.constant 39 : i32
        %add3A_411 = vector.broadcast %add3A_410 : i32 to vector<16xi32>
        %add3A_412 = arith.addi %mul3A_56, %add3A_411 : vector<16xi32>
        %gather3A_413 = tpu.vector_load_idx %arg7[%add3A_412] : memref<32768xf32, #tpu.memory_space<vmem>>[vector<16xi32>], vector<16xf32>,
        %gather3A_414 = tpu.vector_load_idx %arg8[%add3A_53, %broadcast_in_dim3A_409] : memref<512x64xf32, #tpu.memory_space<vmem>>[vector<16xi32>, vector<16xi32>], vector<16xf32>,
        %mul3A_415 = arith.mulf %gather3A_413, %gather3A_414 : vector<16xf32>
        %add3A_416 = arith.addf %add3A_407, %mul3A_415 : vector<16xf32>
        %broadcast_in_dim3A_417 = arith.constant 40 : i32
        %broadcast_in_dim3A_418 = vector.broadcast %broadcast_in_dim3A_417 : i32 to vector<16xi32>
        %add3A_419 = arith.constant 40 : i32
        %add3A_420 = vector.broadcast %add3A_419 : i32 to vector<16xi32>
        %add3A_421 = arith.addi %mul3A_56, %add3A_420 : vector<16xi32>
        %gather3A_422 = tpu.vector_load_idx %arg7[%add3A_421] : memref<32768xf32, #tpu.memory_space<vmem>>[vector<16xi32>], vector<16xf32>,
        %gather3A_423 = tpu.vector_load_idx %arg8[%add3A_53, %broadcast_in_dim3A_418] : memref<512x64xf32, #tpu.memory_space<vmem>>[vector<16xi32>, vector<16xi32>], vector<16xf32>,
        %mul3A_424 = arith.mulf %gather3A_422, %gather3A_423 : vector<16xf32>
        %add3A_425 = arith.addf %add3A_416, %mul3A_424 : vector<16xf32>
        %broadcast_in_dim3A_426 = arith.constant 41 : i32
        %broadcast_in_dim3A_427 = vector.broadcast %broadcast_in_dim3A_426 : i32 to vector<16xi32>
        %add3A_428 = arith.constant 41 : i32
        %add3A_429 = vector.broadcast %add3A_428 : i32 to vector<16xi32>
        %add3A_430 = arith.addi %mul3A_56, %add3A_429 : vector<16xi32>
        %gather3A_431 = tpu.vector_load_idx %arg7[%add3A_430] : memref<32768xf32, #tpu.memory_space<vmem>>[vector<16xi32>], vector<16xf32>,
        %gather3A_432 = tpu.vector_load_idx %arg8[%add3A_53, %broadcast_in_dim3A_427] : memref<512x64xf32, #tpu.memory_space<vmem>>[vector<16xi32>, vector<16xi32>], vector<16xf32>,
        %mul3A_433 = arith.mulf %gather3A_431, %gather3A_432 : vector<16xf32>
        %add3A_434 = arith.addf %add3A_425, %mul3A_433 : vector<16xf32>
        %broadcast_in_dim3A_435 = arith.constant 42 : i32
        %broadcast_in_dim3A_436 = vector.broadcast %broadcast_in_dim3A_435 : i32 to vector<16xi32>
        %add3A_437 = arith.constant 42 : i32
        %add3A_438 = vector.broadcast %add3A_437 : i32 to vector<16xi32>
        %add3A_439 = arith.addi %mul3A_56, %add3A_438 : vector<16xi32>
        %gather3A_440 = tpu.vector_load_idx %arg7[%add3A_439] : memref<32768xf32, #tpu.memory_space<vmem>>[vector<16xi32>], vector<16xf32>,
        %gather3A_441 = tpu.vector_load_idx %arg8[%add3A_53, %broadcast_in_dim3A_436] : memref<512x64xf32, #tpu.memory_space<vmem>>[vector<16xi32>, vector<16xi32>], vector<16xf32>,
        %mul3A_442 = arith.mulf %gather3A_440, %gather3A_441 : vector<16xf32>
        %add3A_443 = arith.addf %add3A_434, %mul3A_442 : vector<16xf32>
        %broadcast_in_dim3A_444 = arith.constant 43 : i32
        %broadcast_in_dim3A_445 = vector.broadcast %broadcast_in_dim3A_444 : i32 to vector<16xi32>
        %add3A_446 = arith.constant 43 : i32
        %add3A_447 = vector.broadcast %add3A_446 : i32 to vector<16xi32>
        %add3A_448 = arith.addi %mul3A_56, %add3A_447 : vector<16xi32>
        %gather3A_449 = tpu.vector_load_idx %arg7[%add3A_448] : memref<32768xf32, #tpu.memory_space<vmem>>[vector<16xi32>], vector<16xf32>,
        %gather3A_450 = tpu.vector_load_idx %arg8[%add3A_53, %broadcast_in_dim3A_445] : memref<512x64xf32, #tpu.memory_space<vmem>>[vector<16xi32>, vector<16xi32>], vector<16xf32>,
        %mul3A_451 = arith.mulf %gather3A_449, %gather3A_450 : vector<16xf32>
        %add3A_452 = arith.addf %add3A_443, %mul3A_451 : vector<16xf32>
        %broadcast_in_dim3A_453 = arith.constant 44 : i32
        %broadcast_in_dim3A_454 = vector.broadcast %broadcast_in_dim3A_453 : i32 to vector<16xi32>
        %add3A_455 = arith.constant 44 : i32
        %add3A_456 = vector.broadcast %add3A_455 : i32 to vector<16xi32>
        %add3A_457 = arith.addi %mul3A_56, %add3A_456 : vector<16xi32>
        %gather3A_458 = tpu.vector_load_idx %arg7[%add3A_457] : memref<32768xf32, #tpu.memory_space<vmem>>[vector<16xi32>], vector<16xf32>,
        %gather3A_459 = tpu.vector_load_idx %arg8[%add3A_53, %broadcast_in_dim3A_454] : memref<512x64xf32, #tpu.memory_space<vmem>>[vector<16xi32>, vector<16xi32>], vector<16xf32>,
        %mul3A_460 = arith.mulf %gather3A_458, %gather3A_459 : vector<16xf32>
        %add3A_461 = arith.addf %add3A_452, %mul3A_460 : vector<16xf32>
        %broadcast_in_dim3A_462 = arith.constant 45 : i32
        %broadcast_in_dim3A_463 = vector.broadcast %broadcast_in_dim3A_462 : i32 to vector<16xi32>
        %add3A_464 = arith.constant 45 : i32
        %add3A_465 = vector.broadcast %add3A_464 : i32 to vector<16xi32>
        %add3A_466 = arith.addi %mul3A_56, %add3A_465 : vector<16xi32>
        %gather3A_467 = tpu.vector_load_idx %arg7[%add3A_466] : memref<32768xf32, #tpu.memory_space<vmem>>[vector<16xi32>], vector<16xf32>,
        %gather3A_468 = tpu.vector_load_idx %arg8[%add3A_53, %broadcast_in_dim3A_463] : memref<512x64xf32, #tpu.memory_space<vmem>>[vector<16xi32>, vector<16xi32>], vector<16xf32>,
        %mul3A_469 = arith.mulf %gather3A_467, %gather3A_468 : vector<16xf32>
        %add3A_470 = arith.addf %add3A_461, %mul3A_469 : vector<16xf32>
        %broadcast_in_dim3A_471 = arith.constant 46 : i32
        %broadcast_in_dim3A_472 = vector.broadcast %broadcast_in_dim3A_471 : i32 to vector<16xi32>
        %add3A_473 = arith.constant 46 : i32
        %add3A_474 = vector.broadcast %add3A_473 : i32 to vector<16xi32>
        %add3A_475 = arith.addi %mul3A_56, %add3A_474 : vector<16xi32>
        %gather3A_476 = tpu.vector_load_idx %arg7[%add3A_475] : memref<32768xf32, #tpu.memory_space<vmem>>[vector<16xi32>], vector<16xf32>,
        %gather3A_477 = tpu.vector_load_idx %arg8[%add3A_53, %broadcast_in_dim3A_472] : memref<512x64xf32, #tpu.memory_space<vmem>>[vector<16xi32>, vector<16xi32>], vector<16xf32>,
        %mul3A_478 = arith.mulf %gather3A_476, %gather3A_477 : vector<16xf32>
        %add3A_479 = arith.addf %add3A_470, %mul3A_478 : vector<16xf32>
        %broadcast_in_dim3A_480 = arith.constant 47 : i32
        %broadcast_in_dim3A_481 = vector.broadcast %broadcast_in_dim3A_480 : i32 to vector<16xi32>
        %add3A_482 = arith.constant 47 : i32
        %add3A_483 = vector.broadcast %add3A_482 : i32 to vector<16xi32>
        %add3A_484 = arith.addi %mul3A_56, %add3A_483 : vector<16xi32>
        %gather3A_485 = tpu.vector_load_idx %arg7[%add3A_484] : memref<32768xf32, #tpu.memory_space<vmem>>[vector<16xi32>], vector<16xf32>,
        %gather3A_486 = tpu.vector_load_idx %arg8[%add3A_53, %broadcast_in_dim3A_481] : memref<512x64xf32, #tpu.memory_space<vmem>>[vector<16xi32>, vector<16xi32>], vector<16xf32>,
        %mul3A_487 = arith.mulf %gather3A_485, %gather3A_486 : vector<16xf32>
        %add3A_488 = arith.addf %add3A_479, %mul3A_487 : vector<16xf32>
        %broadcast_in_dim3A_489 = arith.constant 48 : i32
        %broadcast_in_dim3A_490 = vector.broadcast %broadcast_in_dim3A_489 : i32 to vector<16xi32>
        %add3A_491 = arith.constant 48 : i32
        %add3A_492 = vector.broadcast %add3A_491 : i32 to vector<16xi32>
        %add3A_493 = arith.addi %mul3A_56, %add3A_492 : vector<16xi32>
        %gather3A_494 = tpu.vector_load_idx %arg7[%add3A_493] : memref<32768xf32, #tpu.memory_space<vmem>>[vector<16xi32>], vector<16xf32>,
        %gather3A_495 = tpu.vector_load_idx %arg8[%add3A_53, %broadcast_in_dim3A_490] : memref<512x64xf32, #tpu.memory_space<vmem>>[vector<16xi32>, vector<16xi32>], vector<16xf32>,
        %mul3A_496 = arith.mulf %gather3A_494, %gather3A_495 : vector<16xf32>
        %add3A_497 = arith.addf %add3A_488, %mul3A_496 : vector<16xf32>
        %broadcast_in_dim3A_498 = arith.constant 49 : i32
        %broadcast_in_dim3A_499 = vector.broadcast %broadcast_in_dim3A_498 : i32 to vector<16xi32>
        %add3A_500 = arith.constant 49 : i32
        %add3A_501 = vector.broadcast %add3A_500 : i32 to vector<16xi32>
        %add3A_502 = arith.addi %mul3A_56, %add3A_501 : vector<16xi32>
        %gather3A_503 = tpu.vector_load_idx %arg7[%add3A_502] : memref<32768xf32, #tpu.memory_space<vmem>>[vector<16xi32>], vector<16xf32>,
        %gather3A_504 = tpu.vector_load_idx %arg8[%add3A_53, %broadcast_in_dim3A_499] : memref<512x64xf32, #tpu.memory_space<vmem>>[vector<16xi32>, vector<16xi32>], vector<16xf32>,
        %mul3A_505 = arith.mulf %gather3A_503, %gather3A_504 : vector<16xf32>
        %add3A_506 = arith.addf %add3A_497, %mul3A_505 : vector<16xf32>
        %broadcast_in_dim3A_507 = arith.constant 50 : i32
        %broadcast_in_dim3A_508 = vector.broadcast %broadcast_in_dim3A_507 : i32 to vector<16xi32>
        %add3A_509 = arith.constant 50 : i32
        %add3A_510 = vector.broadcast %add3A_509 : i32 to vector<16xi32>
        %add3A_511 = arith.addi %mul3A_56, %add3A_510 : vector<16xi32>
        %gather3A_512 = tpu.vector_load_idx %arg7[%add3A_511] : memref<32768xf32, #tpu.memory_space<vmem>>[vector<16xi32>], vector<16xf32>,
        %gather3A_513 = tpu.vector_load_idx %arg8[%add3A_53, %broadcast_in_dim3A_508] : memref<512x64xf32, #tpu.memory_space<vmem>>[vector<16xi32>, vector<16xi32>], vector<16xf32>,
        %mul3A_514 = arith.mulf %gather3A_512, %gather3A_513 : vector<16xf32>
        %add3A_515 = arith.addf %add3A_506, %mul3A_514 : vector<16xf32>
        %broadcast_in_dim3A_516 = arith.constant 51 : i32
        %broadcast_in_dim3A_517 = vector.broadcast %broadcast_in_dim3A_516 : i32 to vector<16xi32>
        %add3A_518 = arith.constant 51 : i32
        %add3A_519 = vector.broadcast %add3A_518 : i32 to vector<16xi32>
        %add3A_520 = arith.addi %mul3A_56, %add3A_519 : vector<16xi32>
        %gather3A_521 = tpu.vector_load_idx %arg7[%add3A_520] : memref<32768xf32, #tpu.memory_space<vmem>>[vector<16xi32>], vector<16xf32>,
        %gather3A_522 = tpu.vector_load_idx %arg8[%add3A_53, %broadcast_in_dim3A_517] : memref<512x64xf32, #tpu.memory_space<vmem>>[vector<16xi32>, vector<16xi32>], vector<16xf32>,
        %mul3A_523 = arith.mulf %gather3A_521, %gather3A_522 : vector<16xf32>
        %add3A_524 = arith.addf %add3A_515, %mul3A_523 : vector<16xf32>
        %broadcast_in_dim3A_525 = arith.constant 52 : i32
        %broadcast_in_dim3A_526 = vector.broadcast %broadcast_in_dim3A_525 : i32 to vector<16xi32>
        %add3A_527 = arith.constant 52 : i32
        %add3A_528 = vector.broadcast %add3A_527 : i32 to vector<16xi32>
        %add3A_529 = arith.addi %mul3A_56, %add3A_528 : vector<16xi32>
        %gather3A_530 = tpu.vector_load_idx %arg7[%add3A_529] : memref<32768xf32, #tpu.memory_space<vmem>>[vector<16xi32>], vector<16xf32>,
        %gather3A_531 = tpu.vector_load_idx %arg8[%add3A_53, %broadcast_in_dim3A_526] : memref<512x64xf32, #tpu.memory_space<vmem>>[vector<16xi32>, vector<16xi32>], vector<16xf32>,
        %mul3A_532 = arith.mulf %gather3A_530, %gather3A_531 : vector<16xf32>
        %add3A_533 = arith.addf %add3A_524, %mul3A_532 : vector<16xf32>
        %broadcast_in_dim3A_534 = arith.constant 53 : i32
        %broadcast_in_dim3A_535 = vector.broadcast %broadcast_in_dim3A_534 : i32 to vector<16xi32>
        %add3A_536 = arith.constant 53 : i32
        %add3A_537 = vector.broadcast %add3A_536 : i32 to vector<16xi32>
        %add3A_538 = arith.addi %mul3A_56, %add3A_537 : vector<16xi32>
        %gather3A_539 = tpu.vector_load_idx %arg7[%add3A_538] : memref<32768xf32, #tpu.memory_space<vmem>>[vector<16xi32>], vector<16xf32>,
        %gather3A_540 = tpu.vector_load_idx %arg8[%add3A_53, %broadcast_in_dim3A_535] : memref<512x64xf32, #tpu.memory_space<vmem>>[vector<16xi32>, vector<16xi32>], vector<16xf32>,
        %mul3A_541 = arith.mulf %gather3A_539, %gather3A_540 : vector<16xf32>
        %add3A_542 = arith.addf %add3A_533, %mul3A_541 : vector<16xf32>
        %broadcast_in_dim3A_543 = arith.constant 54 : i32
        %broadcast_in_dim3A_544 = vector.broadcast %broadcast_in_dim3A_543 : i32 to vector<16xi32>
        %add3A_545 = arith.constant 54 : i32
        %add3A_546 = vector.broadcast %add3A_545 : i32 to vector<16xi32>
        %add3A_547 = arith.addi %mul3A_56, %add3A_546 : vector<16xi32>
        %gather3A_548 = tpu.vector_load_idx %arg7[%add3A_547] : memref<32768xf32, #tpu.memory_space<vmem>>[vector<16xi32>], vector<16xf32>,
        %gather3A_549 = tpu.vector_load_idx %arg8[%add3A_53, %broadcast_in_dim3A_544] : memref<512x64xf32, #tpu.memory_space<vmem>>[vector<16xi32>, vector<16xi32>], vector<16xf32>,
        %mul3A_550 = arith.mulf %gather3A_548, %gather3A_549 : vector<16xf32>
        %add3A_551 = arith.addf %add3A_542, %mul3A_550 : vector<16xf32>
        %broadcast_in_dim3A_552 = arith.constant 55 : i32
        %broadcast_in_dim3A_553 = vector.broadcast %broadcast_in_dim3A_552 : i32 to vector<16xi32>
        %add3A_554 = arith.constant 55 : i32
        %add3A_555 = vector.broadcast %add3A_554 : i32 to vector<16xi32>
        %add3A_556 = arith.addi %mul3A_56, %add3A_555 : vector<16xi32>
        %gather3A_557 = tpu.vector_load_idx %arg7[%add3A_556] : memref<32768xf32, #tpu.memory_space<vmem>>[vector<16xi32>], vector<16xf32>,
        %gather3A_558 = tpu.vector_load_idx %arg8[%add3A_53, %broadcast_in_dim3A_553] : memref<512x64xf32, #tpu.memory_space<vmem>>[vector<16xi32>, vector<16xi32>], vector<16xf32>,
        %mul3A_559 = arith.mulf %gather3A_557, %gather3A_558 : vector<16xf32>
        %add3A_560 = arith.addf %add3A_551, %mul3A_559 : vector<16xf32>
        %broadcast_in_dim3A_561 = arith.constant 56 : i32
        %broadcast_in_dim3A_562 = vector.broadcast %broadcast_in_dim3A_561 : i32 to vector<16xi32>
        %add3A_563 = arith.constant 56 : i32
        %add3A_564 = vector.broadcast %add3A_563 : i32 to vector<16xi32>
        %add3A_565 = arith.addi %mul3A_56, %add3A_564 : vector<16xi32>
        %gather3A_566 = tpu.vector_load_idx %arg7[%add3A_565] : memref<32768xf32, #tpu.memory_space<vmem>>[vector<16xi32>], vector<16xf32>,
        %gather3A_567 = tpu.vector_load_idx %arg8[%add3A_53, %broadcast_in_dim3A_562] : memref<512x64xf32, #tpu.memory_space<vmem>>[vector<16xi32>, vector<16xi32>], vector<16xf32>,
        %mul3A_568 = arith.mulf %gather3A_566, %gather3A_567 : vector<16xf32>
        %add3A_569 = arith.addf %add3A_560, %mul3A_568 : vector<16xf32>
        %broadcast_in_dim3A_570 = arith.constant 57 : i32
        %broadcast_in_dim3A_571 = vector.broadcast %broadcast_in_dim3A_570 : i32 to vector<16xi32>
        %add3A_572 = arith.constant 57 : i32
        %add3A_573 = vector.broadcast %add3A_572 : i32 to vector<16xi32>
        %add3A_574 = arith.addi %mul3A_56, %add3A_573 : vector<16xi32>
        %gather3A_575 = tpu.vector_load_idx %arg7[%add3A_574] : memref<32768xf32, #tpu.memory_space<vmem>>[vector<16xi32>], vector<16xf32>,
        %gather3A_576 = tpu.vector_load_idx %arg8[%add3A_53, %broadcast_in_dim3A_571] : memref<512x64xf32, #tpu.memory_space<vmem>>[vector<16xi32>, vector<16xi32>], vector<16xf32>,
        %mul3A_577 = arith.mulf %gather3A_575, %gather3A_576 : vector<16xf32>
        %add3A_578 = arith.addf %add3A_569, %mul3A_577 : vector<16xf32>
        %broadcast_in_dim3A_579 = arith.constant 58 : i32
        %broadcast_in_dim3A_580 = vector.broadcast %broadcast_in_dim3A_579 : i32 to vector<16xi32>
        %add3A_581 = arith.constant 58 : i32
        %add3A_582 = vector.broadcast %add3A_581 : i32 to vector<16xi32>
        %add3A_583 = arith.addi %mul3A_56, %add3A_582 : vector<16xi32>
        %gather3A_584 = tpu.vector_load_idx %arg7[%add3A_583] : memref<32768xf32, #tpu.memory_space<vmem>>[vector<16xi32>], vector<16xf32>,
        %gather3A_585 = tpu.vector_load_idx %arg8[%add3A_53, %broadcast_in_dim3A_580] : memref<512x64xf32, #tpu.memory_space<vmem>>[vector<16xi32>, vector<16xi32>], vector<16xf32>,
        %mul3A_586 = arith.mulf %gather3A_584, %gather3A_585 : vector<16xf32>
        %add3A_587 = arith.addf %add3A_578, %mul3A_586 : vector<16xf32>
        %broadcast_in_dim3A_588 = arith.constant 59 : i32
        %broadcast_in_dim3A_589 = vector.broadcast %broadcast_in_dim3A_588 : i32 to vector<16xi32>
        %add3A_590 = arith.constant 59 : i32
        %add3A_591 = vector.broadcast %add3A_590 : i32 to vector<16xi32>
        %add3A_592 = arith.addi %mul3A_56, %add3A_591 : vector<16xi32>
        %gather3A_593 = tpu.vector_load_idx %arg7[%add3A_592] : memref<32768xf32, #tpu.memory_space<vmem>>[vector<16xi32>], vector<16xf32>,
        %gather3A_594 = tpu.vector_load_idx %arg8[%add3A_53, %broadcast_in_dim3A_589] : memref<512x64xf32, #tpu.memory_space<vmem>>[vector<16xi32>, vector<16xi32>], vector<16xf32>,
        %mul3A_595 = arith.mulf %gather3A_593, %gather3A_594 : vector<16xf32>
        %add3A_596 = arith.addf %add3A_587, %mul3A_595 : vector<16xf32>
        %broadcast_in_dim3A_597 = arith.constant 60 : i32
        %broadcast_in_dim3A_598 = vector.broadcast %broadcast_in_dim3A_597 : i32 to vector<16xi32>
        %add3A_599 = arith.constant 60 : i32
        %add3A_600 = vector.broadcast %add3A_599 : i32 to vector<16xi32>
        %add3A_601 = arith.addi %mul3A_56, %add3A_600 : vector<16xi32>
        %gather3A_602 = tpu.vector_load_idx %arg7[%add3A_601] : memref<32768xf32, #tpu.memory_space<vmem>>[vector<16xi32>], vector<16xf32>,
        %gather3A_603 = tpu.vector_load_idx %arg8[%add3A_53, %broadcast_in_dim3A_598] : memref<512x64xf32, #tpu.memory_space<vmem>>[vector<16xi32>, vector<16xi32>], vector<16xf32>,
        %mul3A_604 = arith.mulf %gather3A_602, %gather3A_603 : vector<16xf32>
        %add3A_605 = arith.addf %add3A_596, %mul3A_604 : vector<16xf32>
        %broadcast_in_dim3A_606 = arith.constant 61 : i32
        %broadcast_in_dim3A_607 = vector.broadcast %broadcast_in_dim3A_606 : i32 to vector<16xi32>
        %add3A_608 = arith.constant 61 : i32
        %add3A_609 = vector.broadcast %add3A_608 : i32 to vector<16xi32>
        %add3A_610 = arith.addi %mul3A_56, %add3A_609 : vector<16xi32>
        %gather3A_611 = tpu.vector_load_idx %arg7[%add3A_610] : memref<32768xf32, #tpu.memory_space<vmem>>[vector<16xi32>], vector<16xf32>,
        %gather3A_612 = tpu.vector_load_idx %arg8[%add3A_53, %broadcast_in_dim3A_607] : memref<512x64xf32, #tpu.memory_space<vmem>>[vector<16xi32>, vector<16xi32>], vector<16xf32>,
        %mul3A_613 = arith.mulf %gather3A_611, %gather3A_612 : vector<16xf32>
        %add3A_614 = arith.addf %add3A_605, %mul3A_613 : vector<16xf32>
        %broadcast_in_dim3A_615 = arith.constant 62 : i32
        %broadcast_in_dim3A_616 = vector.broadcast %broadcast_in_dim3A_615 : i32 to vector<16xi32>
        %add3A_617 = arith.constant 62 : i32
        %add3A_618 = vector.broadcast %add3A_617 : i32 to vector<16xi32>
        %add3A_619 = arith.addi %mul3A_56, %add3A_618 : vector<16xi32>
        %gather3A_620 = tpu.vector_load_idx %arg7[%add3A_619] : memref<32768xf32, #tpu.memory_space<vmem>>[vector<16xi32>], vector<16xf32>,
        %gather3A_621 = tpu.vector_load_idx %arg8[%add3A_53, %broadcast_in_dim3A_616] : memref<512x64xf32, #tpu.memory_space<vmem>>[vector<16xi32>, vector<16xi32>], vector<16xf32>,
        %mul3A_622 = arith.mulf %gather3A_620, %gather3A_621 : vector<16xf32>
        %add3A_623 = arith.addf %add3A_614, %mul3A_622 : vector<16xf32>
        %broadcast_in_dim3A_624 = arith.constant 63 : i32
        %broadcast_in_dim3A_625 = vector.broadcast %broadcast_in_dim3A_624 : i32 to vector<16xi32>
        %add3A_626 = arith.constant 63 : i32
        %add3A_627 = vector.broadcast %add3A_626 : i32 to vector<16xi32>
        %add3A_628 = arith.addi %mul3A_56, %add3A_627 : vector<16xi32>
        %gather3A_629 = tpu.vector_load_idx %arg7[%add3A_628] : memref<32768xf32, #tpu.memory_space<vmem>>[vector<16xi32>], vector<16xf32>,
        %gather3A_630 = tpu.vector_load_idx %arg8[%add3A_53, %broadcast_in_dim3A_625] : memref<512x64xf32, #tpu.memory_space<vmem>>[vector<16xi32>, vector<16xi32>], vector<16xf32>,
        %mul3A_631 = arith.mulf %gather3A_629, %gather3A_630 : vector<16xf32>
        %add3A_632 = arith.addf %add3A_623, %mul3A_631 : vector<16xf32>
        %swap3A = arith.index_cast %mul3A_51 : i32 to index
        %swap3A_633 = tpu.vector_load %arg9[%swap3A] {strides = array<i32>} : memref<512xf32, #tpu.memory_space<vmem>>, vector<16xf32>,
        tpu.vector_store %arg9[%swap3A], %add3A_632 {strides = array<i32>} : memref<512xf32, #tpu.memory_space<vmem>>, vector<16xf32>,
      } else {
      }
    }
    %scan3A_11 = arith.constant 32 : i32
    %scan3A_12 = arith.constant 0 : i32
    %scan3A_13 = arith.constant 30 : i32
    %scan3A_14 = arith.constant 2 : i32
    %scan3A_15 = arith.addi %scan3A_13, %scan3A_14 : i32
    %scan3A_16 = arith.constant 1 : i32
    scf.for %scan3A_18 = %scan3A_13 to %scan3A_15 step %scan3A_16  : i32 {
      %mul3A_19 = arith.constant 16 : i32
      %mul3A_20 = arith.muli %scan3A_18, %mul3A_19 : i32
      %dma_wait3A_21 = arith.constant 0 : i32
      %dma_wait3A_22 = tpu.memref_slice %arg8[%mul3A_20, %dma_wait3A_21] : memref<512x64xf32, #tpu.memory_space<vmem>> -> memref<16x64xf32, #tpu.memory_space<vmem>>
      %dma_wait3A_23 = arith.constant 0 : i32
      %dma_wait3A_24 = arith.constant 0 : i32
      %dma_wait3A_25 = tpu.memref_slice %arg3[%dma_wait3A_23, %dma_wait3A_24] : memref<1000000x64xf32, #tpu.memory_space<hbm>> -> memref<16x64xf32, #tpu.memory_space<hbm>>
      %dma_wait3A_26 = arith.constant 0 : i32
      %dma_wait3A_27 = tpu.memref_slice %arg8[%mul3A_20, %dma_wait3A_26] : memref<512x64xf32, #tpu.memory_space<vmem>> -> memref<16x64xf32, #tpu.memory_space<vmem>>
      %dma_wait3A_28 = arith.constant 0 : i32
      %dma_wait3A_29 = arith.constant 0 : i32
      %dma_wait3A_30 = tpu.memref_slice %arg3[%dma_wait3A_28, %dma_wait3A_29] : memref<1000000x64xf32, #tpu.memory_space<hbm>> -> memref<16x64xf32, #tpu.memory_space<hbm>>
      tpu.wait_dma2 semaphore(%arg11 : memref<!tpu.dma_semaphore, #tpu.memory_space<semaphore_mem>>) src(%dma_wait3A_30 : memref<16x64xf32, #tpu.memory_space<hbm>>) dst(%dma_wait3A_27 : memref<16x64xf32, #tpu.memory_space<vmem>>)
      %mul3A_31 = arith.constant 16 : i32
      %mul3A_32 = arith.muli %scan3A_18, %mul3A_31 : i32
      %add3A_33 = vector.broadcast %mul3A_32 : i32 to vector<16xi32>
      %add3A_34 = arith.addi %add3A_33, %iota3A : vector<16xi32>
      %mul3A_35 = arith.constant 64 : i32
      %mul3A_36 = vector.broadcast %mul3A_35 : i32 to vector<16xi32>
      %mul3A_37 = arith.muli %add3A_34, %mul3A_36 : vector<16xi32>
      %broadcast_in_dim3A = arith.constant 0.000000e+00 : f32
      %broadcast_in_dim3A_38 = vector.broadcast %broadcast_in_dim3A : f32 to vector<16xf32>
      %broadcast_in_dim3A_39 = arith.constant 0 : i32
      %broadcast_in_dim3A_40 = vector.broadcast %broadcast_in_dim3A_39 : i32 to vector<16xi32>
      %add3A_41 = arith.constant 0 : i32
      %add3A_42 = vector.broadcast %add3A_41 : i32 to vector<16xi32>
      %add3A_43 = arith.addi %mul3A_37, %add3A_42 : vector<16xi32>
      %gather3A = tpu.vector_load_idx %arg7[%add3A_43] : memref<32768xf32, #tpu.memory_space<vmem>>[vector<16xi32>], vector<16xf32>,
      %gather3A_44 = tpu.vector_load_idx %arg8[%add3A_34, %broadcast_in_dim3A_40] : memref<512x64xf32, #tpu.memory_space<vmem>>[vector<16xi32>, vector<16xi32>], vector<16xf32>,
      %mul3A_45 = arith.mulf %gather3A, %gather3A_44 : vector<16xf32>
      %add3A_46 = arith.addf %broadcast_in_dim3A_38, %mul3A_45 : vector<16xf32>
      %broadcast_in_dim3A_47 = arith.constant 1 : i32
      %broadcast_in_dim3A_48 = vector.broadcast %broadcast_in_dim3A_47 : i32 to vector<16xi32>
      %add3A_49 = arith.constant 1 : i32
      %add3A_50 = vector.broadcast %add3A_49 : i32 to vector<16xi32>
      %add3A_51 = arith.addi %mul3A_37, %add3A_50 : vector<16xi32>
      %gather3A_52 = tpu.vector_load_idx %arg7[%add3A_51] : memref<32768xf32, #tpu.memory_space<vmem>>[vector<16xi32>], vector<16xf32>,
      %gather3A_53 = tpu.vector_load_idx %arg8[%add3A_34, %broadcast_in_dim3A_48] : memref<512x64xf32, #tpu.memory_space<vmem>>[vector<16xi32>, vector<16xi32>], vector<16xf32>,
      %mul3A_54 = arith.mulf %gather3A_52, %gather3A_53 : vector<16xf32>
      %add3A_55 = arith.addf %add3A_46, %mul3A_54 : vector<16xf32>
      %broadcast_in_dim3A_56 = arith.constant 2 : i32
      %broadcast_in_dim3A_57 = vector.broadcast %broadcast_in_dim3A_56 : i32 to vector<16xi32>
      %add3A_58 = arith.constant 2 : i32
      %add3A_59 = vector.broadcast %add3A_58 : i32 to vector<16xi32>
      %add3A_60 = arith.addi %mul3A_37, %add3A_59 : vector<16xi32>
      %gather3A_61 = tpu.vector_load_idx %arg7[%add3A_60] : memref<32768xf32, #tpu.memory_space<vmem>>[vector<16xi32>], vector<16xf32>,
      %gather3A_62 = tpu.vector_load_idx %arg8[%add3A_34, %broadcast_in_dim3A_57] : memref<512x64xf32, #tpu.memory_space<vmem>>[vector<16xi32>, vector<16xi32>], vector<16xf32>,
      %mul3A_63 = arith.mulf %gather3A_61, %gather3A_62 : vector<16xf32>
      %add3A_64 = arith.addf %add3A_55, %mul3A_63 : vector<16xf32>
      %broadcast_in_dim3A_65 = arith.constant 3 : i32
      %broadcast_in_dim3A_66 = vector.broadcast %broadcast_in_dim3A_65 : i32 to vector<16xi32>
      %add3A_67 = arith.constant 3 : i32
      %add3A_68 = vector.broadcast %add3A_67 : i32 to vector<16xi32>
      %add3A_69 = arith.addi %mul3A_37, %add3A_68 : vector<16xi32>
      %gather3A_70 = tpu.vector_load_idx %arg7[%add3A_69] : memref<32768xf32, #tpu.memory_space<vmem>>[vector<16xi32>], vector<16xf32>,
      %gather3A_71 = tpu.vector_load_idx %arg8[%add3A_34, %broadcast_in_dim3A_66] : memref<512x64xf32, #tpu.memory_space<vmem>>[vector<16xi32>, vector<16xi32>], vector<16xf32>,
      %mul3A_72 = arith.mulf %gather3A_70, %gather3A_71 : vector<16xf32>
      %add3A_73 = arith.addf %add3A_64, %mul3A_72 : vector<16xf32>
      %broadcast_in_dim3A_74 = arith.constant 4 : i32
      %broadcast_in_dim3A_75 = vector.broadcast %broadcast_in_dim3A_74 : i32 to vector<16xi32>
      %add3A_76 = arith.constant 4 : i32
      %add3A_77 = vector.broadcast %add3A_76 : i32 to vector<16xi32>
      %add3A_78 = arith.addi %mul3A_37, %add3A_77 : vector<16xi32>
      %gather3A_79 = tpu.vector_load_idx %arg7[%add3A_78] : memref<32768xf32, #tpu.memory_space<vmem>>[vector<16xi32>], vector<16xf32>,
      %gather3A_80 = tpu.vector_load_idx %arg8[%add3A_34, %broadcast_in_dim3A_75] : memref<512x64xf32, #tpu.memory_space<vmem>>[vector<16xi32>, vector<16xi32>], vector<16xf32>,
      %mul3A_81 = arith.mulf %gather3A_79, %gather3A_80 : vector<16xf32>
      %add3A_82 = arith.addf %add3A_73, %mul3A_81 : vector<16xf32>
      %broadcast_in_dim3A_83 = arith.constant 5 : i32
      %broadcast_in_dim3A_84 = vector.broadcast %broadcast_in_dim3A_83 : i32 to vector<16xi32>
      %add3A_85 = arith.constant 5 : i32
      %add3A_86 = vector.broadcast %add3A_85 : i32 to vector<16xi32>
      %add3A_87 = arith.addi %mul3A_37, %add3A_86 : vector<16xi32>
      %gather3A_88 = tpu.vector_load_idx %arg7[%add3A_87] : memref<32768xf32, #tpu.memory_space<vmem>>[vector<16xi32>], vector<16xf32>,
      %gather3A_89 = tpu.vector_load_idx %arg8[%add3A_34, %broadcast_in_dim3A_84] : memref<512x64xf32, #tpu.memory_space<vmem>>[vector<16xi32>, vector<16xi32>], vector<16xf32>,
      %mul3A_90 = arith.mulf %gather3A_88, %gather3A_89 : vector<16xf32>
      %add3A_91 = arith.addf %add3A_82, %mul3A_90 : vector<16xf32>
      %broadcast_in_dim3A_92 = arith.constant 6 : i32
      %broadcast_in_dim3A_93 = vector.broadcast %broadcast_in_dim3A_92 : i32 to vector<16xi32>
      %add3A_94 = arith.constant 6 : i32
      %add3A_95 = vector.broadcast %add3A_94 : i32 to vector<16xi32>
      %add3A_96 = arith.addi %mul3A_37, %add3A_95 : vector<16xi32>
      %gather3A_97 = tpu.vector_load_idx %arg7[%add3A_96] : memref<32768xf32, #tpu.memory_space<vmem>>[vector<16xi32>], vector<16xf32>,
      %gather3A_98 = tpu.vector_load_idx %arg8[%add3A_34, %broadcast_in_dim3A_93] : memref<512x64xf32, #tpu.memory_space<vmem>>[vector<16xi32>, vector<16xi32>], vector<16xf32>,
      %mul3A_99 = arith.mulf %gather3A_97, %gather3A_98 : vector<16xf32>
      %add3A_100 = arith.addf %add3A_91, %mul3A_99 : vector<16xf32>
      %broadcast_in_dim3A_101 = arith.constant 7 : i32
      %broadcast_in_dim3A_102 = vector.broadcast %broadcast_in_dim3A_101 : i32 to vector<16xi32>
      %add3A_103 = arith.constant 7 : i32
      %add3A_104 = vector.broadcast %add3A_103 : i32 to vector<16xi32>
      %add3A_105 = arith.addi %mul3A_37, %add3A_104 : vector<16xi32>
      %gather3A_106 = tpu.vector_load_idx %arg7[%add3A_105] : memref<32768xf32, #tpu.memory_space<vmem>>[vector<16xi32>], vector<16xf32>,
      %gather3A_107 = tpu.vector_load_idx %arg8[%add3A_34, %broadcast_in_dim3A_102] : memref<512x64xf32, #tpu.memory_space<vmem>>[vector<16xi32>, vector<16xi32>], vector<16xf32>,
      %mul3A_108 = arith.mulf %gather3A_106, %gather3A_107 : vector<16xf32>
      %add3A_109 = arith.addf %add3A_100, %mul3A_108 : vector<16xf32>
      %broadcast_in_dim3A_110 = arith.constant 8 : i32
      %broadcast_in_dim3A_111 = vector.broadcast %broadcast_in_dim3A_110 : i32 to vector<16xi32>
      %add3A_112 = arith.constant 8 : i32
      %add3A_113 = vector.broadcast %add3A_112 : i32 to vector<16xi32>
      %add3A_114 = arith.addi %mul3A_37, %add3A_113 : vector<16xi32>
      %gather3A_115 = tpu.vector_load_idx %arg7[%add3A_114] : memref<32768xf32, #tpu.memory_space<vmem>>[vector<16xi32>], vector<16xf32>,
      %gather3A_116 = tpu.vector_load_idx %arg8[%add3A_34, %broadcast_in_dim3A_111] : memref<512x64xf32, #tpu.memory_space<vmem>>[vector<16xi32>, vector<16xi32>], vector<16xf32>,
      %mul3A_117 = arith.mulf %gather3A_115, %gather3A_116 : vector<16xf32>
      %add3A_118 = arith.addf %add3A_109, %mul3A_117 : vector<16xf32>
      %broadcast_in_dim3A_119 = arith.constant 9 : i32
      %broadcast_in_dim3A_120 = vector.broadcast %broadcast_in_dim3A_119 : i32 to vector<16xi32>
      %add3A_121 = arith.constant 9 : i32
      %add3A_122 = vector.broadcast %add3A_121 : i32 to vector<16xi32>
      %add3A_123 = arith.addi %mul3A_37, %add3A_122 : vector<16xi32>
      %gather3A_124 = tpu.vector_load_idx %arg7[%add3A_123] : memref<32768xf32, #tpu.memory_space<vmem>>[vector<16xi32>], vector<16xf32>,
      %gather3A_125 = tpu.vector_load_idx %arg8[%add3A_34, %broadcast_in_dim3A_120] : memref<512x64xf32, #tpu.memory_space<vmem>>[vector<16xi32>, vector<16xi32>], vector<16xf32>,
      %mul3A_126 = arith.mulf %gather3A_124, %gather3A_125 : vector<16xf32>
      %add3A_127 = arith.addf %add3A_118, %mul3A_126 : vector<16xf32>
      %broadcast_in_dim3A_128 = arith.constant 10 : i32
      %broadcast_in_dim3A_129 = vector.broadcast %broadcast_in_dim3A_128 : i32 to vector<16xi32>
      %add3A_130 = arith.constant 10 : i32
      %add3A_131 = vector.broadcast %add3A_130 : i32 to vector<16xi32>
      %add3A_132 = arith.addi %mul3A_37, %add3A_131 : vector<16xi32>
      %gather3A_133 = tpu.vector_load_idx %arg7[%add3A_132] : memref<32768xf32, #tpu.memory_space<vmem>>[vector<16xi32>], vector<16xf32>,
      %gather3A_134 = tpu.vector_load_idx %arg8[%add3A_34, %broadcast_in_dim3A_129] : memref<512x64xf32, #tpu.memory_space<vmem>>[vector<16xi32>, vector<16xi32>], vector<16xf32>,
      %mul3A_135 = arith.mulf %gather3A_133, %gather3A_134 : vector<16xf32>
      %add3A_136 = arith.addf %add3A_127, %mul3A_135 : vector<16xf32>
      %broadcast_in_dim3A_137 = arith.constant 11 : i32
      %broadcast_in_dim3A_138 = vector.broadcast %broadcast_in_dim3A_137 : i32 to vector<16xi32>
      %add3A_139 = arith.constant 11 : i32
      %add3A_140 = vector.broadcast %add3A_139 : i32 to vector<16xi32>
      %add3A_141 = arith.addi %mul3A_37, %add3A_140 : vector<16xi32>
      %gather3A_142 = tpu.vector_load_idx %arg7[%add3A_141] : memref<32768xf32, #tpu.memory_space<vmem>>[vector<16xi32>], vector<16xf32>,
      %gather3A_143 = tpu.vector_load_idx %arg8[%add3A_34, %broadcast_in_dim3A_138] : memref<512x64xf32, #tpu.memory_space<vmem>>[vector<16xi32>, vector<16xi32>], vector<16xf32>,
      %mul3A_144 = arith.mulf %gather3A_142, %gather3A_143 : vector<16xf32>
      %add3A_145 = arith.addf %add3A_136, %mul3A_144 : vector<16xf32>
      %broadcast_in_dim3A_146 = arith.constant 12 : i32
      %broadcast_in_dim3A_147 = vector.broadcast %broadcast_in_dim3A_146 : i32 to vector<16xi32>
      %add3A_148 = arith.constant 12 : i32
      %add3A_149 = vector.broadcast %add3A_148 : i32 to vector<16xi32>
      %add3A_150 = arith.addi %mul3A_37, %add3A_149 : vector<16xi32>
      %gather3A_151 = tpu.vector_load_idx %arg7[%add3A_150] : memref<32768xf32, #tpu.memory_space<vmem>>[vector<16xi32>], vector<16xf32>,
      %gather3A_152 = tpu.vector_load_idx %arg8[%add3A_34, %broadcast_in_dim3A_147] : memref<512x64xf32, #tpu.memory_space<vmem>>[vector<16xi32>, vector<16xi32>], vector<16xf32>,
      %mul3A_153 = arith.mulf %gather3A_151, %gather3A_152 : vector<16xf32>
      %add3A_154 = arith.addf %add3A_145, %mul3A_153 : vector<16xf32>
      %broadcast_in_dim3A_155 = arith.constant 13 : i32
      %broadcast_in_dim3A_156 = vector.broadcast %broadcast_in_dim3A_155 : i32 to vector<16xi32>
      %add3A_157 = arith.constant 13 : i32
      %add3A_158 = vector.broadcast %add3A_157 : i32 to vector<16xi32>
      %add3A_159 = arith.addi %mul3A_37, %add3A_158 : vector<16xi32>
      %gather3A_160 = tpu.vector_load_idx %arg7[%add3A_159] : memref<32768xf32, #tpu.memory_space<vmem>>[vector<16xi32>], vector<16xf32>,
      %gather3A_161 = tpu.vector_load_idx %arg8[%add3A_34, %broadcast_in_dim3A_156] : memref<512x64xf32, #tpu.memory_space<vmem>>[vector<16xi32>, vector<16xi32>], vector<16xf32>,
      %mul3A_162 = arith.mulf %gather3A_160, %gather3A_161 : vector<16xf32>
      %add3A_163 = arith.addf %add3A_154, %mul3A_162 : vector<16xf32>
      %broadcast_in_dim3A_164 = arith.constant 14 : i32
      %broadcast_in_dim3A_165 = vector.broadcast %broadcast_in_dim3A_164 : i32 to vector<16xi32>
      %add3A_166 = arith.constant 14 : i32
      %add3A_167 = vector.broadcast %add3A_166 : i32 to vector<16xi32>
      %add3A_168 = arith.addi %mul3A_37, %add3A_167 : vector<16xi32>
      %gather3A_169 = tpu.vector_load_idx %arg7[%add3A_168] : memref<32768xf32, #tpu.memory_space<vmem>>[vector<16xi32>], vector<16xf32>,
      %gather3A_170 = tpu.vector_load_idx %arg8[%add3A_34, %broadcast_in_dim3A_165] : memref<512x64xf32, #tpu.memory_space<vmem>>[vector<16xi32>, vector<16xi32>], vector<16xf32>,
      %mul3A_171 = arith.mulf %gather3A_169, %gather3A_170 : vector<16xf32>
      %add3A_172 = arith.addf %add3A_163, %mul3A_171 : vector<16xf32>
      %broadcast_in_dim3A_173 = arith.constant 15 : i32
      %broadcast_in_dim3A_174 = vector.broadcast %broadcast_in_dim3A_173 : i32 to vector<16xi32>
      %add3A_175 = arith.constant 15 : i32
      %add3A_176 = vector.broadcast %add3A_175 : i32 to vector<16xi32>
      %add3A_177 = arith.addi %mul3A_37, %add3A_176 : vector<16xi32>
      %gather3A_178 = tpu.vector_load_idx %arg7[%add3A_177] : memref<32768xf32, #tpu.memory_space<vmem>>[vector<16xi32>], vector<16xf32>,
      %gather3A_179 = tpu.vector_load_idx %arg8[%add3A_34, %broadcast_in_dim3A_174] : memref<512x64xf32, #tpu.memory_space<vmem>>[vector<16xi32>, vector<16xi32>], vector<16xf32>,
      %mul3A_180 = arith.mulf %gather3A_178, %gather3A_179 : vector<16xf32>
      %add3A_181 = arith.addf %add3A_172, %mul3A_180 : vector<16xf32>
      %broadcast_in_dim3A_182 = arith.constant 16 : i32
      %broadcast_in_dim3A_183 = vector.broadcast %broadcast_in_dim3A_182 : i32 to vector<16xi32>
      %add3A_184 = arith.constant 16 : i32
      %add3A_185 = vector.broadcast %add3A_184 : i32 to vector<16xi32>
      %add3A_186 = arith.addi %mul3A_37, %add3A_185 : vector<16xi32>
      %gather3A_187 = tpu.vector_load_idx %arg7[%add3A_186] : memref<32768xf32, #tpu.memory_space<vmem>>[vector<16xi32>], vector<16xf32>,
      %gather3A_188 = tpu.vector_load_idx %arg8[%add3A_34, %broadcast_in_dim3A_183] : memref<512x64xf32, #tpu.memory_space<vmem>>[vector<16xi32>, vector<16xi32>], vector<16xf32>,
      %mul3A_189 = arith.mulf %gather3A_187, %gather3A_188 : vector<16xf32>
      %add3A_190 = arith.addf %add3A_181, %mul3A_189 : vector<16xf32>
      %broadcast_in_dim3A_191 = arith.constant 17 : i32
      %broadcast_in_dim3A_192 = vector.broadcast %broadcast_in_dim3A_191 : i32 to vector<16xi32>
      %add3A_193 = arith.constant 17 : i32
      %add3A_194 = vector.broadcast %add3A_193 : i32 to vector<16xi32>
      %add3A_195 = arith.addi %mul3A_37, %add3A_194 : vector<16xi32>
      %gather3A_196 = tpu.vector_load_idx %arg7[%add3A_195] : memref<32768xf32, #tpu.memory_space<vmem>>[vector<16xi32>], vector<16xf32>,
      %gather3A_197 = tpu.vector_load_idx %arg8[%add3A_34, %broadcast_in_dim3A_192] : memref<512x64xf32, #tpu.memory_space<vmem>>[vector<16xi32>, vector<16xi32>], vector<16xf32>,
      %mul3A_198 = arith.mulf %gather3A_196, %gather3A_197 : vector<16xf32>
      %add3A_199 = arith.addf %add3A_190, %mul3A_198 : vector<16xf32>
      %broadcast_in_dim3A_200 = arith.constant 18 : i32
      %broadcast_in_dim3A_201 = vector.broadcast %broadcast_in_dim3A_200 : i32 to vector<16xi32>
      %add3A_202 = arith.constant 18 : i32
      %add3A_203 = vector.broadcast %add3A_202 : i32 to vector<16xi32>
      %add3A_204 = arith.addi %mul3A_37, %add3A_203 : vector<16xi32>
      %gather3A_205 = tpu.vector_load_idx %arg7[%add3A_204] : memref<32768xf32, #tpu.memory_space<vmem>>[vector<16xi32>], vector<16xf32>,
      %gather3A_206 = tpu.vector_load_idx %arg8[%add3A_34, %broadcast_in_dim3A_201] : memref<512x64xf32, #tpu.memory_space<vmem>>[vector<16xi32>, vector<16xi32>], vector<16xf32>,
      %mul3A_207 = arith.mulf %gather3A_205, %gather3A_206 : vector<16xf32>
      %add3A_208 = arith.addf %add3A_199, %mul3A_207 : vector<16xf32>
      %broadcast_in_dim3A_209 = arith.constant 19 : i32
      %broadcast_in_dim3A_210 = vector.broadcast %broadcast_in_dim3A_209 : i32 to vector<16xi32>
      %add3A_211 = arith.constant 19 : i32
      %add3A_212 = vector.broadcast %add3A_211 : i32 to vector<16xi32>
      %add3A_213 = arith.addi %mul3A_37, %add3A_212 : vector<16xi32>
      %gather3A_214 = tpu.vector_load_idx %arg7[%add3A_213] : memref<32768xf32, #tpu.memory_space<vmem>>[vector<16xi32>], vector<16xf32>,
      %gather3A_215 = tpu.vector_load_idx %arg8[%add3A_34, %broadcast_in_dim3A_210] : memref<512x64xf32, #tpu.memory_space<vmem>>[vector<16xi32>, vector<16xi32>], vector<16xf32>,
      %mul3A_216 = arith.mulf %gather3A_214, %gather3A_215 : vector<16xf32>
      %add3A_217 = arith.addf %add3A_208, %mul3A_216 : vector<16xf32>
      %broadcast_in_dim3A_218 = arith.constant 20 : i32
      %broadcast_in_dim3A_219 = vector.broadcast %broadcast_in_dim3A_218 : i32 to vector<16xi32>
      %add3A_220 = arith.constant 20 : i32
      %add3A_221 = vector.broadcast %add3A_220 : i32 to vector<16xi32>
      %add3A_222 = arith.addi %mul3A_37, %add3A_221 : vector<16xi32>
      %gather3A_223 = tpu.vector_load_idx %arg7[%add3A_222] : memref<32768xf32, #tpu.memory_space<vmem>>[vector<16xi32>], vector<16xf32>,
      %gather3A_224 = tpu.vector_load_idx %arg8[%add3A_34, %broadcast_in_dim3A_219] : memref<512x64xf32, #tpu.memory_space<vmem>>[vector<16xi32>, vector<16xi32>], vector<16xf32>,
      %mul3A_225 = arith.mulf %gather3A_223, %gather3A_224 : vector<16xf32>
      %add3A_226 = arith.addf %add3A_217, %mul3A_225 : vector<16xf32>
      %broadcast_in_dim3A_227 = arith.constant 21 : i32
      %broadcast_in_dim3A_228 = vector.broadcast %broadcast_in_dim3A_227 : i32 to vector<16xi32>
      %add3A_229 = arith.constant 21 : i32
      %add3A_230 = vector.broadcast %add3A_229 : i32 to vector<16xi32>
      %add3A_231 = arith.addi %mul3A_37, %add3A_230 : vector<16xi32>
      %gather3A_232 = tpu.vector_load_idx %arg7[%add3A_231] : memref<32768xf32, #tpu.memory_space<vmem>>[vector<16xi32>], vector<16xf32>,
      %gather3A_233 = tpu.vector_load_idx %arg8[%add3A_34, %broadcast_in_dim3A_228] : memref<512x64xf32, #tpu.memory_space<vmem>>[vector<16xi32>, vector<16xi32>], vector<16xf32>,
      %mul3A_234 = arith.mulf %gather3A_232, %gather3A_233 : vector<16xf32>
      %add3A_235 = arith.addf %add3A_226, %mul3A_234 : vector<16xf32>
      %broadcast_in_dim3A_236 = arith.constant 22 : i32
      %broadcast_in_dim3A_237 = vector.broadcast %broadcast_in_dim3A_236 : i32 to vector<16xi32>
      %add3A_238 = arith.constant 22 : i32
      %add3A_239 = vector.broadcast %add3A_238 : i32 to vector<16xi32>
      %add3A_240 = arith.addi %mul3A_37, %add3A_239 : vector<16xi32>
      %gather3A_241 = tpu.vector_load_idx %arg7[%add3A_240] : memref<32768xf32, #tpu.memory_space<vmem>>[vector<16xi32>], vector<16xf32>,
      %gather3A_242 = tpu.vector_load_idx %arg8[%add3A_34, %broadcast_in_dim3A_237] : memref<512x64xf32, #tpu.memory_space<vmem>>[vector<16xi32>, vector<16xi32>], vector<16xf32>,
      %mul3A_243 = arith.mulf %gather3A_241, %gather3A_242 : vector<16xf32>
      %add3A_244 = arith.addf %add3A_235, %mul3A_243 : vector<16xf32>
      %broadcast_in_dim3A_245 = arith.constant 23 : i32
      %broadcast_in_dim3A_246 = vector.broadcast %broadcast_in_dim3A_245 : i32 to vector<16xi32>
      %add3A_247 = arith.constant 23 : i32
      %add3A_248 = vector.broadcast %add3A_247 : i32 to vector<16xi32>
      %add3A_249 = arith.addi %mul3A_37, %add3A_248 : vector<16xi32>
      %gather3A_250 = tpu.vector_load_idx %arg7[%add3A_249] : memref<32768xf32, #tpu.memory_space<vmem>>[vector<16xi32>], vector<16xf32>,
      %gather3A_251 = tpu.vector_load_idx %arg8[%add3A_34, %broadcast_in_dim3A_246] : memref<512x64xf32, #tpu.memory_space<vmem>>[vector<16xi32>, vector<16xi32>], vector<16xf32>,
      %mul3A_252 = arith.mulf %gather3A_250, %gather3A_251 : vector<16xf32>
      %add3A_253 = arith.addf %add3A_244, %mul3A_252 : vector<16xf32>
      %broadcast_in_dim3A_254 = arith.constant 24 : i32
      %broadcast_in_dim3A_255 = vector.broadcast %broadcast_in_dim3A_254 : i32 to vector<16xi32>
      %add3A_256 = arith.constant 24 : i32
      %add3A_257 = vector.broadcast %add3A_256 : i32 to vector<16xi32>
      %add3A_258 = arith.addi %mul3A_37, %add3A_257 : vector<16xi32>
      %gather3A_259 = tpu.vector_load_idx %arg7[%add3A_258] : memref<32768xf32, #tpu.memory_space<vmem>>[vector<16xi32>], vector<16xf32>,
      %gather3A_260 = tpu.vector_load_idx %arg8[%add3A_34, %broadcast_in_dim3A_255] : memref<512x64xf32, #tpu.memory_space<vmem>>[vector<16xi32>, vector<16xi32>], vector<16xf32>,
      %mul3A_261 = arith.mulf %gather3A_259, %gather3A_260 : vector<16xf32>
      %add3A_262 = arith.addf %add3A_253, %mul3A_261 : vector<16xf32>
      %broadcast_in_dim3A_263 = arith.constant 25 : i32
      %broadcast_in_dim3A_264 = vector.broadcast %broadcast_in_dim3A_263 : i32 to vector<16xi32>
      %add3A_265 = arith.constant 25 : i32
      %add3A_266 = vector.broadcast %add3A_265 : i32 to vector<16xi32>
      %add3A_267 = arith.addi %mul3A_37, %add3A_266 : vector<16xi32>
      %gather3A_268 = tpu.vector_load_idx %arg7[%add3A_267] : memref<32768xf32, #tpu.memory_space<vmem>>[vector<16xi32>], vector<16xf32>,
      %gather3A_269 = tpu.vector_load_idx %arg8[%add3A_34, %broadcast_in_dim3A_264] : memref<512x64xf32, #tpu.memory_space<vmem>>[vector<16xi32>, vector<16xi32>], vector<16xf32>,
      %mul3A_270 = arith.mulf %gather3A_268, %gather3A_269 : vector<16xf32>
      %add3A_271 = arith.addf %add3A_262, %mul3A_270 : vector<16xf32>
      %broadcast_in_dim3A_272 = arith.constant 26 : i32
      %broadcast_in_dim3A_273 = vector.broadcast %broadcast_in_dim3A_272 : i32 to vector<16xi32>
      %add3A_274 = arith.constant 26 : i32
      %add3A_275 = vector.broadcast %add3A_274 : i32 to vector<16xi32>
      %add3A_276 = arith.addi %mul3A_37, %add3A_275 : vector<16xi32>
      %gather3A_277 = tpu.vector_load_idx %arg7[%add3A_276] : memref<32768xf32, #tpu.memory_space<vmem>>[vector<16xi32>], vector<16xf32>,
      %gather3A_278 = tpu.vector_load_idx %arg8[%add3A_34, %broadcast_in_dim3A_273] : memref<512x64xf32, #tpu.memory_space<vmem>>[vector<16xi32>, vector<16xi32>], vector<16xf32>,
      %mul3A_279 = arith.mulf %gather3A_277, %gather3A_278 : vector<16xf32>
      %add3A_280 = arith.addf %add3A_271, %mul3A_279 : vector<16xf32>
      %broadcast_in_dim3A_281 = arith.constant 27 : i32
      %broadcast_in_dim3A_282 = vector.broadcast %broadcast_in_dim3A_281 : i32 to vector<16xi32>
      %add3A_283 = arith.constant 27 : i32
      %add3A_284 = vector.broadcast %add3A_283 : i32 to vector<16xi32>
      %add3A_285 = arith.addi %mul3A_37, %add3A_284 : vector<16xi32>
      %gather3A_286 = tpu.vector_load_idx %arg7[%add3A_285] : memref<32768xf32, #tpu.memory_space<vmem>>[vector<16xi32>], vector<16xf32>,
      %gather3A_287 = tpu.vector_load_idx %arg8[%add3A_34, %broadcast_in_dim3A_282] : memref<512x64xf32, #tpu.memory_space<vmem>>[vector<16xi32>, vector<16xi32>], vector<16xf32>,
      %mul3A_288 = arith.mulf %gather3A_286, %gather3A_287 : vector<16xf32>
      %add3A_289 = arith.addf %add3A_280, %mul3A_288 : vector<16xf32>
      %broadcast_in_dim3A_290 = arith.constant 28 : i32
      %broadcast_in_dim3A_291 = vector.broadcast %broadcast_in_dim3A_290 : i32 to vector<16xi32>
      %add3A_292 = arith.constant 28 : i32
      %add3A_293 = vector.broadcast %add3A_292 : i32 to vector<16xi32>
      %add3A_294 = arith.addi %mul3A_37, %add3A_293 : vector<16xi32>
      %gather3A_295 = tpu.vector_load_idx %arg7[%add3A_294] : memref<32768xf32, #tpu.memory_space<vmem>>[vector<16xi32>], vector<16xf32>,
      %gather3A_296 = tpu.vector_load_idx %arg8[%add3A_34, %broadcast_in_dim3A_291] : memref<512x64xf32, #tpu.memory_space<vmem>>[vector<16xi32>, vector<16xi32>], vector<16xf32>,
      %mul3A_297 = arith.mulf %gather3A_295, %gather3A_296 : vector<16xf32>
      %add3A_298 = arith.addf %add3A_289, %mul3A_297 : vector<16xf32>
      %broadcast_in_dim3A_299 = arith.constant 29 : i32
      %broadcast_in_dim3A_300 = vector.broadcast %broadcast_in_dim3A_299 : i32 to vector<16xi32>
      %add3A_301 = arith.constant 29 : i32
      %add3A_302 = vector.broadcast %add3A_301 : i32 to vector<16xi32>
      %add3A_303 = arith.addi %mul3A_37, %add3A_302 : vector<16xi32>
      %gather3A_304 = tpu.vector_load_idx %arg7[%add3A_303] : memref<32768xf32, #tpu.memory_space<vmem>>[vector<16xi32>], vector<16xf32>,
      %gather3A_305 = tpu.vector_load_idx %arg8[%add3A_34, %broadcast_in_dim3A_300] : memref<512x64xf32, #tpu.memory_space<vmem>>[vector<16xi32>, vector<16xi32>], vector<16xf32>,
      %mul3A_306 = arith.mulf %gather3A_304, %gather3A_305 : vector<16xf32>
      %add3A_307 = arith.addf %add3A_298, %mul3A_306 : vector<16xf32>
      %broadcast_in_dim3A_308 = arith.constant 30 : i32
      %broadcast_in_dim3A_309 = vector.broadcast %broadcast_in_dim3A_308 : i32 to vector<16xi32>
      %add3A_310 = arith.constant 30 : i32
      %add3A_311 = vector.broadcast %add3A_310 : i32 to vector<16xi32>
      %add3A_312 = arith.addi %mul3A_37, %add3A_311 : vector<16xi32>
      %gather3A_313 = tpu.vector_load_idx %arg7[%add3A_312] : memref<32768xf32, #tpu.memory_space<vmem>>[vector<16xi32>], vector<16xf32>,
      %gather3A_314 = tpu.vector_load_idx %arg8[%add3A_34, %broadcast_in_dim3A_309] : memref<512x64xf32, #tpu.memory_space<vmem>>[vector<16xi32>, vector<16xi32>], vector<16xf32>,
      %mul3A_315 = arith.mulf %gather3A_313, %gather3A_314 : vector<16xf32>
      %add3A_316 = arith.addf %add3A_307, %mul3A_315 : vector<16xf32>
      %broadcast_in_dim3A_317 = arith.constant 31 : i32
      %broadcast_in_dim3A_318 = vector.broadcast %broadcast_in_dim3A_317 : i32 to vector<16xi32>
      %add3A_319 = arith.constant 31 : i32
      %add3A_320 = vector.broadcast %add3A_319 : i32 to vector<16xi32>
      %add3A_321 = arith.addi %mul3A_37, %add3A_320 : vector<16xi32>
      %gather3A_322 = tpu.vector_load_idx %arg7[%add3A_321] : memref<32768xf32, #tpu.memory_space<vmem>>[vector<16xi32>], vector<16xf32>,
      %gather3A_323 = tpu.vector_load_idx %arg8[%add3A_34, %broadcast_in_dim3A_318] : memref<512x64xf32, #tpu.memory_space<vmem>>[vector<16xi32>, vector<16xi32>], vector<16xf32>,
      %mul3A_324 = arith.mulf %gather3A_322, %gather3A_323 : vector<16xf32>
      %add3A_325 = arith.addf %add3A_316, %mul3A_324 : vector<16xf32>
      %broadcast_in_dim3A_326 = arith.constant 32 : i32
      %broadcast_in_dim3A_327 = vector.broadcast %broadcast_in_dim3A_326 : i32 to vector<16xi32>
      %add3A_328 = arith.constant 32 : i32
      %add3A_329 = vector.broadcast %add3A_328 : i32 to vector<16xi32>
      %add3A_330 = arith.addi %mul3A_37, %add3A_329 : vector<16xi32>
      %gather3A_331 = tpu.vector_load_idx %arg7[%add3A_330] : memref<32768xf32, #tpu.memory_space<vmem>>[vector<16xi32>], vector<16xf32>,
      %gather3A_332 = tpu.vector_load_idx %arg8[%add3A_34, %broadcast_in_dim3A_327] : memref<512x64xf32, #tpu.memory_space<vmem>>[vector<16xi32>, vector<16xi32>], vector<16xf32>,
      %mul3A_333 = arith.mulf %gather3A_331, %gather3A_332 : vector<16xf32>
      %add3A_334 = arith.addf %add3A_325, %mul3A_333 : vector<16xf32>
      %broadcast_in_dim3A_335 = arith.constant 33 : i32
      %broadcast_in_dim3A_336 = vector.broadcast %broadcast_in_dim3A_335 : i32 to vector<16xi32>
      %add3A_337 = arith.constant 33 : i32
      %add3A_338 = vector.broadcast %add3A_337 : i32 to vector<16xi32>
      %add3A_339 = arith.addi %mul3A_37, %add3A_338 : vector<16xi32>
      %gather3A_340 = tpu.vector_load_idx %arg7[%add3A_339] : memref<32768xf32, #tpu.memory_space<vmem>>[vector<16xi32>], vector<16xf32>,
      %gather3A_341 = tpu.vector_load_idx %arg8[%add3A_34, %broadcast_in_dim3A_336] : memref<512x64xf32, #tpu.memory_space<vmem>>[vector<16xi32>, vector<16xi32>], vector<16xf32>,
      %mul3A_342 = arith.mulf %gather3A_340, %gather3A_341 : vector<16xf32>
      %add3A_343 = arith.addf %add3A_334, %mul3A_342 : vector<16xf32>
      %broadcast_in_dim3A_344 = arith.constant 34 : i32
      %broadcast_in_dim3A_345 = vector.broadcast %broadcast_in_dim3A_344 : i32 to vector<16xi32>
      %add3A_346 = arith.constant 34 : i32
      %add3A_347 = vector.broadcast %add3A_346 : i32 to vector<16xi32>
      %add3A_348 = arith.addi %mul3A_37, %add3A_347 : vector<16xi32>
      %gather3A_349 = tpu.vector_load_idx %arg7[%add3A_348] : memref<32768xf32, #tpu.memory_space<vmem>>[vector<16xi32>], vector<16xf32>,
      %gather3A_350 = tpu.vector_load_idx %arg8[%add3A_34, %broadcast_in_dim3A_345] : memref<512x64xf32, #tpu.memory_space<vmem>>[vector<16xi32>, vector<16xi32>], vector<16xf32>,
      %mul3A_351 = arith.mulf %gather3A_349, %gather3A_350 : vector<16xf32>
      %add3A_352 = arith.addf %add3A_343, %mul3A_351 : vector<16xf32>
      %broadcast_in_dim3A_353 = arith.constant 35 : i32
      %broadcast_in_dim3A_354 = vector.broadcast %broadcast_in_dim3A_353 : i32 to vector<16xi32>
      %add3A_355 = arith.constant 35 : i32
      %add3A_356 = vector.broadcast %add3A_355 : i32 to vector<16xi32>
      %add3A_357 = arith.addi %mul3A_37, %add3A_356 : vector<16xi32>
      %gather3A_358 = tpu.vector_load_idx %arg7[%add3A_357] : memref<32768xf32, #tpu.memory_space<vmem>>[vector<16xi32>], vector<16xf32>,
      %gather3A_359 = tpu.vector_load_idx %arg8[%add3A_34, %broadcast_in_dim3A_354] : memref<512x64xf32, #tpu.memory_space<vmem>>[vector<16xi32>, vector<16xi32>], vector<16xf32>,
      %mul3A_360 = arith.mulf %gather3A_358, %gather3A_359 : vector<16xf32>
      %add3A_361 = arith.addf %add3A_352, %mul3A_360 : vector<16xf32>
      %broadcast_in_dim3A_362 = arith.constant 36 : i32
      %broadcast_in_dim3A_363 = vector.broadcast %broadcast_in_dim3A_362 : i32 to vector<16xi32>
      %add3A_364 = arith.constant 36 : i32
      %add3A_365 = vector.broadcast %add3A_364 : i32 to vector<16xi32>
      %add3A_366 = arith.addi %mul3A_37, %add3A_365 : vector<16xi32>
      %gather3A_367 = tpu.vector_load_idx %arg7[%add3A_366] : memref<32768xf32, #tpu.memory_space<vmem>>[vector<16xi32>], vector<16xf32>,
      %gather3A_368 = tpu.vector_load_idx %arg8[%add3A_34, %broadcast_in_dim3A_363] : memref<512x64xf32, #tpu.memory_space<vmem>>[vector<16xi32>, vector<16xi32>], vector<16xf32>,
      %mul3A_369 = arith.mulf %gather3A_367, %gather3A_368 : vector<16xf32>
      %add3A_370 = arith.addf %add3A_361, %mul3A_369 : vector<16xf32>
      %broadcast_in_dim3A_371 = arith.constant 37 : i32
      %broadcast_in_dim3A_372 = vector.broadcast %broadcast_in_dim3A_371 : i32 to vector<16xi32>
      %add3A_373 = arith.constant 37 : i32
      %add3A_374 = vector.broadcast %add3A_373 : i32 to vector<16xi32>
      %add3A_375 = arith.addi %mul3A_37, %add3A_374 : vector<16xi32>
      %gather3A_376 = tpu.vector_load_idx %arg7[%add3A_375] : memref<32768xf32, #tpu.memory_space<vmem>>[vector<16xi32>], vector<16xf32>,
      %gather3A_377 = tpu.vector_load_idx %arg8[%add3A_34, %broadcast_in_dim3A_372] : memref<512x64xf32, #tpu.memory_space<vmem>>[vector<16xi32>, vector<16xi32>], vector<16xf32>,
      %mul3A_378 = arith.mulf %gather3A_376, %gather3A_377 : vector<16xf32>
      %add3A_379 = arith.addf %add3A_370, %mul3A_378 : vector<16xf32>
      %broadcast_in_dim3A_380 = arith.constant 38 : i32
      %broadcast_in_dim3A_381 = vector.broadcast %broadcast_in_dim3A_380 : i32 to vector<16xi32>
      %add3A_382 = arith.constant 38 : i32
      %add3A_383 = vector.broadcast %add3A_382 : i32 to vector<16xi32>
      %add3A_384 = arith.addi %mul3A_37, %add3A_383 : vector<16xi32>
      %gather3A_385 = tpu.vector_load_idx %arg7[%add3A_384] : memref<32768xf32, #tpu.memory_space<vmem>>[vector<16xi32>], vector<16xf32>,
      %gather3A_386 = tpu.vector_load_idx %arg8[%add3A_34, %broadcast_in_dim3A_381] : memref<512x64xf32, #tpu.memory_space<vmem>>[vector<16xi32>, vector<16xi32>], vector<16xf32>,
      %mul3A_387 = arith.mulf %gather3A_385, %gather3A_386 : vector<16xf32>
      %add3A_388 = arith.addf %add3A_379, %mul3A_387 : vector<16xf32>
      %broadcast_in_dim3A_389 = arith.constant 39 : i32
      %broadcast_in_dim3A_390 = vector.broadcast %broadcast_in_dim3A_389 : i32 to vector<16xi32>
      %add3A_391 = arith.constant 39 : i32
      %add3A_392 = vector.broadcast %add3A_391 : i32 to vector<16xi32>
      %add3A_393 = arith.addi %mul3A_37, %add3A_392 : vector<16xi32>
      %gather3A_394 = tpu.vector_load_idx %arg7[%add3A_393] : memref<32768xf32, #tpu.memory_space<vmem>>[vector<16xi32>], vector<16xf32>,
      %gather3A_395 = tpu.vector_load_idx %arg8[%add3A_34, %broadcast_in_dim3A_390] : memref<512x64xf32, #tpu.memory_space<vmem>>[vector<16xi32>, vector<16xi32>], vector<16xf32>,
      %mul3A_396 = arith.mulf %gather3A_394, %gather3A_395 : vector<16xf32>
      %add3A_397 = arith.addf %add3A_388, %mul3A_396 : vector<16xf32>
      %broadcast_in_dim3A_398 = arith.constant 40 : i32
      %broadcast_in_dim3A_399 = vector.broadcast %broadcast_in_dim3A_398 : i32 to vector<16xi32>
      %add3A_400 = arith.constant 40 : i32
      %add3A_401 = vector.broadcast %add3A_400 : i32 to vector<16xi32>
      %add3A_402 = arith.addi %mul3A_37, %add3A_401 : vector<16xi32>
      %gather3A_403 = tpu.vector_load_idx %arg7[%add3A_402] : memref<32768xf32, #tpu.memory_space<vmem>>[vector<16xi32>], vector<16xf32>,
      %gather3A_404 = tpu.vector_load_idx %arg8[%add3A_34, %broadcast_in_dim3A_399] : memref<512x64xf32, #tpu.memory_space<vmem>>[vector<16xi32>, vector<16xi32>], vector<16xf32>,
      %mul3A_405 = arith.mulf %gather3A_403, %gather3A_404 : vector<16xf32>
      %add3A_406 = arith.addf %add3A_397, %mul3A_405 : vector<16xf32>
      %broadcast_in_dim3A_407 = arith.constant 41 : i32
      %broadcast_in_dim3A_408 = vector.broadcast %broadcast_in_dim3A_407 : i32 to vector<16xi32>
      %add3A_409 = arith.constant 41 : i32
      %add3A_410 = vector.broadcast %add3A_409 : i32 to vector<16xi32>
      %add3A_411 = arith.addi %mul3A_37, %add3A_410 : vector<16xi32>
      %gather3A_412 = tpu.vector_load_idx %arg7[%add3A_411] : memref<32768xf32, #tpu.memory_space<vmem>>[vector<16xi32>], vector<16xf32>,
      %gather3A_413 = tpu.vector_load_idx %arg8[%add3A_34, %broadcast_in_dim3A_408] : memref<512x64xf32, #tpu.memory_space<vmem>>[vector<16xi32>, vector<16xi32>], vector<16xf32>,
      %mul3A_414 = arith.mulf %gather3A_412, %gather3A_413 : vector<16xf32>
      %add3A_415 = arith.addf %add3A_406, %mul3A_414 : vector<16xf32>
      %broadcast_in_dim3A_416 = arith.constant 42 : i32
      %broadcast_in_dim3A_417 = vector.broadcast %broadcast_in_dim3A_416 : i32 to vector<16xi32>
      %add3A_418 = arith.constant 42 : i32
      %add3A_419 = vector.broadcast %add3A_418 : i32 to vector<16xi32>
      %add3A_420 = arith.addi %mul3A_37, %add3A_419 : vector<16xi32>
      %gather3A_421 = tpu.vector_load_idx %arg7[%add3A_420] : memref<32768xf32, #tpu.memory_space<vmem>>[vector<16xi32>], vector<16xf32>,
      %gather3A_422 = tpu.vector_load_idx %arg8[%add3A_34, %broadcast_in_dim3A_417] : memref<512x64xf32, #tpu.memory_space<vmem>>[vector<16xi32>, vector<16xi32>], vector<16xf32>,
      %mul3A_423 = arith.mulf %gather3A_421, %gather3A_422 : vector<16xf32>
      %add3A_424 = arith.addf %add3A_415, %mul3A_423 : vector<16xf32>
      %broadcast_in_dim3A_425 = arith.constant 43 : i32
      %broadcast_in_dim3A_426 = vector.broadcast %broadcast_in_dim3A_425 : i32 to vector<16xi32>
      %add3A_427 = arith.constant 43 : i32
      %add3A_428 = vector.broadcast %add3A_427 : i32 to vector<16xi32>
      %add3A_429 = arith.addi %mul3A_37, %add3A_428 : vector<16xi32>
      %gather3A_430 = tpu.vector_load_idx %arg7[%add3A_429] : memref<32768xf32, #tpu.memory_space<vmem>>[vector<16xi32>], vector<16xf32>,
      %gather3A_431 = tpu.vector_load_idx %arg8[%add3A_34, %broadcast_in_dim3A_426] : memref<512x64xf32, #tpu.memory_space<vmem>>[vector<16xi32>, vector<16xi32>], vector<16xf32>,
      %mul3A_432 = arith.mulf %gather3A_430, %gather3A_431 : vector<16xf32>
      %add3A_433 = arith.addf %add3A_424, %mul3A_432 : vector<16xf32>
      %broadcast_in_dim3A_434 = arith.constant 44 : i32
      %broadcast_in_dim3A_435 = vector.broadcast %broadcast_in_dim3A_434 : i32 to vector<16xi32>
      %add3A_436 = arith.constant 44 : i32
      %add3A_437 = vector.broadcast %add3A_436 : i32 to vector<16xi32>
      %add3A_438 = arith.addi %mul3A_37, %add3A_437 : vector<16xi32>
      %gather3A_439 = tpu.vector_load_idx %arg7[%add3A_438] : memref<32768xf32, #tpu.memory_space<vmem>>[vector<16xi32>], vector<16xf32>,
      %gather3A_440 = tpu.vector_load_idx %arg8[%add3A_34, %broadcast_in_dim3A_435] : memref<512x64xf32, #tpu.memory_space<vmem>>[vector<16xi32>, vector<16xi32>], vector<16xf32>,
      %mul3A_441 = arith.mulf %gather3A_439, %gather3A_440 : vector<16xf32>
      %add3A_442 = arith.addf %add3A_433, %mul3A_441 : vector<16xf32>
      %broadcast_in_dim3A_443 = arith.constant 45 : i32
      %broadcast_in_dim3A_444 = vector.broadcast %broadcast_in_dim3A_443 : i32 to vector<16xi32>
      %add3A_445 = arith.constant 45 : i32
      %add3A_446 = vector.broadcast %add3A_445 : i32 to vector<16xi32>
      %add3A_447 = arith.addi %mul3A_37, %add3A_446 : vector<16xi32>
      %gather3A_448 = tpu.vector_load_idx %arg7[%add3A_447] : memref<32768xf32, #tpu.memory_space<vmem>>[vector<16xi32>], vector<16xf32>,
      %gather3A_449 = tpu.vector_load_idx %arg8[%add3A_34, %broadcast_in_dim3A_444] : memref<512x64xf32, #tpu.memory_space<vmem>>[vector<16xi32>, vector<16xi32>], vector<16xf32>,
      %mul3A_450 = arith.mulf %gather3A_448, %gather3A_449 : vector<16xf32>
      %add3A_451 = arith.addf %add3A_442, %mul3A_450 : vector<16xf32>
      %broadcast_in_dim3A_452 = arith.constant 46 : i32
      %broadcast_in_dim3A_453 = vector.broadcast %broadcast_in_dim3A_452 : i32 to vector<16xi32>
      %add3A_454 = arith.constant 46 : i32
      %add3A_455 = vector.broadcast %add3A_454 : i32 to vector<16xi32>
      %add3A_456 = arith.addi %mul3A_37, %add3A_455 : vector<16xi32>
      %gather3A_457 = tpu.vector_load_idx %arg7[%add3A_456] : memref<32768xf32, #tpu.memory_space<vmem>>[vector<16xi32>], vector<16xf32>,
      %gather3A_458 = tpu.vector_load_idx %arg8[%add3A_34, %broadcast_in_dim3A_453] : memref<512x64xf32, #tpu.memory_space<vmem>>[vector<16xi32>, vector<16xi32>], vector<16xf32>,
      %mul3A_459 = arith.mulf %gather3A_457, %gather3A_458 : vector<16xf32>
      %add3A_460 = arith.addf %add3A_451, %mul3A_459 : vector<16xf32>
      %broadcast_in_dim3A_461 = arith.constant 47 : i32
      %broadcast_in_dim3A_462 = vector.broadcast %broadcast_in_dim3A_461 : i32 to vector<16xi32>
      %add3A_463 = arith.constant 47 : i32
      %add3A_464 = vector.broadcast %add3A_463 : i32 to vector<16xi32>
      %add3A_465 = arith.addi %mul3A_37, %add3A_464 : vector<16xi32>
      %gather3A_466 = tpu.vector_load_idx %arg7[%add3A_465] : memref<32768xf32, #tpu.memory_space<vmem>>[vector<16xi32>], vector<16xf32>,
      %gather3A_467 = tpu.vector_load_idx %arg8[%add3A_34, %broadcast_in_dim3A_462] : memref<512x64xf32, #tpu.memory_space<vmem>>[vector<16xi32>, vector<16xi32>], vector<16xf32>,
      %mul3A_468 = arith.mulf %gather3A_466, %gather3A_467 : vector<16xf32>
      %add3A_469 = arith.addf %add3A_460, %mul3A_468 : vector<16xf32>
      %broadcast_in_dim3A_470 = arith.constant 48 : i32
      %broadcast_in_dim3A_471 = vector.broadcast %broadcast_in_dim3A_470 : i32 to vector<16xi32>
      %add3A_472 = arith.constant 48 : i32
      %add3A_473 = vector.broadcast %add3A_472 : i32 to vector<16xi32>
      %add3A_474 = arith.addi %mul3A_37, %add3A_473 : vector<16xi32>
      %gather3A_475 = tpu.vector_load_idx %arg7[%add3A_474] : memref<32768xf32, #tpu.memory_space<vmem>>[vector<16xi32>], vector<16xf32>,
      %gather3A_476 = tpu.vector_load_idx %arg8[%add3A_34, %broadcast_in_dim3A_471] : memref<512x64xf32, #tpu.memory_space<vmem>>[vector<16xi32>, vector<16xi32>], vector<16xf32>,
      %mul3A_477 = arith.mulf %gather3A_475, %gather3A_476 : vector<16xf32>
      %add3A_478 = arith.addf %add3A_469, %mul3A_477 : vector<16xf32>
      %broadcast_in_dim3A_479 = arith.constant 49 : i32
      %broadcast_in_dim3A_480 = vector.broadcast %broadcast_in_dim3A_479 : i32 to vector<16xi32>
      %add3A_481 = arith.constant 49 : i32
      %add3A_482 = vector.broadcast %add3A_481 : i32 to vector<16xi32>
      %add3A_483 = arith.addi %mul3A_37, %add3A_482 : vector<16xi32>
      %gather3A_484 = tpu.vector_load_idx %arg7[%add3A_483] : memref<32768xf32, #tpu.memory_space<vmem>>[vector<16xi32>], vector<16xf32>,
      %gather3A_485 = tpu.vector_load_idx %arg8[%add3A_34, %broadcast_in_dim3A_480] : memref<512x64xf32, #tpu.memory_space<vmem>>[vector<16xi32>, vector<16xi32>], vector<16xf32>,
      %mul3A_486 = arith.mulf %gather3A_484, %gather3A_485 : vector<16xf32>
      %add3A_487 = arith.addf %add3A_478, %mul3A_486 : vector<16xf32>
      %broadcast_in_dim3A_488 = arith.constant 50 : i32
      %broadcast_in_dim3A_489 = vector.broadcast %broadcast_in_dim3A_488 : i32 to vector<16xi32>
      %add3A_490 = arith.constant 50 : i32
      %add3A_491 = vector.broadcast %add3A_490 : i32 to vector<16xi32>
      %add3A_492 = arith.addi %mul3A_37, %add3A_491 : vector<16xi32>
      %gather3A_493 = tpu.vector_load_idx %arg7[%add3A_492] : memref<32768xf32, #tpu.memory_space<vmem>>[vector<16xi32>], vector<16xf32>,
      %gather3A_494 = tpu.vector_load_idx %arg8[%add3A_34, %broadcast_in_dim3A_489] : memref<512x64xf32, #tpu.memory_space<vmem>>[vector<16xi32>, vector<16xi32>], vector<16xf32>,
      %mul3A_495 = arith.mulf %gather3A_493, %gather3A_494 : vector<16xf32>
      %add3A_496 = arith.addf %add3A_487, %mul3A_495 : vector<16xf32>
      %broadcast_in_dim3A_497 = arith.constant 51 : i32
      %broadcast_in_dim3A_498 = vector.broadcast %broadcast_in_dim3A_497 : i32 to vector<16xi32>
      %add3A_499 = arith.constant 51 : i32
      %add3A_500 = vector.broadcast %add3A_499 : i32 to vector<16xi32>
      %add3A_501 = arith.addi %mul3A_37, %add3A_500 : vector<16xi32>
      %gather3A_502 = tpu.vector_load_idx %arg7[%add3A_501] : memref<32768xf32, #tpu.memory_space<vmem>>[vector<16xi32>], vector<16xf32>,
      %gather3A_503 = tpu.vector_load_idx %arg8[%add3A_34, %broadcast_in_dim3A_498] : memref<512x64xf32, #tpu.memory_space<vmem>>[vector<16xi32>, vector<16xi32>], vector<16xf32>,
      %mul3A_504 = arith.mulf %gather3A_502, %gather3A_503 : vector<16xf32>
      %add3A_505 = arith.addf %add3A_496, %mul3A_504 : vector<16xf32>
      %broadcast_in_dim3A_506 = arith.constant 52 : i32
      %broadcast_in_dim3A_507 = vector.broadcast %broadcast_in_dim3A_506 : i32 to vector<16xi32>
      %add3A_508 = arith.constant 52 : i32
      %add3A_509 = vector.broadcast %add3A_508 : i32 to vector<16xi32>
      %add3A_510 = arith.addi %mul3A_37, %add3A_509 : vector<16xi32>
      %gather3A_511 = tpu.vector_load_idx %arg7[%add3A_510] : memref<32768xf32, #tpu.memory_space<vmem>>[vector<16xi32>], vector<16xf32>,
      %gather3A_512 = tpu.vector_load_idx %arg8[%add3A_34, %broadcast_in_dim3A_507] : memref<512x64xf32, #tpu.memory_space<vmem>>[vector<16xi32>, vector<16xi32>], vector<16xf32>,
      %mul3A_513 = arith.mulf %gather3A_511, %gather3A_512 : vector<16xf32>
      %add3A_514 = arith.addf %add3A_505, %mul3A_513 : vector<16xf32>
      %broadcast_in_dim3A_515 = arith.constant 53 : i32
      %broadcast_in_dim3A_516 = vector.broadcast %broadcast_in_dim3A_515 : i32 to vector<16xi32>
      %add3A_517 = arith.constant 53 : i32
      %add3A_518 = vector.broadcast %add3A_517 : i32 to vector<16xi32>
      %add3A_519 = arith.addi %mul3A_37, %add3A_518 : vector<16xi32>
      %gather3A_520 = tpu.vector_load_idx %arg7[%add3A_519] : memref<32768xf32, #tpu.memory_space<vmem>>[vector<16xi32>], vector<16xf32>,
      %gather3A_521 = tpu.vector_load_idx %arg8[%add3A_34, %broadcast_in_dim3A_516] : memref<512x64xf32, #tpu.memory_space<vmem>>[vector<16xi32>, vector<16xi32>], vector<16xf32>,
      %mul3A_522 = arith.mulf %gather3A_520, %gather3A_521 : vector<16xf32>
      %add3A_523 = arith.addf %add3A_514, %mul3A_522 : vector<16xf32>
      %broadcast_in_dim3A_524 = arith.constant 54 : i32
      %broadcast_in_dim3A_525 = vector.broadcast %broadcast_in_dim3A_524 : i32 to vector<16xi32>
      %add3A_526 = arith.constant 54 : i32
      %add3A_527 = vector.broadcast %add3A_526 : i32 to vector<16xi32>
      %add3A_528 = arith.addi %mul3A_37, %add3A_527 : vector<16xi32>
      %gather3A_529 = tpu.vector_load_idx %arg7[%add3A_528] : memref<32768xf32, #tpu.memory_space<vmem>>[vector<16xi32>], vector<16xf32>,
      %gather3A_530 = tpu.vector_load_idx %arg8[%add3A_34, %broadcast_in_dim3A_525] : memref<512x64xf32, #tpu.memory_space<vmem>>[vector<16xi32>, vector<16xi32>], vector<16xf32>,
      %mul3A_531 = arith.mulf %gather3A_529, %gather3A_530 : vector<16xf32>
      %add3A_532 = arith.addf %add3A_523, %mul3A_531 : vector<16xf32>
      %broadcast_in_dim3A_533 = arith.constant 55 : i32
      %broadcast_in_dim3A_534 = vector.broadcast %broadcast_in_dim3A_533 : i32 to vector<16xi32>
      %add3A_535 = arith.constant 55 : i32
      %add3A_536 = vector.broadcast %add3A_535 : i32 to vector<16xi32>
      %add3A_537 = arith.addi %mul3A_37, %add3A_536 : vector<16xi32>
      %gather3A_538 = tpu.vector_load_idx %arg7[%add3A_537] : memref<32768xf32, #tpu.memory_space<vmem>>[vector<16xi32>], vector<16xf32>,
      %gather3A_539 = tpu.vector_load_idx %arg8[%add3A_34, %broadcast_in_dim3A_534] : memref<512x64xf32, #tpu.memory_space<vmem>>[vector<16xi32>, vector<16xi32>], vector<16xf32>,
      %mul3A_540 = arith.mulf %gather3A_538, %gather3A_539 : vector<16xf32>
      %add3A_541 = arith.addf %add3A_532, %mul3A_540 : vector<16xf32>
      %broadcast_in_dim3A_542 = arith.constant 56 : i32
      %broadcast_in_dim3A_543 = vector.broadcast %broadcast_in_dim3A_542 : i32 to vector<16xi32>
      %add3A_544 = arith.constant 56 : i32
      %add3A_545 = vector.broadcast %add3A_544 : i32 to vector<16xi32>
      %add3A_546 = arith.addi %mul3A_37, %add3A_545 : vector<16xi32>
      %gather3A_547 = tpu.vector_load_idx %arg7[%add3A_546] : memref<32768xf32, #tpu.memory_space<vmem>>[vector<16xi32>], vector<16xf32>,
      %gather3A_548 = tpu.vector_load_idx %arg8[%add3A_34, %broadcast_in_dim3A_543] : memref<512x64xf32, #tpu.memory_space<vmem>>[vector<16xi32>, vector<16xi32>], vector<16xf32>,
      %mul3A_549 = arith.mulf %gather3A_547, %gather3A_548 : vector<16xf32>
      %add3A_550 = arith.addf %add3A_541, %mul3A_549 : vector<16xf32>
      %broadcast_in_dim3A_551 = arith.constant 57 : i32
      %broadcast_in_dim3A_552 = vector.broadcast %broadcast_in_dim3A_551 : i32 to vector<16xi32>
      %add3A_553 = arith.constant 57 : i32
      %add3A_554 = vector.broadcast %add3A_553 : i32 to vector<16xi32>
      %add3A_555 = arith.addi %mul3A_37, %add3A_554 : vector<16xi32>
      %gather3A_556 = tpu.vector_load_idx %arg7[%add3A_555] : memref<32768xf32, #tpu.memory_space<vmem>>[vector<16xi32>], vector<16xf32>,
      %gather3A_557 = tpu.vector_load_idx %arg8[%add3A_34, %broadcast_in_dim3A_552] : memref<512x64xf32, #tpu.memory_space<vmem>>[vector<16xi32>, vector<16xi32>], vector<16xf32>,
      %mul3A_558 = arith.mulf %gather3A_556, %gather3A_557 : vector<16xf32>
      %add3A_559 = arith.addf %add3A_550, %mul3A_558 : vector<16xf32>
      %broadcast_in_dim3A_560 = arith.constant 58 : i32
      %broadcast_in_dim3A_561 = vector.broadcast %broadcast_in_dim3A_560 : i32 to vector<16xi32>
      %add3A_562 = arith.constant 58 : i32
      %add3A_563 = vector.broadcast %add3A_562 : i32 to vector<16xi32>
      %add3A_564 = arith.addi %mul3A_37, %add3A_563 : vector<16xi32>
      %gather3A_565 = tpu.vector_load_idx %arg7[%add3A_564] : memref<32768xf32, #tpu.memory_space<vmem>>[vector<16xi32>], vector<16xf32>,
      %gather3A_566 = tpu.vector_load_idx %arg8[%add3A_34, %broadcast_in_dim3A_561] : memref<512x64xf32, #tpu.memory_space<vmem>>[vector<16xi32>, vector<16xi32>], vector<16xf32>,
      %mul3A_567 = arith.mulf %gather3A_565, %gather3A_566 : vector<16xf32>
      %add3A_568 = arith.addf %add3A_559, %mul3A_567 : vector<16xf32>
      %broadcast_in_dim3A_569 = arith.constant 59 : i32
      %broadcast_in_dim3A_570 = vector.broadcast %broadcast_in_dim3A_569 : i32 to vector<16xi32>
      %add3A_571 = arith.constant 59 : i32
      %add3A_572 = vector.broadcast %add3A_571 : i32 to vector<16xi32>
      %add3A_573 = arith.addi %mul3A_37, %add3A_572 : vector<16xi32>
      %gather3A_574 = tpu.vector_load_idx %arg7[%add3A_573] : memref<32768xf32, #tpu.memory_space<vmem>>[vector<16xi32>], vector<16xf32>,
      %gather3A_575 = tpu.vector_load_idx %arg8[%add3A_34, %broadcast_in_dim3A_570] : memref<512x64xf32, #tpu.memory_space<vmem>>[vector<16xi32>, vector<16xi32>], vector<16xf32>,
      %mul3A_576 = arith.mulf %gather3A_574, %gather3A_575 : vector<16xf32>
      %add3A_577 = arith.addf %add3A_568, %mul3A_576 : vector<16xf32>
      %broadcast_in_dim3A_578 = arith.constant 60 : i32
      %broadcast_in_dim3A_579 = vector.broadcast %broadcast_in_dim3A_578 : i32 to vector<16xi32>
      %add3A_580 = arith.constant 60 : i32
      %add3A_581 = vector.broadcast %add3A_580 : i32 to vector<16xi32>
      %add3A_582 = arith.addi %mul3A_37, %add3A_581 : vector<16xi32>
      %gather3A_583 = tpu.vector_load_idx %arg7[%add3A_582] : memref<32768xf32, #tpu.memory_space<vmem>>[vector<16xi32>], vector<16xf32>,
      %gather3A_584 = tpu.vector_load_idx %arg8[%add3A_34, %broadcast_in_dim3A_579] : memref<512x64xf32, #tpu.memory_space<vmem>>[vector<16xi32>, vector<16xi32>], vector<16xf32>,
      %mul3A_585 = arith.mulf %gather3A_583, %gather3A_584 : vector<16xf32>
      %add3A_586 = arith.addf %add3A_577, %mul3A_585 : vector<16xf32>
      %broadcast_in_dim3A_587 = arith.constant 61 : i32
      %broadcast_in_dim3A_588 = vector.broadcast %broadcast_in_dim3A_587 : i32 to vector<16xi32>
      %add3A_589 = arith.constant 61 : i32
      %add3A_590 = vector.broadcast %add3A_589 : i32 to vector<16xi32>
      %add3A_591 = arith.addi %mul3A_37, %add3A_590 : vector<16xi32>
      %gather3A_592 = tpu.vector_load_idx %arg7[%add3A_591] : memref<32768xf32, #tpu.memory_space<vmem>>[vector<16xi32>], vector<16xf32>,
      %gather3A_593 = tpu.vector_load_idx %arg8[%add3A_34, %broadcast_in_dim3A_588] : memref<512x64xf32, #tpu.memory_space<vmem>>[vector<16xi32>, vector<16xi32>], vector<16xf32>,
      %mul3A_594 = arith.mulf %gather3A_592, %gather3A_593 : vector<16xf32>
      %add3A_595 = arith.addf %add3A_586, %mul3A_594 : vector<16xf32>
      %broadcast_in_dim3A_596 = arith.constant 62 : i32
      %broadcast_in_dim3A_597 = vector.broadcast %broadcast_in_dim3A_596 : i32 to vector<16xi32>
      %add3A_598 = arith.constant 62 : i32
      %add3A_599 = vector.broadcast %add3A_598 : i32 to vector<16xi32>
      %add3A_600 = arith.addi %mul3A_37, %add3A_599 : vector<16xi32>
      %gather3A_601 = tpu.vector_load_idx %arg7[%add3A_600] : memref<32768xf32, #tpu.memory_space<vmem>>[vector<16xi32>], vector<16xf32>,
      %gather3A_602 = tpu.vector_load_idx %arg8[%add3A_34, %broadcast_in_dim3A_597] : memref<512x64xf32, #tpu.memory_space<vmem>>[vector<16xi32>, vector<16xi32>], vector<16xf32>,
      %mul3A_603 = arith.mulf %gather3A_601, %gather3A_602 : vector<16xf32>
      %add3A_604 = arith.addf %add3A_595, %mul3A_603 : vector<16xf32>
      %broadcast_in_dim3A_605 = arith.constant 63 : i32
      %broadcast_in_dim3A_606 = vector.broadcast %broadcast_in_dim3A_605 : i32 to vector<16xi32>
      %add3A_607 = arith.constant 63 : i32
      %add3A_608 = vector.broadcast %add3A_607 : i32 to vector<16xi32>
      %add3A_609 = arith.addi %mul3A_37, %add3A_608 : vector<16xi32>
      %gather3A_610 = tpu.vector_load_idx %arg7[%add3A_609] : memref<32768xf32, #tpu.memory_space<vmem>>[vector<16xi32>], vector<16xf32>,
      %gather3A_611 = tpu.vector_load_idx %arg8[%add3A_34, %broadcast_in_dim3A_606] : memref<512x64xf32, #tpu.memory_space<vmem>>[vector<16xi32>, vector<16xi32>], vector<16xf32>,
      %mul3A_612 = arith.mulf %gather3A_610, %gather3A_611 : vector<16xf32>
      %add3A_613 = arith.addf %add3A_604, %mul3A_612 : vector<16xf32>
      %swap3A = arith.index_cast %mul3A_32 : i32 to index
      %swap3A_614 = tpu.vector_load %arg9[%swap3A] {strides = array<i32>} : memref<512xf32, #tpu.memory_space<vmem>>, vector<16xf32>,
      tpu.vector_store %arg9[%swap3A], %add3A_613 {strides = array<i32>} : memref<512xf32, #tpu.memory_space<vmem>>, vector<16xf32>,
    }
    %scan3A_17 = arith.constant 2 : i32
    "tpu.region"() ({
      %run_scoped3A = tpu.sem_alloc : memref<!tpu.dma_semaphore, #tpu.memory_space<semaphore_mem>>
      %dma_start3A_18 = tpu.memref_slice %arg5[%mul3A_2] : memref<16384xf32, #tpu.memory_space<hbm>> -> memref<512xf32, #tpu.memory_space<hbm>>
      %dma_start3A_19 = tpu.memref_slice %arg5[%mul3A_2] : memref<16384xf32, #tpu.memory_space<hbm>> -> memref<512xf32, #tpu.memory_space<hbm>>
      tpu.enqueue_dma source(%arg9 : memref<512xf32, #tpu.memory_space<vmem>>) target(%dma_start3A_19 : memref<512xf32, #tpu.memory_space<hbm>>) target_semaphore(%run_scoped3A : memref<!tpu.dma_semaphore, #tpu.memory_space<semaphore_mem>>)
      %dma_wait3A_20 = tpu.memref_slice %arg5[%mul3A_2] : memref<16384xf32, #tpu.memory_space<hbm>> -> memref<512xf32, #tpu.memory_space<hbm>>
      %dma_wait3A_21 = tpu.memref_slice %arg5[%mul3A_2] : memref<16384xf32, #tpu.memory_space<hbm>> -> memref<512xf32, #tpu.memory_space<hbm>>
      tpu.wait_dma2 semaphore(%run_scoped3A : memref<!tpu.dma_semaphore, #tpu.memory_space<semaphore_mem>>) src(%arg9 : memref<512xf32, #tpu.memory_space<vmem>>) dst(%dma_wait3A_21 : memref<512xf32, #tpu.memory_space<hbm>>)
      tpu.yield
    }) : () -> ()
    return
  }
}

</mosaic_0001>

<sc_bundles>
// kernel: _mf_sc.4.cloned.1.call-start
scs
__scs_entry_jumppad:
0x0: {  	(pc) =	sbr.rel $0x88, $3  }
0x1: {  	(tag) =	ssettag $0x0;
	lr =	simm.s32 $0x1  }
0x2: {  	[smem:$0x3F9D] =	sst lr;
	_ =	strace $0xD0000000  }
0x3: {  	_ = 	snop  }
0x4: {  	_ = 	snop  }
0x5: {  	_ = 	snop  }
0x6: {  	_ = 	snop  }
0x7: {  	_ = 	snop  }
__scs_overlays_trampoline_lowered:
0x8: {  	[smem:$0x3FAC] =	sst s0  }
0x9: {  	[smem:$0x3FAD] =	sst s1  }
0xa: {  	[smem:$0x3FAE] =	sst s2  }
0xb: {  	[smem:$0x3FAF] =	sst s3  }
0xc: {  	[smem:$0x3FB0] =	sst s4  }
0xd: {  	[smem:$0x3FB1] =	sst s5  }
0xe: {  	[smem:$0x3FB2] =	sst s6  }
0xf: {  	[smem:$0x3FB3] =	sst s7  }
0x10: {  	[smem:$0x3FB4] =	sst s8  }
0x11: {  	[smem:$0x3FB5] =	sst s9;
	s0 =	simm.s32 @!p0 $0x0  }
0x12: {  	s1 =	sld [smem:$0x3F9B];
	s0 =	simm.s32 @p0 $0x1  }
0x13: {  	[smem:$0x3FB6] =	sst s0;
	s0 =	simm.s32 @!p1 $0x0  }
0x14: {  	s2 =	sld [smem:$0x3F9A];
	s0 =	simm.s32 @p1 $0x1  }
0x15: {  	[smem:$0x3FB7] =	sst s0;
	s0 =	simm.s32 @!p2 $0x0  }
0x16: {  	s3 =	sld [smem:$0x3FDB];
	s0 =	simm.s32 @p2 $0x1  }
0x17: {  	s4 =	simm.s32 $0x1BF5;
	[smem:$0x3FB9] =	sst s0  }
0x18: {  	s0 =	sld [smem:$0x3F9C];
	_ =	swait.ge [sflag:s4], $0x0  }
0x19: {  	s7 =	sld [smem:$0x3F9D]  }
0x1a: {  	s8 =	sadd.s32 $0xFFFFE003, lr  }
0x1b: {  	s9 =	sadd.s32 $0xFFFFFEF7, lr;
	s5 =	simm.s32 $0xFFFFFFFF;
	p2 =	slt.u32 s8, $0xFFFFF086  }
0x1c: {  	p1 =	slt.u32 s9, $0xF7A;
	s5 =	simm.s32 @!p2 $0x0  }
0x1d: {  	s5 =	simm.s32 @p1 $0x1;
	p0 =	seq.s32 s7, s2  }
0x1e: {  	s7 =	smul.u32 @!p0 $0xF7A, s2;
	p2 =	seq.s32 @!p0 s5, $0x0  }
0x1f: {  	s9 =	smul.u32 $0xF7A, s1;
	s8 =	simm.s32 @!p0 $0x1BF5;
	p2 =	por !p2, p0  }
0x20: {  	[sflag:s8] =	ssyncset.s32 @!p0 $0xFFFFF086;
	s6 =	sadd.s32 @!p0 s3, s7;
	s7 =	simm.s32 @!p0 $0x108  }
0x21: {  	s3 =	sadd.s32 s3, s9;
	s6 =	sadd.s32 @!p0 $0x88, s6;
	s7 =	simm.s32 @p2 $0x1082  }
0x22: {  	[simem:s7], [sflag:s8] =	dma.local @!p0 [hbm:s6], $0xF7A  }
0x23: {  	s9 =	sor.u32 $0xD0000000, s2;
	s6 =	simm.s32 $0x108;
	_ =	swait.ge @!p0 [sflag:s8], $0x0  }
0x24: {  	s3 =	sadd.s32 $0x88, s3;
	s6 =	simm.s32 @!p1 $0x1082;
	[sflag:s4] =	ssyncset.s32 $0xFFFFF086  }
0x25: {  	[simem:s6], [sflag:s4] =	dma.local [hbm:s3], $0xF7A  }
0x26: {  	[smem:$0x3F9D] =	sst s1;
	(tag) =	ssettag s2;
	_ =	strace s9  }
0x27: {  	s1 =	sld [smem:$0x3FAD]  }
0x28: {  	s2 =	sld [smem:$0x3FAE]  }
0x29: {  	s4 =	sld [smem:$0x3FB0]  }
0x2a: {  	p0 =	seq.s32 s5, $0x0;
	s5 =	sld [smem:$0x3FB1]  }
0x2b: {  	s6 =	sld [smem:$0x3FB2]  }
0x2c: {  	s7 =	sld [smem:$0x3FB3]  }
0x2d: {  	s3 =	simm.s32 $0x108;
	s8 =	sld [smem:$0x3FB4]  }
0x2e: {  	s3 =	simm.s32 @!p0 $0x1082;
	s9 =	sld [smem:$0x3FB5]  }
0x2f: {  	lr =	sadd.s32 s0, s3;
	s0 =	sld [smem:$0x3FAC]  }
0x30: {  	s3 =	sld [smem:$0x3FAF]  }
0x31: {  	[smem:$0x3FB8] =	sst s10  }
0x32: {  	s10 =	sld [smem:$0x3FB6];
	_ =	sdelay $0x3  }
0x33: {  	p0 =	seq.s32 s10, $0x1;
	s10 =	sld [smem:$0x3FB8];
	_ =	sdelay $0x3  }
0x34: {  	[smem:$0x3FB8] =	sst s10  }
0x35: {  	s10 =	sld [smem:$0x3FB7];
	_ =	sdelay $0x3  }
0x36: {  	p1 =	seq.s32 s10, $0x1;
	s10 =	sld [smem:$0x3FB8];
	_ =	sdelay $0x3  }
0x37: {  	[smem:$0x3FB8] =	sst s10  }
0x38: {  	s10 =	sld [smem:$0x3FB9]  }
0x39: {  	_ = 	snop;
	(pc) =	sbr.ind lr, $3  }
0x3a: {  	_ = 	snop  }
0x3b: {  	_ = 	snop  }
0x3c: {  	p2 =	seq.s32 s10, $0x1;
	s10 =	sld [smem:$0x3FB8]  }
0x3d: {  	_ =	shalt  }
0x3e: {  	_ =	shalt  }
0x3f: {  	_ =	shalt  }
0x40: {  	_ =	shalt  }
0x41: {  	_ =	shalt  }
0x42: {  	_ =	shalt  }
0x43: {  	_ =	shalt  }
0x44: {  	_ =	shalt  }
0x45: {  	_ =	shalt  }
0x46: {  	_ =	shalt  }
0x47: {  	_ =	shalt  }
0x48: {  	_ =	shalt  }
0x49: {  	_ =	shalt  }
0x4a: {  	_ =	shalt  }
0x4b: {  	_ =	shalt  }
0x4c: {  	_ =	shalt  }
0x4d: {  	_ =	shalt  }
0x4e: {  	_ =	shalt  }
0x4f: {  	_ =	shalt  }
0x50: {  	_ =	shalt  }
0x51: {  	_ =	shalt  }
0x52: {  	_ =	shalt  }
0x53: {  	_ =	shalt  }
0x54: {  	_ =	shalt  }
0x55: {  	_ =	shalt  }
0x56: {  	_ =	shalt  }
0x57: {  	_ =	shalt  }
0x58: {  	_ =	shalt  }
0x59: {  	_ =	shalt  }
0x5a: {  	_ =	shalt  }
0x5b: {  	_ =	shalt  }
0x5c: {  	_ =	shalt  }
0x5d: {  	_ =	shalt  }
0x5e: {  	_ =	shalt  }
0x5f: {  	_ =	shalt  }
0x60: {  	_ =	shalt  }
0x61: {  	_ =	shalt  }
0x62: {  	_ =	shalt  }
0x63: {  	_ =	shalt  }
0x64: {  	_ =	shalt  }
0x65: {  	_ =	shalt  }
0x66: {  	_ =	shalt  }
0x67: {  	_ =	shalt  }
0x68: {  	_ =	shalt  }
0x69: {  	_ =	shalt  }
0x6a: {  	_ =	shalt  }
0x6b: {  	_ =	shalt  }
0x6c: {  	_ =	shalt  }
0x6d: {  	_ =	shalt  }
0x6e: {  	_ =	shalt  }
0x6f: {  	_ =	shalt  }
0x70: {  	_ =	shalt  }
0x71: {  	_ =	shalt  }
0x72: {  	_ =	shalt  }
0x73: {  	_ =	shalt  }
0x74: {  	_ =	shalt  }
0x75: {  	_ =	shalt  }
0x76: {  	_ =	shalt  }
0x77: {  	_ =	shalt  }
0x78: {  	_ =	shalt  }
0x79: {  	_ =	shalt  }
0x7a: {  	_ =	shalt  }
0x7b: {  	_ =	shalt  }
0x7c: {  	_ =	shalt  }
0x7d: {  	_ =	shalt  }
0x7e: {  	_ =	shalt  }
0x7f: {  	_ =	shalt  }
0x80: {  	_ =	shalt  }
0x81: {  	_ =	shalt  }
0x82: {  	_ =	shalt  }
0x83: {  	_ =	shalt  }
0x84: {  	_ =	shalt  }
0x85: {  	_ =	shalt  }
0x86: {  	_ =	shalt  }
0x87: {  	_ =	shalt  }
.Lfunc_end0:
.L_simem_size_0:
called_computation_lowered:
.L_overlay_start_0:
0x88: {  	s2 =	sld [smem:$0x3FD9]  }
0x89: {  	s3 =	sld [smem:$0x3FFE];
	_ =	sdelay $0x1  }
0x8a: {  	s1 =	srdreg.scid  }
0x8b: {  	s0 =	sand.u32 $0x1, s1  }
0x8c: {  	s17 =	sshll.u32 s0, $0xA;
	s2 =	sadd.s32 s3, s2  }
0x8d: {  	s2 =	sadd.s32 s2, s17  }
0x8e: {  	[smem:$0x3FC4] =	sst s2  }
0x8f: {  	_ = 	snop  }
0x90: {  	s2 =	sld [smem:$0x3FC9];
	(tm) =	ssettm $0x1  }
0x91: {  	s18 =	sld [smem:$0x3FFB];
	_ =	sdelay $0x3  }
0x92: {  	_ =	strace s18  }
0x93: {  	s3 =	sld [smem:$0x3FFC];
	_ =	sdelay $0x3  }
0x94: {  	_ =	strace s3  }
0x95: {  	s3 =	sld [smem:$0x3FFD];
	_ =	sdelay $0x3  }
0x96: {  	_ =	strace s3  }
0x97: {  	_ =	strace $0x8FFFFFFF  }
0x98: {  	s19 =	sld [smem:$0x3FDB];
	_ =	sdelay $0x1  }
0x99: {  	s4 =	simm.s32 $_scs_section_size  }
0x9a: {  	s5 =	simm.s32 $_size__tile_overlayer_lowered;
	s6 =	simm.s32 $_tile_overlayer_lowered  }
0x9b: {  	s22 =	simm.s32 $0x1BFF;
	s21 =	sshll.u32 s6, $0x1;
	s3 =	sadd.s32 s4, s19  }
0x9c: {  	s7 =	simm.s32 $0x0;
	s20 =	sshll.u32 s5, $0x1;
	s5 =	sadd.s32 s21, s3  }
0x9d: {  	[timem:s7], [sflag:s22] =	dma.local [hbm:s5], s20  }
0x9e: {  	_ =	swait.ge [sflag:s22], s20  }
0x9f: {  	s4 =	ssub.s32 $0x0, s20;
	[sflag:s22] =	ssyncset.done $0x0  }
0xa0: {  	[sflag:s22] =	ssyncadd.s32 s4;
	_ =	sdelay $0x1  }
0xa1: {  	s23 =	simm.s32 $0x1B8B  }
0xa2: {  	_ =	swait.ge [sflag:s23], $0x1  }
0xa3: {  	[sflag:s23] =	ssyncset.done $0x0  }
0xa4: {  	s25 =	simm.s32 $0x1B8E;
	s24 =	sld [smem:$0x3FFE];
	[sflag:s23] =	ssyncadd.s32 $0xFFFFFFFF  }
0xa5: {  	s26 =	simm.s32 $execute0_lowered;
	[smem:$0x3FD2] =	sst s25  }
0xa6: {  	s5 =	sshll.u32 s26, $0x1;
	_ =	strace $0x80000046;
	[dreg:$0x1] =	wrdreg $0xFFFFFFFF  }
0xa7: {  	s28 =	simm.s32 $_size_execute0_lowered;
	s3 =	sadd.s32 s3, s5;
	[dreg:$0x0] =	wrdreg $0x0  }
0xa8: {  	s5 =	sshll.u32 s28, $0x1;
	[dreg:$0x2] =	wrdreg s3  }
0xa9: {  	[dreg:$0x3] =	wrdreg s5  }
0xaa: {  	[dreg:$0x4] =	wrdreg $0xC0  }
0xab: {  	_ =	task [dreg:s7], $0x5FFFF  }
0xac: {  	[dreg:$0x1] =	wrdreg $0xFFFFFFFF  }
0xad: {  	[dreg:$0x0] =	wrdreg $0x60  }
0xae: {  	[dreg:$0x2] =	wrdreg s2  }
0xaf: {  	[dreg:$0x3] =	wrdreg s24  }
0xb0: {  	[dreg:$0x4] =	wrdreg $0x9  }
0xb1: {  	_ =	task.clear_ibuf [dreg:s7], $0x5FFFF;
	_ =	strace $0x90000046  }
0xb2: {  	s29 =	simm.s32 $0x9;
	_ =	strace $0x80000048  }
0xb3: {  	_ =	swait.ge [sflag:s29], $0x1  }
0xb4: {  	[sflag:s29] =	ssyncadd.s32 $0xFFFFFFFF  }
0xb5: {  	_ =	strace $0x90000048  }
0xb6: {  	_ =	sfence  }
0xb7: {  	s30 =	sld [smem:$0x0];
	_ =	sdelay $0x2  }
0xb8: {  	s31 =	sshll.u32 s1, $0xD;
	s1 =	sshrl.u32 s1, $0x2  }
0xb9: {  	s3 =	sand.u32 $0x4000, s31;
	s1 =	sadd.s32 s1, s30  }
0xba: {  	s0 =	sor.u32 s3, s0;
	s1 =	sshll.u32 s1, $0x11  }
0xbb: {  	s0 =	sor.u32 s1, s0  }
0xbc: {  	s0 =	sadd.s32 $0x8F2B, s0  }
0xbd: {  	[sflag:s0] =	ssyncadd.remote.s32 $0x1  }
0xbe: {  	_ =	sfence.sel $0xFFFF  }
0xbf: {  	[dreg:$0x0] =	wrdreg $0xFFFFFFFF;
	(pc) =	sbr.abs _section_cstart, $3  }
0xc0: {  	[dreg:$0x1] =	wrdreg $0xFFFFFFFF  }
0xc1: {  	_ =	task.clear_ibuf [dreg:s7], $0x2FFFF;
	_ =	strace $0x9FFFFFFF  }
0xc2: {  	(tm) =	ssettm $0x7FFFFFFF  }
0xc3: {  	_ =	shalt  }
tec
execute0_lowered:
.L_overlay_start_1:
0x0: {  	(tag) =	ssettag $0x1  }
0x1: {  	s4 =	rddreg [dreg:$0x0]  }
0x2: {  	s5 =	rddreg [dreg:$0x1]  }
0x3: {  	s0 =	rddreg [dreg:$0x2]  }
0x4: {  	s2 =	simm.s32 $0x0;
	s1 =	stileid.u32;
	s7 =	srdreg.scid  }
0x5: {  	[smem:$0x7FF] =	sst s2;
	s6 =	sshll.u32 s1, $0xD;
	s3 =	sadd.s32 $0x800, s5  }
0x6: {  	s30 =	sand.u32 $0x1, s7;
	s8 =	sshll.u32 s1, $0xA;
	_ =	strace $0x80000047  }
0x7: {  	s5 =	sadd.s32 s6, s5;
	s7 =	ssub.s32 $0x2, s30;
	s9 =	sshll.u32 s30, $0x9  }
0x8: {  	s6 =	sshll.u32 s30, $0xC;
	s8 =	sor.u32 s9, s8;
	s31 =	sshrl.u32 s7, $0x1  }
0x9: {  	s6 =	sadd.s32 s6, s5;
	s9 =	simm.s32 $0x0;
	s8 =	sshrl.u32 s8, $0x3  }
0xa: {  	s7 =	ssub.s32 s7, s31;
	s6 =	sadd.s32 $0xF42C00, s6;
	s4 =	sadd.s32 s4, s8  }
0xb: {  	s5 =	smax.u32 s7, $0x1;
	s7 =	simm.s32 $0x2;
	s8 =	simm.s32 $0x1  }
.LBB2_1:
0xc: {  	[tilespmem:s2], [sflag:$0x2] =	stream.linear.gather [hbm4b:s4+s2], $0x200, $0x38;
	[tilespmem:$0x10200] =	vst v63  }
0xd: {  	_ =	swait.ge [sflag:s7], $0x200  }
0xe: {  	s10 =	simm.s32 $0x200;
	[sflag:s7] =	ssyncset.done $0x0  }
0xf: {  	s11 =	simm.s32 $0x0;
	s12 =	simm.s32 $0x0;
	[sflag:s7] =	ssyncadd.s32 $0xFFFFFE00  }
.LBB2_2:
0x10: {  	s13 =	sadd.s32 $0x0, s11  }
0x11: {  	v0 =	vmov s13;
	_ =	sdelay $0x4  }
0x12: {  	v0 =	vld.idx.msk [tilespmem:v0+s2+$0x0], $0xffff;
	_ =	sdelay $0x4  }
0x13: {  	(v2sf) =	vpush v0, $0x0;
	_ =	sdelay $0xd  }
0x14: {  	s30 =	sadd.s32 $0x1, s11  }
0x15: {  	v63 =	vmov s30;
	s31 =	spop (v2sf)  }
0x16: {  	s13 =	sshll.u32 s31, $0x4  }
0x17: {  	s13 =	sand.u32 $0x1FFFFFF0, s13  }
0x18: {  	s13 =	sadd.s32 s3, s13  }
0x19: {  	[tilespmem:s10], [sflag:$0x1] =	stream.linear.gather [hbm4b:s13+s2], $0x80, $0x38;
	[tilespmem:$0x10200] =	vst v63  }
0x1a: {  	v0 =	vld.idx.msk [tilespmem:v63+s2+$0x0], $0xffff;
	_ =	sdelay $0x4  }
0x1b: {  	(v2sf) =	vpush v0, $0x0;
	_ =	sdelay $0xd  }
0x1c: {  	s15 =	sadd.s32 $0x2, s11;
	s14 =	simm.s32 $0x3;
	s13 =	smov.u32 s10  }
.LBB2_3:
0x1d: {  	p0 =	sne.s32 s14, $0xF;
	v0 =	vmov s15;
	s15 =	spop (v2sf)  }
0x1e: {  	s15 =	sshll.u32 s15, $0x4  }
0x1f: {  	s15 =	sand.u32 $0x1FFFFFF0, s15  }
0x20: {  	s13 =	sadd.s32 $0x80, s13;
	s15 =	sadd.s32 s3, s15  }
0x21: {  	[tilespmem:s13], [sflag:$0x1] =	stream.linear.gather [hbm4b:s15+s2], $0x80, $0x38;
	[tilespmem:$0x10200] =	vst v63  }
0x22: {  	v0 =	vld.idx.msk [tilespmem:v0+s2+$0x0], $0xffff;
	_ =	sdelay $0x5  }
0x23: {  	(v2sf) =	vpush v0, $0x0;
	_ =	sdelay $0x9  }
.Ltmp0:
0x24: {  	(pc) =	sbr.rel @p0 .LBB2_3-.Ltmp0, $2  }
0x25: {  	_ =	sdelay $0x2  }
0x26: {  	s15 =	sadd.s32 s14, s11;
	s14 =	sadd.s32 $0x1, s14  }
0x27: {  	v0 =	vmov s15;
	s14 =	spop (v2sf)  }
0x28: {  	s14 =	sshll.u32 s14, $0x4  }
0x29: {  	s14 =	sand.u32 $0x1FFFFFF0, s14  }
0x2a: {  	s13 =	sadd.s32 $0x80, s13;
	s14 =	sadd.s32 s3, s14  }
0x2b: {  	[tilespmem:s13], [sflag:$0x1] =	stream.linear.gather [hbm4b:s14+s2], $0x80, $0x38;
	[tilespmem:$0x10200] =	vst v63  }
0x2c: {  	v0 =	vld.idx.msk [tilespmem:v0+s2+$0x0], $0xffff;
	_ =	sdelay $0x4  }
0x2d: {  	(v2sf) =	vpush v0, $0x0;
	_ =	sdelay $0xe  }
0x2e: {  	s31 =	spop (v2sf)  }
0x2f: {  	s14 =	sshll.u32 s31, $0x4  }
0x30: {  	p0 =	slt.u32 s12, $0x2;
	s12 =	sadd.s32 $0x1, s12;
	s14 =	sand.u32 $0x1FFFFFF0, s14  }
0x31: {  	p1 =	sne.s32 s12, $0x20;
	s13 =	sadd.s32 $0x80, s13;
	s14 =	sadd.s32 s3, s14  }
0x32: {  	[tilespmem:s13], [sflag:$0x1] =	stream.linear.gather [hbm4b:s14+s2], $0x80, $0x38;
	[tilespmem:$0x10200] =	vst v63  }
.Ltmp1:
0x33: {  	_ = 	snop;
	(pc) =	sbr.rel @p1 .LBB2_2-.Ltmp1, $4  }
0x34: {  	s13 =	simm.s32 @!p0 $0x1  }
0x35: {  	_ =	swait.ge @!p0 [sflag:s13], $0x800  }
0x36: {  	[sflag:s13] =	ssyncset.done @!p0 $0x0  }
0x37: {  	s10 =	sadd.s32 $0x800, s10;
	s11 =	sadd.s32 $0x10, s11;
	[sflag:s13] =	ssyncadd.s32 @!p0 $0xFFFFF800  }
0x38: {  	_ =	swait.ge [sflag:s8], $0x800  }
0x39: {  	[sflag:s8] =	ssyncset.done $0x0  }
0x3a: {  	[sflag:s8] =	ssyncadd.s32 $0xFFFFF800  }
0x3b: {  	_ =	swait.ge [sflag:s8], $0x800  }
0x3c: {  	p0 =	por $0x1, $0x1;
	[sflag:s8] =	ssyncset.done $0x0  }
0x3d: {  	s11 =	simm.s32 @!p0 $0x1;
	[sflag:s8] =	ssyncadd.s32 $0xFFFFF800  }
0x3e: {  	s13 =	simm.s32 $0x200;
	_ =	swait.ge @!p0 [sflag:s11], $0x40  }
0x3f: {  	s10 =	simm.s32 $0x1;
	s12 =	sadd.s32 $0x8, s6;
	[sflag:s11] =	ssyncset.done @!p0 $0x0  }
0x40: {  	s14 =	smov.u32 s6;
	[sflag:s11] =	ssyncadd.s32 @!p0 $0xFFFFFFC0;
	s11 =	simm.s32 $0x280  }
.LBB2_6:
0x41: {  	[hbm4b:s14+s2] =	stream.linear.scatter [tilespmem:s13], [sflag:$0x1], $0x40, $0x38;
	[tilespmem:$0x10200] =	vst v63  }
0x42: {  	p0 =	slt.u32 s10, $0x20;
	s10 =	sadd.s32 $0x1, s10  }
0x43: {  	p1 =	sne.s32 s10, $0x200  }
.Ltmp2:
0x44: {  	(pc) =	sbr.rel @p1 .LBB2_6-.Ltmp2, $4  }
0x45: {  	s13 =	smov.u32 s11;
	s15 =	simm.s32 @!p0 $0x1  }
0x46: {  	s14 =	smov.u32 s12;
	_ =	swait.ge @!p0 [sflag:s15], $0x40  }
0x47: {  	[sflag:s15] =	ssyncset.done @!p0 $0x0  }
0x48: {  	s11 =	sadd.s32 $0x80, s11;
	s12 =	sadd.s32 $0x8, s12;
	[sflag:s15] =	ssyncadd.s32 @!p0 $0xFFFFFFC0  }
0x49: {  	[hbm4b:s14+s2] =	stream.linear.scatter [tilespmem:s13], [sflag:$0x1], $0x40, $0x38;
	[tilespmem:$0x10200] =	vst v63  }
0x4a: {  	_ =	swait.ge [sflag:s8], $0x40  }
0x4b: {  	[sflag:s8] =	ssyncset.done $0x0  }
0x4c: {  	[sflag:s8] =	ssyncadd.s32 $0xFFFFFFC0  }
0x4d: {  	_ =	swait.ge [sflag:s8], $0x40  }
0x4e: {  	[sflag:s8] =	ssyncset.done $0x0  }
0x4f: {  	[sflag:s8] =	ssyncadd.s32 $0xFFFFFFC0  }
0x50: {  	_ =	swait.ge [sflag:s8], $0x40  }
0x51: {  	[sflag:s8] =	ssyncset.done $0x0  }
0x52: {  	[sflag:s8] =	ssyncadd.s32 $0xFFFFFFC0  }
0x53: {  	_ =	swait.ge [sflag:s8], $0x40  }
0x54: {  	[sflag:s8] =	ssyncset.done $0x0  }
0x55: {  	[sflag:s8] =	ssyncadd.s32 $0xFFFFFFC0  }
0x56: {  	_ =	swait.ge [sflag:s8], $0x40  }
0x57: {  	[sflag:s8] =	ssyncset.done $0x0  }
0x58: {  	[sflag:s8] =	ssyncadd.s32 $0xFFFFFFC0  }
0x59: {  	_ =	swait.ge [sflag:s8], $0x40  }
0x5a: {  	[sflag:s8] =	ssyncset.done $0x0  }
0x5b: {  	[sflag:s8] =	ssyncadd.s32 $0xFFFFFFC0  }
0x5c: {  	_ =	swait.ge [sflag:s8], $0x40  }
0x5d: {  	[sflag:s8] =	ssyncset.done $0x0  }
0x5e: {  	[sflag:s8] =	ssyncadd.s32 $0xFFFFFFC0  }
0x5f: {  	_ =	swait.ge [sflag:s8], $0x40  }
0x60: {  	[sflag:s8] =	ssyncset.done $0x0  }
0x61: {  	[sflag:s8] =	ssyncadd.s32 $0xFFFFFFC0  }
0x62: {  	_ =	swait.ge [sflag:s8], $0x40  }
0x63: {  	[sflag:s8] =	ssyncset.done $0x0  }
0x64: {  	[sflag:s8] =	ssyncadd.s32 $0xFFFFFFC0  }
0x65: {  	_ =	swait.ge [sflag:s8], $0x40  }
0x66: {  	[sflag:s8] =	ssyncset.done $0x0  }
0x67: {  	[sflag:s8] =	ssyncadd.s32 $0xFFFFFFC0  }
0x68: {  	_ =	swait.ge [sflag:s8], $0x40  }
0x69: {  	[sflag:s8] =	ssyncset.done $0x0  }
0x6a: {  	[sflag:s8] =	ssyncadd.s32 $0xFFFFFFC0  }
0x6b: {  	_ =	swait.ge [sflag:s8], $0x40  }
0x6c: {  	[sflag:s8] =	ssyncset.done $0x0  }
0x6d: {  	[sflag:s8] =	ssyncadd.s32 $0xFFFFFFC0  }
0x6e: {  	_ =	swait.ge [sflag:s8], $0x40  }
0x6f: {  	[sflag:s8] =	ssyncset.done $0x0  }
0x70: {  	[sflag:s8] =	ssyncadd.s32 $0xFFFFFFC0  }
0x71: {  	_ =	swait.ge [sflag:s8], $0x40  }
0x72: {  	[sflag:s8] =	ssyncset.done $0x0  }
0x73: {  	[sflag:s8] =	ssyncadd.s32 $0xFFFFFFC0  }
0x74: {  	_ =	swait.ge [sflag:s8], $0x40  }
0x75: {  	[sflag:s8] =	ssyncset.done $0x0  }
0x76: {  	[sflag:s8] =	ssyncadd.s32 $0xFFFFFFC0  }
0x77: {  	_ =	swait.ge [sflag:s8], $0x40  }
0x78: {  	[sflag:s8] =	ssyncset.done $0x0  }
0x79: {  	[sflag:s8] =	ssyncadd.s32 $0xFFFFFFC0  }
0x7a: {  	_ =	swait.ge [sflag:s8], $0x40  }
0x7b: {  	[sflag:s8] =	ssyncset.done $0x0  }
0x7c: {  	[sflag:s8] =	ssyncadd.s32 $0xFFFFFFC0  }
0x7d: {  	_ =	swait.ge [sflag:s8], $0x40  }
0x7e: {  	[sflag:s8] =	ssyncset.done $0x0  }
0x7f: {  	[sflag:s8] =	ssyncadd.s32 $0xFFFFFFC0  }
0x80: {  	_ =	swait.ge [sflag:s8], $0x40  }
0x81: {  	[sflag:s8] =	ssyncset.done $0x0  }
0x82: {  	[sflag:s8] =	ssyncadd.s32 $0xFFFFFFC0  }
0x83: {  	_ =	swait.ge [sflag:s8], $0x40  }
0x84: {  	[sflag:s8] =	ssyncset.done $0x0  }
0x85: {  	[sflag:s8] =	ssyncadd.s32 $0xFFFFFFC0  }
0x86: {  	_ =	swait.ge [sflag:s8], $0x40  }
0x87: {  	[sflag:s8] =	ssyncset.done $0x0  }
0x88: {  	[sflag:s8] =	ssyncadd.s32 $0xFFFFFFC0  }
0x89: {  	_ =	swait.ge [sflag:s8], $0x40  }
0x8a: {  	[sflag:s8] =	ssyncset.done $0x0  }
0x8b: {  	[sflag:s8] =	ssyncadd.s32 $0xFFFFFFC0  }
0x8c: {  	_ =	swait.ge [sflag:s8], $0x40  }
0x8d: {  	[sflag:s8] =	ssyncset.done $0x0  }
0x8e: {  	[sflag:s8] =	ssyncadd.s32 $0xFFFFFFC0  }
0x8f: {  	_ =	swait.ge [sflag:s8], $0x40  }
0x90: {  	[sflag:s8] =	ssyncset.done $0x0  }
0x91: {  	[sflag:s8] =	ssyncadd.s32 $0xFFFFFFC0  }
0x92: {  	_ =	swait.ge [sflag:s8], $0x40  }
0x93: {  	[sflag:s8] =	ssyncset.done $0x0  }
0x94: {  	[sflag:s8] =	ssyncadd.s32 $0xFFFFFFC0  }
0x95: {  	_ =	swait.ge [sflag:s8], $0x40  }
0x96: {  	[sflag:s8] =	ssyncset.done $0x0  }
0x97: {  	[sflag:s8] =	ssyncadd.s32 $0xFFFFFFC0  }
0x98: {  	_ =	swait.ge [sflag:s8], $0x40  }
0x99: {  	[sflag:s8] =	ssyncset.done $0x0  }
0x9a: {  	[sflag:s8] =	ssyncadd.s32 $0xFFFFFFC0  }
0x9b: {  	_ =	swait.ge [sflag:s8], $0x40  }
0x9c: {  	[sflag:s8] =	ssyncset.done $0x0  }
0x9d: {  	[sflag:s8] =	ssyncadd.s32 $0xFFFFFFC0  }
0x9e: {  	_ =	swait.ge [sflag:s8], $0x40  }
0x9f: {  	[sflag:s8] =	ssyncset.done $0x0  }
0xa0: {  	[sflag:s8] =	ssyncadd.s32 $0xFFFFFFC0  }
0xa1: {  	_ =	swait.ge [sflag:s8], $0x40  }
0xa2: {  	[sflag:s8] =	ssyncset.done $0x0  }
0xa3: {  	s9 =	sadd.s32 $0x1, s9;
	[sflag:s8] =	ssyncadd.s32 $0xFFFFFFC0  }
0xa4: {  	p0 =	sne.s32 s9, s5;
	_ =	swait.ge [sflag:s8], $0x40  }
.Ltmp3:
0xa5: {  	[sflag:s8] =	ssyncset.done $0x0;
	(pc) =	sbr.rel @p0 .LBB2_1-.Ltmp3, $4  }
0xa6: {  	[sflag:s8] =	ssyncadd.s32 $0xFFFFFFC0  }
0xa7: {  	_ =	swait.ge [sflag:s8], $0x40  }
0xa8: {  	[sflag:s8] =	ssyncset.done $0x0  }
0xa9: {  	[sflag:s8] =	ssyncadd.s32 $0xFFFFFFC0  }
0xaa: {  	_ =	sfence.sel $0x180000  }
0xab: {  	[bflag:$0x0] =	sbarrier.arrive $0xFFFF  }
0xac: {  	p0 =	sne.s32 s1, $0x0;
	_ =	strace $0x90000047  }
0xad: {  	s0 =	sadd.s32 @!p0 $0x100000, s0;
	[bflag:$0x2] =	sbarrier.arrive $0xFFFF  }
0xae: {  	[sflag:s0] =	ssyncadd.tile.s32 @!p0 $0x1;
	_ =	shalt  }
.Lfunc_end2:
_tile_overlayer_lowered:
.L_overlay_start_2:
0xaf: {  	(tag) =	ssettag $0x2  }
0xb0: {  	s0 =	rddreg [dreg:$0x0];
	s2 =	stileid.u32  }
0xb1: {  	s1 =	rddreg [dreg:$0x1];
	p0 =	sne.s32 s2, $0x0  }
0xb2: {  	s3 =	rddreg [dreg:$0x2];
	[bflag:$0x3] =	sbarrier.arrive $0xFFFF;
	s2 =	simm.s32 @!p0 $0x1C02  }
0xb3: {  	[timem:s3], [sflag:s2] =	dma.local @!p0 [hbm:s0], s1  }
0xb4: {  	s0 =	simm.s32 @!p0 $0x2  }
0xb5: {  	_ =	swait.ge @!p0 [sflag:s0], s1  }
0xb6: {  	s1 =	ssub.s32 @!p0 $0x0, s1;
	[sflag:s0] =	ssyncset.done @!p0 $0x0  }
0xb7: {  	[sflag:s0] =	ssyncadd.s32 @!p0 s1  }
0xb8: {  	[bflag:$0x3] =	sbarrier.arrive $0xFFFF  }
0xb9: {  	_ =	shalt  }

// kernel: _mf_sc.7.cloned.1.call-start
scs
__scs_entry_jumppad:
0x0: {  	(pc) =	sbr.rel $0x88, $3  }
0x1: {  	(tag) =	ssettag $0x0;
	lr =	simm.s32 $0x1  }
0x2: {  	[smem:$0x3F9D] =	sst lr;
	_ =	strace $0xD0000000  }
0x3: {  	_ = 	snop  }
0x4: {  	_ = 	snop  }
0x5: {  	_ = 	snop  }
0x6: {  	_ = 	snop  }
0x7: {  	_ = 	snop  }
__scs_overlays_trampoline_lowered:
0x8: {  	[smem:$0x3FAC] =	sst s0  }
0x9: {  	[smem:$0x3FAD] =	sst s1  }
0xa: {  	[smem:$0x3FAE] =	sst s2  }
0xb: {  	[smem:$0x3FAF] =	sst s3  }
0xc: {  	[smem:$0x3FB0] =	sst s4  }
0xd: {  	[smem:$0x3FB1] =	sst s5  }
0xe: {  	[smem:$0x3FB2] =	sst s6  }
0xf: {  	[smem:$0x3FB3] =	sst s7  }
0x10: {  	[smem:$0x3FB4] =	sst s8  }
0x11: {  	[smem:$0x3FB5] =	sst s9;
	s0 =	simm.s32 @!p0 $0x0  }
0x12: {  	s1 =	sld [smem:$0x3F9B];
	s0 =	simm.s32 @p0 $0x1  }
0x13: {  	[smem:$0x3FB6] =	sst s0;
	s0 =	simm.s32 @!p1 $0x0  }
0x14: {  	s2 =	sld [smem:$0x3F9A];
	s0 =	simm.s32 @p1 $0x1  }
0x15: {  	[smem:$0x3FB7] =	sst s0;
	s0 =	simm.s32 @!p2 $0x0  }
0x16: {  	s3 =	sld [smem:$0x3FDB];
	s0 =	simm.s32 @p2 $0x1  }
0x17: {  	s4 =	simm.s32 $0x1BF5;
	[smem:$0x3FB9] =	sst s0  }
0x18: {  	s0 =	sld [smem:$0x3F9C];
	_ =	swait.ge [sflag:s4], $0x0  }
0x19: {  	s7 =	sld [smem:$0x3F9D]  }
0x1a: {  	s8 =	sadd.s32 $0xFFFFE003, lr  }
0x1b: {  	s9 =	sadd.s32 $0xFFFFFEF7, lr;
	s5 =	simm.s32 $0xFFFFFFFF;
	p2 =	slt.u32 s8, $0xFFFFF086  }
0x1c: {  	p1 =	slt.u32 s9, $0xF7A;
	s5 =	simm.s32 @!p2 $0x0  }
0x1d: {  	s5 =	simm.s32 @p1 $0x1;
	p0 =	seq.s32 s7, s2  }
0x1e: {  	s7 =	smul.u32 @!p0 $0xF7A, s2;
	p2 =	seq.s32 @!p0 s5, $0x0  }
0x1f: {  	s9 =	smul.u32 $0xF7A, s1;
	s8 =	simm.s32 @!p0 $0x1BF5;
	p2 =	por !p2, p0  }
0x20: {  	[sflag:s8] =	ssyncset.s32 @!p0 $0xFFFFF086;
	s6 =	sadd.s32 @!p0 s3, s7;
	s7 =	simm.s32 @!p0 $0x108  }
0x21: {  	s3 =	sadd.s32 s3, s9;
	s6 =	sadd.s32 @!p0 $0x88, s6;
	s7 =	simm.s32 @p2 $0x1082  }
0x22: {  	[simem:s7], [sflag:s8] =	dma.local @!p0 [hbm:s6], $0xF7A  }
0x23: {  	s9 =	sor.u32 $0xD0000000, s2;
	s6 =	simm.s32 $0x108;
	_ =	swait.ge @!p0 [sflag:s8], $0x0  }
0x24: {  	s3 =	sadd.s32 $0x88, s3;
	s6 =	simm.s32 @!p1 $0x1082;
	[sflag:s4] =	ssyncset.s32 $0xFFFFF086  }
0x25: {  	[simem:s6], [sflag:s4] =	dma.local [hbm:s3], $0xF7A  }
0x26: {  	[smem:$0x3F9D] =	sst s1;
	(tag) =	ssettag s2;
	_ =	strace s9  }
0x27: {  	s1 =	sld [smem:$0x3FAD]  }
0x28: {  	s2 =	sld [smem:$0x3FAE]  }
0x29: {  	s4 =	sld [smem:$0x3FB0]  }
0x2a: {  	p0 =	seq.s32 s5, $0x0;
	s5 =	sld [smem:$0x3FB1]  }
0x2b: {  	s6 =	sld [smem:$0x3FB2]  }
0x2c: {  	s7 =	sld [smem:$0x3FB3]  }
0x2d: {  	s3 =	simm.s32 $0x108;
	s8 =	sld [smem:$0x3FB4]  }
0x2e: {  	s3 =	simm.s32 @!p0 $0x1082;
	s9 =	sld [smem:$0x3FB5]  }
0x2f: {  	lr =	sadd.s32 s0, s3;
	s0 =	sld [smem:$0x3FAC]  }
0x30: {  	s3 =	sld [smem:$0x3FAF]  }
0x31: {  	[smem:$0x3FB8] =	sst s10  }
0x32: {  	s10 =	sld [smem:$0x3FB6];
	_ =	sdelay $0x3  }
0x33: {  	p0 =	seq.s32 s10, $0x1;
	s10 =	sld [smem:$0x3FB8];
	_ =	sdelay $0x3  }
0x34: {  	[smem:$0x3FB8] =	sst s10  }
0x35: {  	s10 =	sld [smem:$0x3FB7];
	_ =	sdelay $0x3  }
0x36: {  	p1 =	seq.s32 s10, $0x1;
	s10 =	sld [smem:$0x3FB8];
	_ =	sdelay $0x3  }
0x37: {  	[smem:$0x3FB8] =	sst s10  }
0x38: {  	s10 =	sld [smem:$0x3FB9]  }
0x39: {  	_ = 	snop;
	(pc) =	sbr.ind lr, $3  }
0x3a: {  	_ = 	snop  }
0x3b: {  	_ = 	snop  }
0x3c: {  	p2 =	seq.s32 s10, $0x1;
	s10 =	sld [smem:$0x3FB8]  }
0x3d: {  	_ =	shalt  }
0x3e: {  	_ =	shalt  }
0x3f: {  	_ =	shalt  }
0x40: {  	_ =	shalt  }
0x41: {  	_ =	shalt  }
0x42: {  	_ =	shalt  }
0x43: {  	_ =	shalt  }
0x44: {  	_ =	shalt  }
0x45: {  	_ =	shalt  }
0x46: {  	_ =	shalt  }
0x47: {  	_ =	shalt  }
0x48: {  	_ =	shalt  }
0x49: {  	_ =	shalt  }
0x4a: {  	_ =	shalt  }
0x4b: {  	_ =	shalt  }
0x4c: {  	_ =	shalt  }
0x4d: {  	_ =	shalt  }
0x4e: {  	_ =	shalt  }
0x4f: {  	_ =	shalt  }
0x50: {  	_ =	shalt  }
0x51: {  	_ =	shalt  }
0x52: {  	_ =	shalt  }
0x53: {  	_ =	shalt  }
0x54: {  	_ =	shalt  }
0x55: {  	_ =	shalt  }
0x56: {  	_ =	shalt  }
0x57: {  	_ =	shalt  }
0x58: {  	_ =	shalt  }
0x59: {  	_ =	shalt  }
0x5a: {  	_ =	shalt  }
0x5b: {  	_ =	shalt  }
0x5c: {  	_ =	shalt  }
0x5d: {  	_ =	shalt  }
0x5e: {  	_ =	shalt  }
0x5f: {  	_ =	shalt  }
0x60: {  	_ =	shalt  }
0x61: {  	_ =	shalt  }
0x62: {  	_ =	shalt  }
0x63: {  	_ =	shalt  }
0x64: {  	_ =	shalt  }
0x65: {  	_ =	shalt  }
0x66: {  	_ =	shalt  }
0x67: {  	_ =	shalt  }
0x68: {  	_ =	shalt  }
0x69: {  	_ =	shalt  }
0x6a: {  	_ =	shalt  }
0x6b: {  	_ =	shalt  }
0x6c: {  	_ =	shalt  }
0x6d: {  	_ =	shalt  }
0x6e: {  	_ =	shalt  }
0x6f: {  	_ =	shalt  }
0x70: {  	_ =	shalt  }
0x71: {  	_ =	shalt  }
0x72: {  	_ =	shalt  }
0x73: {  	_ =	shalt  }
0x74: {  	_ =	shalt  }
0x75: {  	_ =	shalt  }
0x76: {  	_ =	shalt  }
0x77: {  	_ =	shalt  }
0x78: {  	_ =	shalt  }
0x79: {  	_ =	shalt  }
0x7a: {  	_ =	shalt  }
0x7b: {  	_ =	shalt  }
0x7c: {  	_ =	shalt  }
0x7d: {  	_ =	shalt  }
0x7e: {  	_ =	shalt  }
0x7f: {  	_ =	shalt  }
0x80: {  	_ =	shalt  }
0x81: {  	_ =	shalt  }
0x82: {  	_ =	shalt  }
0x83: {  	_ =	shalt  }
0x84: {  	_ =	shalt  }
0x85: {  	_ =	shalt  }
0x86: {  	_ =	shalt  }
0x87: {  	_ =	shalt  }
.Lfunc_end0:
.L_simem_size_0:
called_computation.1_lowered:
.L_overlay_start_0:
0x88: {  	s2 =	sld [smem:$0x3FD9]  }
0x89: {  	s3 =	sld [smem:$0x3FFE];
	_ =	sdelay $0x1  }
0x8a: {  	s1 =	srdreg.scid  }
0x8b: {  	s0 =	sand.u32 $0x1, s1  }
0x8c: {  	s17 =	sshll.u32 s0, $0xA;
	s2 =	sadd.s32 s3, s2  }
0x8d: {  	s2 =	sadd.s32 s2, s17  }
0x8e: {  	[smem:$0x3FC4] =	sst s2  }
0x8f: {  	_ = 	snop  }
0x90: {  	s2 =	sld [smem:$0x3FC8]  }
0x91: {  	s18 =	sld [smem:$0x3FD0];
	(tm) =	ssettm $0x1  }
0x92: {  	s4 =	sld [smem:$0x3FFB];
	_ =	sdelay $0x3  }
0x93: {  	_ =	strace s4  }
0x94: {  	s4 =	sld [smem:$0x3FFC];
	_ =	sdelay $0x3  }
0x95: {  	_ =	strace s4  }
0x96: {  	s4 =	sld [smem:$0x3FFD];
	_ =	sdelay $0x3  }
0x97: {  	_ =	strace s4  }
0x98: {  	_ =	strace $0x8FFFFFFF  }
0x99: {  	s19 =	sld [smem:$0x3FDB];
	_ =	sdelay $0x1  }
0x9a: {  	s5 =	simm.s32 $_scs_section_size  }
0x9b: {  	s6 =	simm.s32 $_size__tile_overlayer_lowered;
	s7 =	simm.s32 $_tile_overlayer_lowered  }
0x9c: {  	s22 =	simm.s32 $0x1BFF;
	s21 =	sshll.u32 s7, $0x1;
	s4 =	sadd.s32 s5, s19  }
0x9d: {  	s8 =	simm.s32 $0x0;
	s20 =	sshll.u32 s6, $0x1;
	s6 =	sadd.s32 s21, s4  }
0x9e: {  	[timem:s8], [sflag:s22] =	dma.local [hbm:s6], s20  }
0x9f: {  	_ =	swait.ge [sflag:s22], s20  }
0xa0: {  	s5 =	ssub.s32 $0x0, s20;
	[sflag:s22] =	ssyncset.done $0x0  }
0xa1: {  	[sflag:s22] =	ssyncadd.s32 s5;
	_ =	sdelay $0x1  }
0xa2: {  	s23 =	simm.s32 $0x1B8B  }
0xa3: {  	_ =	swait.ge [sflag:s23], $0x1  }
0xa4: {  	[sflag:s23] =	ssyncset.done $0x0  }
0xa5: {  	s25 =	simm.s32 $0x1B8E;
	s24 =	sld [smem:$0x3FFE];
	[sflag:s23] =	ssyncadd.s32 $0xFFFFFFFF  }
0xa6: {  	s26 =	simm.s32 $execute0_lowered;
	[smem:$0x3FD2] =	sst s25  }
0xa7: {  	s6 =	sshll.u32 s26, $0x1;
	_ =	strace $0x80000049;
	[dreg:$0x1] =	wrdreg $0xFFFFFFFF  }
0xa8: {  	s28 =	simm.s32 $_size_execute0_lowered;
	s4 =	sadd.s32 s4, s6;
	[dreg:$0x0] =	wrdreg $0x0  }
0xa9: {  	s6 =	sshll.u32 s28, $0x1;
	[dreg:$0x2] =	wrdreg s4  }
0xaa: {  	[dreg:$0x3] =	wrdreg s6  }
0xab: {  	[dreg:$0x4] =	wrdreg $0xC0  }
0xac: {  	_ =	task [dreg:s8], $0x5FFFF  }
0xad: {  	[dreg:$0x1] =	wrdreg $0xFFFFFFFF  }
0xae: {  	[dreg:$0x0] =	wrdreg $0x60  }
0xaf: {  	[dreg:$0x2] =	wrdreg s2  }
0xb0: {  	[dreg:$0x3] =	wrdreg s24  }
0xb1: {  	[dreg:$0x4] =	wrdreg s18  }
0xb2: {  	[dreg:$0x5] =	wrdreg $0x9  }
0xb3: {  	_ =	task.clear_ibuf [dreg:s8], $0x6FFFF;
	_ =	strace $0x90000049  }
0xb4: {  	s29 =	simm.s32 $0x9;
	_ =	strace $0x8000004B  }
0xb5: {  	_ =	swait.ge [sflag:s29], $0x1  }
0xb6: {  	[sflag:s29] =	ssyncadd.s32 $0xFFFFFFFF  }
0xb7: {  	_ =	strace $0x9000004B  }
0xb8: {  	_ =	sfence  }
0xb9: {  	s30 =	sld [smem:$0x0];
	_ =	sdelay $0x2  }
0xba: {  	s31 =	sshll.u32 s1, $0xD;
	s1 =	sshrl.u32 s1, $0x2  }
0xbb: {  	s3 =	sand.u32 $0x4000, s31;
	s1 =	sadd.s32 s1, s30  }
0xbc: {  	s0 =	sor.u32 s3, s0;
	s1 =	sshll.u32 s1, $0x11  }
0xbd: {  	s0 =	sor.u32 s1, s0  }
0xbe: {  	s0 =	sadd.s32 $0x8F2B, s0  }
0xbf: {  	[sflag:s0] =	ssyncadd.remote.s32 $0x1  }
0xc0: {  	_ =	sfence.sel $0xFFFF  }
0xc1: {  	[dreg:$0x0] =	wrdreg $0xFFFFFFFF;
	(pc) =	sbr.abs _section_cstart, $3  }
0xc2: {  	[dreg:$0x1] =	wrdreg $0xFFFFFFFF  }
0xc3: {  	_ =	task.clear_ibuf [dreg:s8], $0x2FFFF;
	_ =	strace $0x9FFFFFFF  }
0xc4: {  	(tm) =	ssettm $0x7FFFFFFF  }
0xc5: {  	_ =	shalt  }
tec
execute0_lowered:
.L_overlay_start_1:
0x0: {  	(tag) =	ssettag $0x1  }
0x1: {  	s4 =	rddreg [dreg:$0x0]  }
0x2: {  	s5 =	rddreg [dreg:$0x1]  }
0x3: {  	s6 =	rddreg [dreg:$0x2]  }
0x4: {  	s0 =	rddreg [dreg:$0x3];
	s2 =	simm.s32 $0x0;
	s3 =	srdreg.scid  }
0x5: {  	s1 =	stileid.u32;
	s10 =	simm.s32 $0x1;
	s11 =	simm.s32 $0x2  }
0x6: {  	s12 =	simm.s32 $0x8200;
	s13 =	simm.s32 $0x18200;
	s14 =	simm.s32 $0x0  }
0x7: {  	[smem:$0x7FF] =	sst s2;
	s7 =	sand.u32 $0x1, s3;
	s30 =	sshll.u32 s1, $0x1  }
0x8: {  	s3 =	sadd.s32 $0xF62C00, s5;
	s8 =	sor.u32 s7, s30;
	s7 =	ssub.s32 $0x2, s7  }
0x9: {  	_ =	strace $0x8000004A;
	s9 =	sshll.u32 s8, $0xC;
	s31 =	sshrl.u32 s7, $0x1  }
0xa: {  	s8 =	sshll.u32 s8, $0x6;
	s5 =	sadd.s32 s9, s5;
	s7 =	ssub.s32 s7, s31  }
0xb: {  	s4 =	sadd.s32 s4, s8;
	s6 =	sadd.s32 s6, s8;
	s8 =	simm.s32 $0x3  }
0xc: {  	v0 =	vlaneseq.u32;
	s9 =	simm.s32 $0x200;
	s5 =	sadd.s32 $0xF42C00, s5;
	s7 =	smax.u32 s7, $0x1  }
.LBB2_1:
0xd: {  	[tilespmem:s2], [sflag:$0x3] =	stream.linear.gather [hbm4b:s4+s2], $0x200, $0x38;
	[tilespmem:$0x18400] =	vst v63  }
0xe: {  	_ =	swait.ge [sflag:s8], $0x200  }
0xf: {  	[sflag:s8] =	ssyncset.done $0x0  }
.Ltmp0:
0x10: {  	[sflag:s8] =	ssyncadd.s32 $0xFFFFFE00;
	(pc) =	sbr.rel .LBB2_2-.Ltmp0, $4  }
0x11: {  	[tilespmem:s9], [sflag:$0x1] =	stream.linear.gather [hbm4b:s5+s2], $0x8000, $0x38;
	[tilespmem:$0x18400] =	vst v63  }
0x12: {  	_ =	swait.ge [sflag:s10], $0x8000  }
0x13: {  	s15 =	simm.s32 $0x0;
	[sflag:s10] =	ssyncset.done $0x0  }
0x14: {  	s16 =	simm.s32 $0x8200;
	s17 =	simm.s32 $0x0;
	[sflag:s10] =	ssyncadd.s32 $0xFFFF8000  }
.LBB2_6:
0x15: {  	s17 =	sadd.s32 $0x1, s17  }
0x16: {  	p0 =	sne.s32 s17, $0x20  }
.Ltmp1:
0x17: {  	_ = 	snop;
	(pc) =	sbr.rel @!p0 .LBB2_7-.Ltmp1, $2  }
0x18: {  	_ =	sdelay $0x2  }
0x19: {  	s16 =	sadd.s32 $0x800, s16;
	s15 =	sadd.s32 $0x10, s15  }
.LBB2_2:
0x1a: {  	s18 =	sadd.s32 $0x0, s15  }
0x1b: {  	v1 =	vmov s18;
	_ =	sdelay $0x4  }
0x1c: {  	v1 =	vld.idx.msk [tilespmem:v1+s2+$0x0], $0xffff;
	_ =	sdelay $0x4  }
0x1d: {  	(v2sf) =	vpush v1, $0x0;
	_ =	sdelay $0xd  }
0x1e: {  	s30 =	sadd.s32 $0x1, s15  }
0x1f: {  	v1 =	vmov s30;
	s31 =	spop (v2sf)  }
0x20: {  	s18 =	sshll.u32 s31, $0x4  }
0x21: {  	s18 =	sand.u32 $0x1FFFFFF0, s18  }
0x22: {  	s18 =	sadd.s32 s3, s18  }
0x23: {  	[tilespmem:s16], [sflag:$0x2] =	stream.linear.gather [hbm4b:s18+s2], $0x80, $0x38;
	[tilespmem:$0x18400] =	vst v63  }
0x24: {  	v1 =	vld.idx.msk [tilespmem:v1+s2+$0x0], $0xffff;
	_ =	sdelay $0x4  }
0x25: {  	(v2sf) =	vpush v1, $0x0;
	_ =	sdelay $0xc  }
0x26: {  	s21 =	sadd.s32 $0x2, s15  }
0x27: {  	s20 =	simm.s32 $0x3;
	s19 =	smov.u32 s16;
	s18 =	sshll.u32 s17, $0x4  }
.LBB2_3:
0x28: {  	p0 =	sne.s32 s20, $0xF;
	v1 =	vmov s21;
	s21 =	spop (v2sf)  }
0x29: {  	s21 =	sshll.u32 s21, $0x4  }
0x2a: {  	s21 =	sand.u32 $0x1FFFFFF0, s21  }
0x2b: {  	s19 =	sadd.s32 $0x80, s19;
	s21 =	sadd.s32 s3, s21  }
0x2c: {  	[tilespmem:s19], [sflag:$0x2] =	stream.linear.gather [hbm4b:s21+s2], $0x80, $0x38;
	[tilespmem:$0x18400] =	vst v63  }
0x2d: {  	v1 =	vld.idx.msk [tilespmem:v1+s2+$0x0], $0xffff;
	_ =	sdelay $0x5  }
0x2e: {  	(v2sf) =	vpush v1, $0x0;
	_ =	sdelay $0x9  }
.Ltmp2:
0x2f: {  	(pc) =	sbr.rel @p0 .LBB2_3-.Ltmp2, $2  }
0x30: {  	_ =	sdelay $0x2  }
0x31: {  	s21 =	sadd.s32 s20, s15;
	s20 =	sadd.s32 $0x1, s20  }
0x32: {  	v1 =	vmov s21;
	s20 =	spop (v2sf)  }
0x33: {  	s20 =	sshll.u32 s20, $0x4  }
0x34: {  	s20 =	sand.u32 $0x1FFFFFF0, s20  }
0x35: {  	s19 =	sadd.s32 $0x80, s19;
	s20 =	sadd.s32 s3, s20  }
0x36: {  	[tilespmem:s19], [sflag:$0x2] =	stream.linear.gather [hbm4b:s20+s2], $0x80, $0x38;
	[tilespmem:$0x18400] =	vst v63  }
0x37: {  	v1 =	vld.idx.msk [tilespmem:v1+s2+$0x0], $0xffff;
	_ =	sdelay $0x4  }
0x38: {  	(v2sf) =	vpush v1, $0x0;
	_ =	sdelay $0xd  }
0x39: {  	p0 =	slt.u32 s17, $0x2  }
.Ltmp3:
0x3a: {  	s31 =	spop (v2sf);
	(pc) =	sbr.rel @p0 .LBB2_6-.Ltmp3, $4  }
0x3b: {  	s20 =	sshll.u32 s31, $0x4  }
0x3c: {  	s20 =	sand.u32 $0x1FFFFFF0, s20  }
0x3d: {  	s19 =	sadd.s32 $0x80, s19;
	s20 =	sadd.s32 s3, s20  }
0x3e: {  	[tilespmem:s19], [sflag:$0x2] =	stream.linear.gather [hbm4b:s20+s2], $0x80, $0x38;
	[tilespmem:$0x18400] =	vst v63  }
0x3f: {  	s19 =	sadd.s32 $0xFFFFFFE0, s18  }
0x40: {  	v1 =	vor.u32 s19, v0  }
0x41: {  	v2 =	vshll.u32 v1, $0x6  }
0x42: {  	v1 =	vshll.u32 v1, $0x7  }
0x43: {  	_ =	swait.ge [sflag:s11], $0x800;
	v3 =	vor.u32 $0x1, v2  }
0x44: {  	[sflag:s11] =	ssyncset.done $0x0;
	v4 =	vor.u32 $0x1, v1  }
0x45: {  	[sflag:s11] =	ssyncadd.s32 $0xFFFFF800;
	v5 =	vor.u32 $0x2, v2  }
0x46: {  	v7 =	vor.u32 $0x2, v1;
	v6 =	vld.idx.msk [tilespmem:v2+s9+$0x0], $0xffff  }
0x47: {  	v9 =	vor.u32 $0x3, v2;
	v8 =	vld.idx.msk [tilespmem:v1+s12+$0x0], $0xffff  }
0x48: {  	v10 =	vor.u32 $0x3, v1;
	v3 =	vld.idx.msk [tilespmem:v3+s9+$0x0], $0xffff  }
0x49: {  	v11 =	vor.u32 $0x4, v2;
	v4 =	vld.idx.msk [tilespmem:v4+s12+$0x0], $0xffff  }
0x4a: {  	v12 =	vor.u32 $0x4, v1;
	v5 =	vld.idx.msk [tilespmem:v5+s9+$0x0], $0xffff  }
0x4b: {  	v13 =	vor.u32 $0x5, v2;
	v7 =	vld.idx.msk [tilespmem:v7+s12+$0x0], $0xffff  }
0x4c: {  	v63 =	vor.u32 $0x5, v1;
	v62 =	vld.idx.msk [tilespmem:v9+s9+$0x0], $0xffff;
	v6 =	vmul.f32 v8, v6  }
0x4d: {  	v14 =	vor.u32 $0x6, v2;
	v10 =	vld.idx.msk [tilespmem:v10+s12+$0x0], $0xffff  }
0x4e: {  	v19 =	vor.u32 $0x6, v1;
	v18 =	vld.idx.msk [tilespmem:v11+s9+$0x0], $0xffff;
	v3 =	vmul.f32 v4, v3;
	v6 =	vadd.f32 $0.0e+00, v6  }
0x4f: {  	v15 =	vor.u32 $0x7, v2;
	v12 =	vld.idx.msk [tilespmem:v12+s12+$0x0], $0xffff  }
0x50: {  	v21 =	vor.u32 $0x7, v1;
	v20 =	vld.idx.msk [tilespmem:v13+s9+$0x0], $0xffff;
	v5 =	vmul.f32 v7, v5;
	v3 =	vadd.f32 v3, v6  }
0x51: {  	v22 =	vor.u32 $0x8, v2;
	v9 =	vld.idx.msk [tilespmem:v63+s12+$0x0], $0xffff  }
0x52: {  	v25 =	vor.u32 $0x8, v1;
	v24 =	vld.idx.msk [tilespmem:v14+s9+$0x0], $0xffff;
	v23 =	vmul.f32 v10, v62;
	v3 =	vadd.f32 v5, v3  }
0x53: {  	v26 =	vor.u32 $0x9, v2;
	v11 =	vld.idx.msk [tilespmem:v19+s12+$0x0], $0xffff  }
0x54: {  	v28 =	vor.u32 $0x9, v1;
	v27 =	vld.idx.msk [tilespmem:v15+s9+$0x0], $0xffff;
	v4 =	vmul.f32 v12, v18;
	v3 =	vadd.f32 v23, v3  }
0x55: {  	v29 =	vor.u32 $0xA, v2;
	v7 =	vld.idx.msk [tilespmem:v21+s12+$0x0], $0xffff  }
0x56: {  	v32 =	vor.u32 $0xA, v1;
	v31 =	vld.idx.msk [tilespmem:v22+s9+$0x0], $0xffff;
	v30 =	vmul.f32 v9, v20;
	v3 =	vadd.f32 v4, v3  }
0x57: {  	v33 =	vor.u32 $0xB, v2;
	v10 =	vld.idx.msk [tilespmem:v25+s12+$0x0], $0xffff  }
0x58: {  	v36 =	vor.u32 $0xB, v1;
	v35 =	vld.idx.msk [tilespmem:v26+s9+$0x0], $0xffff;
	v34 =	vmul.f32 v11, v24;
	v3 =	vadd.f32 v30, v3  }
0x59: {  	v37 =	vor.u32 $0xC, v2;
	v12 =	vld.idx.msk [tilespmem:v28+s12+$0x0], $0xffff  }
0x5a: {  	v40 =	vor.u32 $0xC, v1;
	v39 =	vld.idx.msk [tilespmem:v29+s9+$0x0], $0xffff;
	v38 =	vmul.f32 v7, v27;
	v3 =	vadd.f32 v34, v3  }
0x5b: {  	v41 =	vor.u32 $0xD, v2;
	v9 =	vld.idx.msk [tilespmem:v32+s12+$0x0], $0xffff  }
0x5c: {  	v44 =	vor.u32 $0xD, v1;
	v43 =	vld.idx.msk [tilespmem:v33+s9+$0x0], $0xffff;
	v42 =	vmul.f32 v10, v31;
	v3 =	vadd.f32 v38, v3  }
0x5d: {  	v45 =	vor.u32 $0xE, v2;
	v11 =	vld.idx.msk [tilespmem:v36+s12+$0x0], $0xffff  }
0x5e: {  	v48 =	vor.u32 $0xE, v1;
	v47 =	vld.idx.msk [tilespmem:v37+s9+$0x0], $0xffff;
	v46 =	vmul.f32 v12, v35;
	v3 =	vadd.f32 v42, v3  }
0x5f: {  	v49 =	vor.u32 $0xF, v2;
	v7 =	vld.idx.msk [tilespmem:v40+s12+$0x0], $0xffff  }
0x60: {  	v52 =	vor.u32 $0xF, v1;
	v51 =	vld.idx.msk [tilespmem:v41+s9+$0x0], $0xffff;
	v50 =	vmul.f32 v9, v39;
	v3 =	vadd.f32 v46, v3  }
0x61: {  	v53 =	vor.u32 $0x10, v2;
	v10 =	vld.idx.msk [tilespmem:v44+s12+$0x0], $0xffff  }
0x62: {  	v56 =	vor.u32 $0x10, v1;
	v55 =	vld.idx.msk [tilespmem:v45+s9+$0x0], $0xffff;
	v54 =	vmul.f32 v11, v43;
	v3 =	vadd.f32 v50, v3  }
0x63: {  	v60 =	vor.u32 $0x11, v1;
	v12 =	vld.idx.msk [tilespmem:v48+s12+$0x0], $0xffff  }
0x64: {  	v57 =	vor.u32 $0x11, v2;
	v59 =	vld.idx.msk [tilespmem:v49+s9+$0x0], $0xffff;
	v58 =	vmul.f32 v7, v47;
	v3 =	vadd.f32 v54, v3  }
0x65: {  	v61 =	vor.u32 $0x12, v2;
	v9 =	vld.idx.msk [tilespmem:v52+s12+$0x0], $0xffff  }
0x66: {  	v63 =	vld.idx.msk [tilespmem:v53+s9+$0x0], $0xffff;
	v18 =	vor.u32 $0x12, v1;
	v62 =	vmul.f32 v10, v51;
	v3 =	vadd.f32 v58, v3  }
0x67: {  	v19 =	vor.u32 $0x13, v2;
	v11 =	vld.idx.msk [tilespmem:v56+s12+$0x0], $0xffff  }
0x68: {  	v22 =	vor.u32 $0x13, v1;
	v8 =	vld.idx.msk [tilespmem:v60+s12+$0x0], $0xffff;
	v20 =	vmul.f32 v12, v55;
	v3 =	vadd.f32 v62, v3  }
0x69: {  	v26 =	vor.u32 $0x14, v1;
	v21 =	vld.idx.msk [tilespmem:v57+s9+$0x0], $0xffff  }
0x6a: {  	v25 =	vld.idx.msk [tilespmem:v61+s9+$0x0], $0xffff;
	v23 =	vor.u32 $0x14, v2;
	v24 =	vmul.f32 v9, v59;
	v3 =	vadd.f32 v20, v3  }
0x6b: {  	v27 =	vor.u32 $0x15, v2;
	v10 =	vld.idx.msk [tilespmem:v18+s12+$0x0], $0xffff  }
0x6c: {  	v29 =	vld.idx.msk [tilespmem:v19+s9+$0x0], $0xffff;
	v28 =	vmul.f32 v11, v63;
	v30 =	vor.u32 $0x15, v1;
	v3 =	vadd.f32 v24, v3  }
0x6d: {  	v31 =	vor.u32 $0x16, v2;
	v12 =	vld.idx.msk [tilespmem:v22+s12+$0x0], $0xffff  }
0x6e: {  	v32 =	vmul.f32 v8, v21;
	v9 =	vld.idx.msk [tilespmem:v26+s12+$0x0], $0xffff;
	v34 =	vor.u32 $0x16, v1;
	v3 =	vadd.f32 v28, v3  }
0x6f: {  	v35 =	vor.u32 $0x17, v2;
	v33 =	vld.idx.msk [tilespmem:v23+s9+$0x0], $0xffff  }
0x70: {  	v37 =	vld.idx.msk [tilespmem:v27+s9+$0x0], $0xffff;
	v36 =	vmul.f32 v10, v25;
	v38 =	vor.u32 $0x17, v1;
	v3 =	vadd.f32 v32, v3  }
0x71: {  	v39 =	vor.u32 $0x18, v2;
	v11 =	vld.idx.msk [tilespmem:v30+s12+$0x0], $0xffff  }
0x72: {  	v41 =	vld.idx.msk [tilespmem:v31+s9+$0x0], $0xffff;
	v40 =	vmul.f32 v12, v29;
	v42 =	vor.u32 $0x18, v1;
	v3 =	vadd.f32 v36, v3  }
0x73: {  	v43 =	vor.u32 $0x19, v2;
	v8 =	vld.idx.msk [tilespmem:v34+s12+$0x0], $0xffff  }
0x74: {  	v45 =	vld.idx.msk [tilespmem:v35+s9+$0x0], $0xffff;
	v44 =	vmul.f32 v9, v33;
	v46 =	vor.u32 $0x19, v1;
	v3 =	vadd.f32 v40, v3  }
0x75: {  	v47 =	vor.u32 $0x1A, v2;
	v10 =	vld.idx.msk [tilespmem:v38+s12+$0x0], $0xffff  }
0x76: {  	v49 =	vld.idx.msk [tilespmem:v39+s9+$0x0], $0xffff;
	v48 =	vmul.f32 v11, v37;
	v50 =	vor.u32 $0x1A, v1;
	v3 =	vadd.f32 v44, v3  }
0x77: {  	v51 =	vor.u32 $0x1B, v2;
	v12 =	vld.idx.msk [tilespmem:v42+s12+$0x0], $0xffff  }
0x78: {  	v53 =	vld.idx.msk [tilespmem:v43+s9+$0x0], $0xffff;
	v52 =	vmul.f32 v8, v41;
	v54 =	vor.u32 $0x1B, v1;
	v3 =	vadd.f32 v48, v3  }
0x79: {  	v55 =	vor.u32 $0x1C, v2;
	v9 =	vld.idx.msk [tilespmem:v46+s12+$0x0], $0xffff  }
0x7a: {  	v57 =	vld.idx.msk [tilespmem:v47+s9+$0x0], $0xffff;
	v56 =	vmul.f32 v10, v45;
	v58 =	vor.u32 $0x1C, v1;
	v3 =	vadd.f32 v52, v3  }
0x7b: {  	v59 =	vor.u32 $0x1D, v2;
	v11 =	vld.idx.msk [tilespmem:v50+s12+$0x0], $0xffff  }
0x7c: {  	v61 =	vld.idx.msk [tilespmem:v51+s9+$0x0], $0xffff;
	v60 =	vmul.f32 v12, v49;
	v62 =	vor.u32 $0x1D, v1;
	v3 =	vadd.f32 v56, v3  }
0x7d: {  	v63 =	vor.u32 $0x1E, v2;
	v8 =	vld.idx.msk [tilespmem:v54+s12+$0x0], $0xffff  }
0x7e: {  	v19 =	vld.idx.msk [tilespmem:v55+s9+$0x0], $0xffff;
	v18 =	vmul.f32 v9, v53;
	v20 =	vor.u32 $0x1E, v1;
	v3 =	vadd.f32 v60, v3  }
0x7f: {  	v21 =	vor.u32 $0x1F, v2;
	v10 =	vld.idx.msk [tilespmem:v58+s12+$0x0], $0xffff  }
0x80: {  	v23 =	vld.idx.msk [tilespmem:v59+s9+$0x0], $0xffff;
	v22 =	vmul.f32 v11, v57;
	v24 =	vor.u32 $0x1F, v1;
	v3 =	vadd.f32 v18, v3  }
0x81: {  	v25 =	vor.u32 $0x20, v2;
	v12 =	vld.idx.msk [tilespmem:v62+s12+$0x0], $0xffff  }
0x82: {  	v27 =	vld.idx.msk [tilespmem:v63+s9+$0x0], $0xffff;
	v26 =	vmul.f32 v8, v61;
	v28 =	vor.u32 $0x20, v1;
	v3 =	vadd.f32 v22, v3  }
0x83: {  	v29 =	vor.u32 $0x21, v2;
	v9 =	vld.idx.msk [tilespmem:v20+s12+$0x0], $0xffff  }
0x84: {  	v31 =	vld.idx.msk [tilespmem:v21+s9+$0x0], $0xffff;
	v30 =	vmul.f32 v10, v19;
	v32 =	vor.u32 $0x21, v1;
	v3 =	vadd.f32 v26, v3  }
0x85: {  	v33 =	vor.u32 $0x22, v2;
	v11 =	vld.idx.msk [tilespmem:v24+s12+$0x0], $0xffff  }
0x86: {  	v35 =	vld.idx.msk [tilespmem:v25+s9+$0x0], $0xffff;
	v34 =	vmul.f32 v12, v23;
	v36 =	vor.u32 $0x22, v1;
	v3 =	vadd.f32 v30, v3  }
0x87: {  	v37 =	vor.u32 $0x23, v2;
	v8 =	vld.idx.msk [tilespmem:v28+s12+$0x0], $0xffff  }
0x88: {  	v39 =	vld.idx.msk [tilespmem:v29+s9+$0x0], $0xffff;
	v38 =	vmul.f32 v9, v27;
	v40 =	vor.u32 $0x23, v1;
	v3 =	vadd.f32 v34, v3  }
0x89: {  	v41 =	vor.u32 $0x24, v2;
	v10 =	vld.idx.msk [tilespmem:v32+s12+$0x0], $0xffff  }
0x8a: {  	v43 =	vld.idx.msk [tilespmem:v33+s9+$0x0], $0xffff;
	v42 =	vmul.f32 v11, v31;
	v44 =	vor.u32 $0x24, v1;
	v3 =	vadd.f32 v38, v3  }
0x8b: {  	v45 =	vor.u32 $0x25, v2;
	v12 =	vld.idx.msk [tilespmem:v36+s12+$0x0], $0xffff  }
0x8c: {  	v47 =	vld.idx.msk [tilespmem:v37+s9+$0x0], $0xffff;
	v46 =	vmul.f32 v8, v35;
	v48 =	vor.u32 $0x25, v1;
	v3 =	vadd.f32 v42, v3  }
0x8d: {  	v49 =	vor.u32 $0x26, v2;
	v9 =	vld.idx.msk [tilespmem:v40+s12+$0x0], $0xffff  }
0x8e: {  	v51 =	vld.idx.msk [tilespmem:v41+s9+$0x0], $0xffff;
	v50 =	vmul.f32 v10, v39;
	v52 =	vor.u32 $0x26, v1;
	v3 =	vadd.f32 v46, v3  }
0x8f: {  	v53 =	vor.u32 $0x27, v2;
	v11 =	vld.idx.msk [tilespmem:v44+s12+$0x0], $0xffff  }
0x90: {  	v55 =	vld.idx.msk [tilespmem:v45+s9+$0x0], $0xffff;
	v54 =	vmul.f32 v12, v43;
	v56 =	vor.u32 $0x27, v1;
	v3 =	vadd.f32 v50, v3  }
0x91: {  	v57 =	vor.u32 $0x28, v2;
	v8 =	vld.idx.msk [tilespmem:v48+s12+$0x0], $0xffff  }
0x92: {  	v59 =	vld.idx.msk [tilespmem:v49+s9+$0x0], $0xffff;
	v58 =	vmul.f32 v9, v47;
	v60 =	vor.u32 $0x28, v1;
	v3 =	vadd.f32 v54, v3  }
0x93: {  	v61 =	vor.u32 $0x29, v2;
	v10 =	vld.idx.msk [tilespmem:v52+s12+$0x0], $0xffff  }
0x94: {  	v63 =	vld.idx.msk [tilespmem:v53+s9+$0x0], $0xffff;
	v62 =	vmul.f32 v11, v51;
	v18 =	vor.u32 $0x29, v1;
	v3 =	vadd.f32 v58, v3  }
0x95: {  	v19 =	vor.u32 $0x2A, v2;
	v12 =	vld.idx.msk [tilespmem:v56+s12+$0x0], $0xffff  }
0x96: {  	v21 =	vld.idx.msk [tilespmem:v57+s9+$0x0], $0xffff;
	v20 =	vmul.f32 v8, v55;
	v22 =	vor.u32 $0x2A, v1;
	v3 =	vadd.f32 v62, v3  }
0x97: {  	v23 =	vor.u32 $0x2B, v2;
	v9 =	vld.idx.msk [tilespmem:v60+s12+$0x0], $0xffff  }
0x98: {  	v25 =	vld.idx.msk [tilespmem:v61+s9+$0x0], $0xffff;
	v24 =	vmul.f32 v10, v59;
	v26 =	vor.u32 $0x2B, v1;
	v3 =	vadd.f32 v20, v3  }
0x99: {  	v27 =	vor.u32 $0x2C, v2;
	v11 =	vld.idx.msk [tilespmem:v18+s12+$0x0], $0xffff  }
0x9a: {  	v29 =	vld.idx.msk [tilespmem:v19+s9+$0x0], $0xffff;
	v28 =	vmul.f32 v12, v63;
	v30 =	vor.u32 $0x2C, v1;
	v3 =	vadd.f32 v24, v3  }
0x9b: {  	v31 =	vor.u32 $0x2D, v2;
	v8 =	vld.idx.msk [tilespmem:v22+s12+$0x0], $0xffff  }
0x9c: {  	v33 =	vld.idx.msk [tilespmem:v23+s9+$0x0], $0xffff;
	v32 =	vmul.f32 v9, v21;
	v34 =	vor.u32 $0x2D, v1;
	v3 =	vadd.f32 v28, v3  }
0x9d: {  	v35 =	vor.u32 $0x2E, v2;
	v10 =	vld.idx.msk [tilespmem:v26+s12+$0x0], $0xffff  }
0x9e: {  	v37 =	vld.idx.msk [tilespmem:v27+s9+$0x0], $0xffff;
	v36 =	vmul.f32 v11, v25;
	v38 =	vor.u32 $0x2E, v1;
	v3 =	vadd.f32 v32, v3  }
0x9f: {  	v39 =	vor.u32 $0x2F, v2;
	v12 =	vld.idx.msk [tilespmem:v30+s12+$0x0], $0xffff  }
0xa0: {  	v41 =	vld.idx.msk [tilespmem:v31+s9+$0x0], $0xffff;
	v40 =	vmul.f32 v8, v29;
	v42 =	vor.u32 $0x2F, v1;
	v3 =	vadd.f32 v36, v3  }
0xa1: {  	v43 =	vor.u32 $0x30, v2;
	v9 =	vld.idx.msk [tilespmem:v34+s12+$0x0], $0xffff  }
0xa2: {  	v45 =	vld.idx.msk [tilespmem:v35+s9+$0x0], $0xffff;
	v44 =	vmul.f32 v10, v33;
	v46 =	vor.u32 $0x30, v1;
	v3 =	vadd.f32 v40, v3  }
0xa3: {  	v47 =	vor.u32 $0x31, v2;
	v11 =	vld.idx.msk [tilespmem:v38+s12+$0x0], $0xffff  }
0xa4: {  	v49 =	vld.idx.msk [tilespmem:v39+s9+$0x0], $0xffff;
	v48 =	vmul.f32 v12, v37;
	v50 =	vor.u32 $0x31, v1;
	v3 =	vadd.f32 v44, v3  }
0xa5: {  	v51 =	vor.u32 $0x32, v2;
	v8 =	vld.idx.msk [tilespmem:v42+s12+$0x0], $0xffff  }
0xa6: {  	v53 =	vld.idx.msk [tilespmem:v43+s9+$0x0], $0xffff;
	v52 =	vmul.f32 v9, v41;
	v54 =	vor.u32 $0x32, v1;
	v3 =	vadd.f32 v48, v3  }
0xa7: {  	v55 =	vor.u32 $0x33, v2;
	v10 =	vld.idx.msk [tilespmem:v46+s12+$0x0], $0xffff  }
0xa8: {  	v57 =	vld.idx.msk [tilespmem:v47+s9+$0x0], $0xffff;
	v56 =	vmul.f32 v11, v45;
	v58 =	vor.u32 $0x33, v1;
	v3 =	vadd.f32 v52, v3  }
0xa9: {  	v59 =	vor.u32 $0x34, v2;
	v12 =	vld.idx.msk [tilespmem:v50+s12+$0x0], $0xffff  }
0xaa: {  	v61 =	vld.idx.msk [tilespmem:v51+s9+$0x0], $0xffff;
	v60 =	vmul.f32 v8, v49;
	v62 =	vor.u32 $0x34, v1;
	v3 =	vadd.f32 v56, v3  }
0xab: {  	v63 =	vor.u32 $0x35, v2;
	v9 =	vld.idx.msk [tilespmem:v54+s12+$0x0], $0xffff  }
0xac: {  	v19 =	vor.u32 $0x35, v1;
	v18 =	vld.idx.msk [tilespmem:v55+s9+$0x0], $0xffff;
	v17 =	vmul.f32 v10, v53;
	v3 =	vadd.f32 v60, v3  }
0xad: {  	v23 =	vor.u32 $0x36, v1;
	v11 =	vld.idx.msk [tilespmem:v58+s12+$0x0], $0xffff  }
0xae: {  	v22 =	vld.idx.msk [tilespmem:v59+s9+$0x0], $0xffff;
	v20 =	vor.u32 $0x36, v2;
	v21 =	vmul.f32 v12, v57;
	v3 =	vadd.f32 v17, v3  }
0xaf: {  	v27 =	vor.u32 $0x37, v1;
	v8 =	vld.idx.msk [tilespmem:v62+s12+$0x0], $0xffff  }
0xb0: {  	v26 =	vld.idx.msk [tilespmem:v63+s9+$0x0], $0xffff;
	v24 =	vor.u32 $0x37, v2;
	v25 =	vmul.f32 v9, v61;
	v3 =	vadd.f32 v21, v3  }
0xb1: {  	v31 =	vor.u32 $0x38, v1;
	v10 =	vld.idx.msk [tilespmem:v19+s12+$0x0], $0xffff  }
0xb2: {  	v12 =	vld.idx.msk [tilespmem:v23+s12+$0x0], $0xffff;
	v28 =	vor.u32 $0x38, v2;
	v29 =	vmul.f32 v11, v18;
	v3 =	vadd.f32 v25, v3  }
0xb3: {  	v35 =	vor.u32 $0x39, v1;
	v30 =	vld.idx.msk [tilespmem:v20+s9+$0x0], $0xffff  }
0xb4: {  	v9 =	vld.idx.msk [tilespmem:v27+s12+$0x0], $0xffff;
	v32 =	vor.u32 $0x39, v2;
	v33 =	vmul.f32 v8, v22;
	v3 =	vadd.f32 v29, v3  }
0xb5: {  	v39 =	vor.u32 $0x3A, v1;
	v34 =	vld.idx.msk [tilespmem:v24+s9+$0x0], $0xffff  }
0xb6: {  	v37 =	vmul.f32 v10, v26;
	v11 =	vld.idx.msk [tilespmem:v31+s12+$0x0], $0xffff;
	v36 =	vor.u32 $0x3A, v2;
	v3 =	vadd.f32 v33, v3  }
0xb7: {  	v43 =	vor.u32 $0x3B, v1;
	v38 =	vld.idx.msk [tilespmem:v28+s9+$0x0], $0xffff  }
0xb8: {  	v8 =	vld.idx.msk [tilespmem:v35+s12+$0x0], $0xffff;
	v40 =	vor.u32 $0x3B, v2;
	v41 =	vmul.f32 v12, v30;
	v3 =	vadd.f32 v37, v3  }
0xb9: {  	v47 =	vor.u32 $0x3C, v1;
	v42 =	vld.idx.msk [tilespmem:v32+s9+$0x0], $0xffff  }
0xba: {  	v10 =	vld.idx.msk [tilespmem:v39+s12+$0x0], $0xffff;
	v44 =	vor.u32 $0x3C, v2;
	v45 =	vmul.f32 v9, v34;
	v3 =	vadd.f32 v41, v3  }
0xbb: {  	v51 =	vor.u32 $0x3D, v1;
	v46 =	vld.idx.msk [tilespmem:v36+s9+$0x0], $0xffff  }
0xbc: {  	v12 =	vld.idx.msk [tilespmem:v43+s12+$0x0], $0xffff;
	v48 =	vor.u32 $0x3D, v2;
	v49 =	vmul.f32 v11, v38;
	v3 =	vadd.f32 v45, v3  }
0xbd: {  	v55 =	vor.u32 $0x3E, v1;
	v50 =	vld.idx.msk [tilespmem:v40+s9+$0x0], $0xffff  }
0xbe: {  	v9 =	vld.idx.msk [tilespmem:v47+s12+$0x0], $0xffff;
	v52 =	vor.u32 $0x3E, v2;
	v53 =	vmul.f32 v8, v42;
	v3 =	vadd.f32 v49, v3  }
0xbf: {  	v1 =	vor.u32 $0x3F, v1;
	v54 =	vld.idx.msk [tilespmem:v44+s9+$0x0], $0xffff  }
0xc0: {  	v58 =	vld.idx.msk [tilespmem:v51+s12+$0x0], $0xffff;
	v2 =	vor.u32 $0x3F, v2;
	v56 =	vmul.f32 v10, v46;
	v3 =	vadd.f32 v53, v3  }
0xc1: {  	v57 =	vld.idx.msk [tilespmem:v48+s9+$0x0], $0xffff  }
0xc2: {  	v8 =	vld.idx.msk [tilespmem:v55+s12+$0x0], $0xffff;
	v59 =	vmul.f32 v12, v50;
	v3 =	vadd.f32 v56, v3  }
0xc3: {  	v60 =	vld.idx.msk [tilespmem:v52+s9+$0x0], $0xffff  }
0xc4: {  	v1 =	vld.idx.msk [tilespmem:v1+s12+$0x0], $0xffff;
	v61 =	vmul.f32 v9, v54;
	v3 =	vadd.f32 v59, v3  }
0xc5: {  	v2 =	vld.idx.msk [tilespmem:v2+s9+$0x0], $0xffff  }
0xc6: {  	v62 =	vmul.f32 v58, v57;
	v3 =	vadd.f32 v61, v3;
	_ =	sdelay $0x1  }
0xc7: {  	v63 =	vmul.f32 v8, v60;
	v3 =	vadd.f32 v62, v3;
	_ =	sdelay $0x1  }
.Ltmp4:
0xc8: {  	v1 =	vmul.f32 v1, v2;
	v3 =	vadd.f32 v63, v3;
	(pc) =	sbr.rel .LBB2_6-.Ltmp4, $3  }
0xc9: {  	_ = 	snop  }
0xca: {  	v1 =	vadd.f32 v1, v3;
	_ =	sdelay $0x1  }
0xcb: {  	[tilespmem:s18+$0x181E0] =	vst v1  }
.LBB2_7:
0xcc: {  	s15 =	simm.s32 $0x1E0;
	s16 =	simm.s32 $0x183E0  }
.LBB2_8:
0xcd: {  	v1 =	vor.u32 s15, v0  }
0xce: {  	v2 =	vshll.u32 v1, $0x6  }
0xcf: {  	v1 =	vshll.u32 v1, $0x7  }
0xd0: {  	_ =	swait.ge [sflag:s11], $0x800;
	v3 =	vor.u32 $0x1, v2  }
0xd1: {  	[sflag:s11] =	ssyncset.done $0x0;
	v4 =	vor.u32 $0x1, v1  }
0xd2: {  	[sflag:s11] =	ssyncadd.s32 $0xFFFFF800;
	v5 =	vor.u32 $0x2, v2  }
0xd3: {  	v7 =	vor.u32 $0x2, v1;
	v6 =	vld.idx.msk [tilespmem:v2+s9+$0x0], $0xffff  }
0xd4: {  	v9 =	vor.u32 $0x3, v2;
	v8 =	vld.idx.msk [tilespmem:v1+s12+$0x0], $0xffff  }
0xd5: {  	v10 =	vor.u32 $0x3, v1;
	v3 =	vld.idx.msk [tilespmem:v3+s9+$0x0], $0xffff  }
0xd6: {  	v11 =	vor.u32 $0x4, v2;
	v4 =	vld.idx.msk [tilespmem:v4+s12+$0x0], $0xffff  }
0xd7: {  	v12 =	vor.u32 $0x4, v1;
	v5 =	vld.idx.msk [tilespmem:v5+s9+$0x0], $0xffff  }
0xd8: {  	v13 =	vor.u32 $0x5, v2;
	v7 =	vld.idx.msk [tilespmem:v7+s12+$0x0], $0xffff  }
0xd9: {  	v63 =	vor.u32 $0x5, v1;
	v62 =	vld.idx.msk [tilespmem:v9+s9+$0x0], $0xffff;
	v6 =	vmul.f32 v8, v6  }
0xda: {  	v14 =	vor.u32 $0x6, v2;
	v10 =	vld.idx.msk [tilespmem:v10+s12+$0x0], $0xffff  }
0xdb: {  	v19 =	vor.u32 $0x6, v1;
	v18 =	vld.idx.msk [tilespmem:v11+s9+$0x0], $0xffff;
	v3 =	vmul.f32 v4, v3;
	v6 =	vadd.f32 $0.0e+00, v6  }
0xdc: {  	v15 =	vor.u32 $0x7, v2;
	v12 =	vld.idx.msk [tilespmem:v12+s12+$0x0], $0xffff  }
0xdd: {  	v21 =	vor.u32 $0x7, v1;
	v20 =	vld.idx.msk [tilespmem:v13+s9+$0x0], $0xffff;
	v5 =	vmul.f32 v7, v5;
	v3 =	vadd.f32 v3, v6  }
0xde: {  	v22 =	vor.u32 $0x8, v2;
	v9 =	vld.idx.msk [tilespmem:v63+s12+$0x0], $0xffff  }
0xdf: {  	v25 =	vor.u32 $0x8, v1;
	v24 =	vld.idx.msk [tilespmem:v14+s9+$0x0], $0xffff;
	v23 =	vmul.f32 v10, v62;
	v3 =	vadd.f32 v5, v3  }
0xe0: {  	v26 =	vor.u32 $0x9, v2;
	v11 =	vld.idx.msk [tilespmem:v19+s12+$0x0], $0xffff  }
0xe1: {  	v28 =	vor.u32 $0x9, v1;
	v27 =	vld.idx.msk [tilespmem:v15+s9+$0x0], $0xffff;
	v4 =	vmul.f32 v12, v18;
	v3 =	vadd.f32 v23, v3  }
0xe2: {  	v29 =	vor.u32 $0xA, v2;
	v7 =	vld.idx.msk [tilespmem:v21+s12+$0x0], $0xffff  }
0xe3: {  	v32 =	vor.u32 $0xA, v1;
	v31 =	vld.idx.msk [tilespmem:v22+s9+$0x0], $0xffff;
	v30 =	vmul.f32 v9, v20;
	v3 =	vadd.f32 v4, v3  }
0xe4: {  	v33 =	vor.u32 $0xB, v2;
	v10 =	vld.idx.msk [tilespmem:v25+s12+$0x0], $0xffff  }
0xe5: {  	v36 =	vor.u32 $0xB, v1;
	v35 =	vld.idx.msk [tilespmem:v26+s9+$0x0], $0xffff;
	v34 =	vmul.f32 v11, v24;
	v3 =	vadd.f32 v30, v3  }
0xe6: {  	v37 =	vor.u32 $0xC, v2;
	v12 =	vld.idx.msk [tilespmem:v28+s12+$0x0], $0xffff  }
0xe7: {  	v40 =	vor.u32 $0xC, v1;
	v39 =	vld.idx.msk [tilespmem:v29+s9+$0x0], $0xffff;
	v38 =	vmul.f32 v7, v27;
	v3 =	vadd.f32 v34, v3  }
0xe8: {  	v41 =	vor.u32 $0xD, v2;
	v9 =	vld.idx.msk [tilespmem:v32+s12+$0x0], $0xffff  }
0xe9: {  	v44 =	vor.u32 $0xD, v1;
	v43 =	vld.idx.msk [tilespmem:v33+s9+$0x0], $0xffff;
	v42 =	vmul.f32 v10, v31;
	v3 =	vadd.f32 v38, v3  }
0xea: {  	v45 =	vor.u32 $0xE, v2;
	v11 =	vld.idx.msk [tilespmem:v36+s12+$0x0], $0xffff  }
0xeb: {  	v48 =	vor.u32 $0xE, v1;
	v47 =	vld.idx.msk [tilespmem:v37+s9+$0x0], $0xffff;
	v46 =	vmul.f32 v12, v35;
	v3 =	vadd.f32 v42, v3  }
0xec: {  	v49 =	vor.u32 $0xF, v2;
	v7 =	vld.idx.msk [tilespmem:v40+s12+$0x0], $0xffff  }
0xed: {  	v52 =	vor.u32 $0xF, v1;
	v51 =	vld.idx.msk [tilespmem:v41+s9+$0x0], $0xffff;
	v50 =	vmul.f32 v9, v39;
	v3 =	vadd.f32 v46, v3  }
0xee: {  	v53 =	vor.u32 $0x10, v2;
	v10 =	vld.idx.msk [tilespmem:v44+s12+$0x0], $0xffff  }
0xef: {  	v56 =	vor.u32 $0x10, v1;
	v55 =	vld.idx.msk [tilespmem:v45+s9+$0x0], $0xffff;
	v54 =	vmul.f32 v11, v43;
	v3 =	vadd.f32 v50, v3  }
0xf0: {  	v60 =	vor.u32 $0x11, v1;
	v12 =	vld.idx.msk [tilespmem:v48+s12+$0x0], $0xffff  }
0xf1: {  	v57 =	vor.u32 $0x11, v2;
	v59 =	vld.idx.msk [tilespmem:v49+s9+$0x0], $0xffff;
	v58 =	vmul.f32 v7, v47;
	v3 =	vadd.f32 v54, v3  }
0xf2: {  	v61 =	vor.u32 $0x12, v2;
	v9 =	vld.idx.msk [tilespmem:v52+s12+$0x0], $0xffff  }
0xf3: {  	v63 =	vld.idx.msk [tilespmem:v53+s9+$0x0], $0xffff;
	v18 =	vor.u32 $0x12, v1;
	v62 =	vmul.f32 v10, v51;
	v3 =	vadd.f32 v58, v3  }
0xf4: {  	v19 =	vor.u32 $0x13, v2;
	v11 =	vld.idx.msk [tilespmem:v56+s12+$0x0], $0xffff  }
0xf5: {  	v22 =	vor.u32 $0x13, v1;
	v8 =	vld.idx.msk [tilespmem:v60+s12+$0x0], $0xffff;
	v20 =	vmul.f32 v12, v55;
	v3 =	vadd.f32 v62, v3  }
0xf6: {  	v26 =	vor.u32 $0x14, v1;
	v21 =	vld.idx.msk [tilespmem:v57+s9+$0x0], $0xffff  }
0xf7: {  	v25 =	vld.idx.msk [tilespmem:v61+s9+$0x0], $0xffff;
	v23 =	vor.u32 $0x14, v2;
	v24 =	vmul.f32 v9, v59;
	v3 =	vadd.f32 v20, v3  }
0xf8: {  	v27 =	vor.u32 $0x15, v2;
	v10 =	vld.idx.msk [tilespmem:v18+s12+$0x0], $0xffff  }
0xf9: {  	v29 =	vld.idx.msk [tilespmem:v19+s9+$0x0], $0xffff;
	v28 =	vmul.f32 v11, v63;
	v30 =	vor.u32 $0x15, v1;
	v3 =	vadd.f32 v24, v3  }
0xfa: {  	v31 =	vor.u32 $0x16, v2;
	v12 =	vld.idx.msk [tilespmem:v22+s12+$0x0], $0xffff  }
0xfb: {  	v32 =	vmul.f32 v8, v21;
	v9 =	vld.idx.msk [tilespmem:v26+s12+$0x0], $0xffff;
	v34 =	vor.u32 $0x16, v1;
	v3 =	vadd.f32 v28, v3  }
0xfc: {  	v35 =	vor.u32 $0x17, v2;
	v33 =	vld.idx.msk [tilespmem:v23+s9+$0x0], $0xffff  }
0xfd: {  	v37 =	vld.idx.msk [tilespmem:v27+s9+$0x0], $0xffff;
	v36 =	vmul.f32 v10, v25;
	v38 =	vor.u32 $0x17, v1;
	v3 =	vadd.f32 v32, v3  }
0xfe: {  	v39 =	vor.u32 $0x18, v2;
	v11 =	vld.idx.msk [tilespmem:v30+s12+$0x0], $0xffff  }
0xff: {  	v41 =	vld.idx.msk [tilespmem:v31+s9+$0x0], $0xffff;
	v40 =	vmul.f32 v12, v29;
	v42 =	vor.u32 $0x18, v1;
	v3 =	vadd.f32 v36, v3  }
0x100: {  	v43 =	vor.u32 $0x19, v2;
	v8 =	vld.idx.msk [tilespmem:v34+s12+$0x0], $0xffff  }
0x101: {  	v45 =	vld.idx.msk [tilespmem:v35+s9+$0x0], $0xffff;
	v44 =	vmul.f32 v9, v33;
	v46 =	vor.u32 $0x19, v1;
	v3 =	vadd.f32 v40, v3  }
0x102: {  	v47 =	vor.u32 $0x1A, v2;
	v10 =	vld.idx.msk [tilespmem:v38+s12+$0x0], $0xffff  }
0x103: {  	v49 =	vld.idx.msk [tilespmem:v39+s9+$0x0], $0xffff;
	v48 =	vmul.f32 v11, v37;
	v50 =	vor.u32 $0x1A, v1;
	v3 =	vadd.f32 v44, v3  }
0x104: {  	v51 =	vor.u32 $0x1B, v2;
	v12 =	vld.idx.msk [tilespmem:v42+s12+$0x0], $0xffff  }
0x105: {  	v53 =	vld.idx.msk [tilespmem:v43+s9+$0x0], $0xffff;
	v52 =	vmul.f32 v8, v41;
	v54 =	vor.u32 $0x1B, v1;
	v3 =	vadd.f32 v48, v3  }
0x106: {  	v55 =	vor.u32 $0x1C, v2;
	v9 =	vld.idx.msk [tilespmem:v46+s12+$0x0], $0xffff  }
0x107: {  	v57 =	vld.idx.msk [tilespmem:v47+s9+$0x0], $0xffff;
	v56 =	vmul.f32 v10, v45;
	v58 =	vor.u32 $0x1C, v1;
	v3 =	vadd.f32 v52, v3  }
0x108: {  	v59 =	vor.u32 $0x1D, v2;
	v11 =	vld.idx.msk [tilespmem:v50+s12+$0x0], $0xffff  }
0x109: {  	v61 =	vld.idx.msk [tilespmem:v51+s9+$0x0], $0xffff;
	v60 =	vmul.f32 v12, v49;
	v62 =	vor.u32 $0x1D, v1;
	v3 =	vadd.f32 v56, v3  }
0x10a: {  	v63 =	vor.u32 $0x1E, v2;
	v8 =	vld.idx.msk [tilespmem:v54+s12+$0x0], $0xffff  }
0x10b: {  	v19 =	vld.idx.msk [tilespmem:v55+s9+$0x0], $0xffff;
	v18 =	vmul.f32 v9, v53;
	v20 =	vor.u32 $0x1E, v1;
	v3 =	vadd.f32 v60, v3  }
0x10c: {  	v21 =	vor.u32 $0x1F, v2;
	v10 =	vld.idx.msk [tilespmem:v58+s12+$0x0], $0xffff  }
0x10d: {  	v23 =	vld.idx.msk [tilespmem:v59+s9+$0x0], $0xffff;
	v22 =	vmul.f32 v11, v57;
	v24 =	vor.u32 $0x1F, v1;
	v3 =	vadd.f32 v18, v3  }
0x10e: {  	v25 =	vor.u32 $0x20, v2;
	v12 =	vld.idx.msk [tilespmem:v62+s12+$0x0], $0xffff  }
0x10f: {  	v27 =	vld.idx.msk [tilespmem:v63+s9+$0x0], $0xffff;
	v26 =	vmul.f32 v8, v61;
	v28 =	vor.u32 $0x20, v1;
	v3 =	vadd.f32 v22, v3  }
0x110: {  	v29 =	vor.u32 $0x21, v2;
	v9 =	vld.idx.msk [tilespmem:v20+s12+$0x0], $0xffff  }
0x111: {  	v31 =	vld.idx.msk [tilespmem:v21+s9+$0x0], $0xffff;
	v30 =	vmul.f32 v10, v19;
	v32 =	vor.u32 $0x21, v1;
	v3 =	vadd.f32 v26, v3  }
0x112: {  	v33 =	vor.u32 $0x22, v2;
	v11 =	vld.idx.msk [tilespmem:v24+s12+$0x0], $0xffff  }
0x113: {  	v35 =	vld.idx.msk [tilespmem:v25+s9+$0x0], $0xffff;
	v34 =	vmul.f32 v12, v23;
	v36 =	vor.u32 $0x22, v1;
	v3 =	vadd.f32 v30, v3  }
0x114: {  	v37 =	vor.u32 $0x23, v2;
	v8 =	vld.idx.msk [tilespmem:v28+s12+$0x0], $0xffff  }
0x115: {  	v39 =	vld.idx.msk [tilespmem:v29+s9+$0x0], $0xffff;
	v38 =	vmul.f32 v9, v27;
	v40 =	vor.u32 $0x23, v1;
	v3 =	vadd.f32 v34, v3  }
0x116: {  	v41 =	vor.u32 $0x24, v2;
	v10 =	vld.idx.msk [tilespmem:v32+s12+$0x0], $0xffff  }
0x117: {  	v43 =	vld.idx.msk [tilespmem:v33+s9+$0x0], $0xffff;
	v42 =	vmul.f32 v11, v31;
	v44 =	vor.u32 $0x24, v1;
	v3 =	vadd.f32 v38, v3  }
0x118: {  	v45 =	vor.u32 $0x25, v2;
	v12 =	vld.idx.msk [tilespmem:v36+s12+$0x0], $0xffff  }
0x119: {  	v47 =	vld.idx.msk [tilespmem:v37+s9+$0x0], $0xffff;
	v46 =	vmul.f32 v8, v35;
	v48 =	vor.u32 $0x25, v1;
	v3 =	vadd.f32 v42, v3  }
0x11a: {  	v49 =	vor.u32 $0x26, v2;
	v9 =	vld.idx.msk [tilespmem:v40+s12+$0x0], $0xffff  }
0x11b: {  	v51 =	vld.idx.msk [tilespmem:v41+s9+$0x0], $0xffff;
	v50 =	vmul.f32 v10, v39;
	v52 =	vor.u32 $0x26, v1;
	v3 =	vadd.f32 v46, v3  }
0x11c: {  	v53 =	vor.u32 $0x27, v2;
	v11 =	vld.idx.msk [tilespmem:v44+s12+$0x0], $0xffff  }
0x11d: {  	v55 =	vld.idx.msk [tilespmem:v45+s9+$0x0], $0xffff;
	v54 =	vmul.f32 v12, v43;
	v56 =	vor.u32 $0x27, v1;
	v3 =	vadd.f32 v50, v3  }
0x11e: {  	v57 =	vor.u32 $0x28, v2;
	v8 =	vld.idx.msk [tilespmem:v48+s12+$0x0], $0xffff  }
0x11f: {  	v59 =	vld.idx.msk [tilespmem:v49+s9+$0x0], $0xffff;
	v58 =	vmul.f32 v9, v47;
	v60 =	vor.u32 $0x28, v1;
	v3 =	vadd.f32 v54, v3  }
0x120: {  	v61 =	vor.u32 $0x29, v2;
	v10 =	vld.idx.msk [tilespmem:v52+s12+$0x0], $0xffff  }
0x121: {  	v63 =	vld.idx.msk [tilespmem:v53+s9+$0x0], $0xffff;
	v62 =	vmul.f32 v11, v51;
	v18 =	vor.u32 $0x29, v1;
	v3 =	vadd.f32 v58, v3  }
0x122: {  	v19 =	vor.u32 $0x2A, v2;
	v12 =	vld.idx.msk [tilespmem:v56+s12+$0x0], $0xffff  }
0x123: {  	v21 =	vld.idx.msk [tilespmem:v57+s9+$0x0], $0xffff;
	v20 =	vmul.f32 v8, v55;
	v22 =	vor.u32 $0x2A, v1;
	v3 =	vadd.f32 v62, v3  }
0x124: {  	v23 =	vor.u32 $0x2B, v2;
	v9 =	vld.idx.msk [tilespmem:v60+s12+$0x0], $0xffff  }
0x125: {  	v25 =	vld.idx.msk [tilespmem:v61+s9+$0x0], $0xffff;
	v24 =	vmul.f32 v10, v59;
	v26 =	vor.u32 $0x2B, v1;
	v3 =	vadd.f32 v20, v3  }
0x126: {  	v27 =	vor.u32 $0x2C, v2;
	v11 =	vld.idx.msk [tilespmem:v18+s12+$0x0], $0xffff  }
0x127: {  	v29 =	vld.idx.msk [tilespmem:v19+s9+$0x0], $0xffff;
	v28 =	vmul.f32 v12, v63;
	v30 =	vor.u32 $0x2C, v1;
	v3 =	vadd.f32 v24, v3  }
0x128: {  	v31 =	vor.u32 $0x2D, v2;
	v8 =	vld.idx.msk [tilespmem:v22+s12+$0x0], $0xffff  }
0x129: {  	v33 =	vld.idx.msk [tilespmem:v23+s9+$0x0], $0xffff;
	v32 =	vmul.f32 v9, v21;
	v34 =	vor.u32 $0x2D, v1;
	v3 =	vadd.f32 v28, v3  }
0x12a: {  	v35 =	vor.u32 $0x2E, v2;
	v10 =	vld.idx.msk [tilespmem:v26+s12+$0x0], $0xffff  }
0x12b: {  	v37 =	vld.idx.msk [tilespmem:v27+s9+$0x0], $0xffff;
	v36 =	vmul.f32 v11, v25;
	v38 =	vor.u32 $0x2E, v1;
	v3 =	vadd.f32 v32, v3  }
0x12c: {  	v39 =	vor.u32 $0x2F, v2;
	v12 =	vld.idx.msk [tilespmem:v30+s12+$0x0], $0xffff  }
0x12d: {  	v41 =	vld.idx.msk [tilespmem:v31+s9+$0x0], $0xffff;
	v40 =	vmul.f32 v8, v29;
	v42 =	vor.u32 $0x2F, v1;
	v3 =	vadd.f32 v36, v3  }
0x12e: {  	v43 =	vor.u32 $0x30, v2;
	v9 =	vld.idx.msk [tilespmem:v34+s12+$0x0], $0xffff  }
0x12f: {  	v45 =	vld.idx.msk [tilespmem:v35+s9+$0x0], $0xffff;
	v44 =	vmul.f32 v10, v33;
	v46 =	vor.u32 $0x30, v1;
	v3 =	vadd.f32 v40, v3  }
0x130: {  	v47 =	vor.u32 $0x31, v2;
	v11 =	vld.idx.msk [tilespmem:v38+s12+$0x0], $0xffff  }
0x131: {  	v49 =	vld.idx.msk [tilespmem:v39+s9+$0x0], $0xffff;
	v48 =	vmul.f32 v12, v37;
	v50 =	vor.u32 $0x31, v1;
	v3 =	vadd.f32 v44, v3  }
0x132: {  	v51 =	vor.u32 $0x32, v2;
	v8 =	vld.idx.msk [tilespmem:v42+s12+$0x0], $0xffff  }
0x133: {  	v53 =	vld.idx.msk [tilespmem:v43+s9+$0x0], $0xffff;
	v52 =	vmul.f32 v9, v41;
	v54 =	vor.u32 $0x32, v1;
	v3 =	vadd.f32 v48, v3  }
0x134: {  	v55 =	vor.u32 $0x33, v2;
	v10 =	vld.idx.msk [tilespmem:v46+s12+$0x0], $0xffff  }
0x135: {  	v57 =	vld.idx.msk [tilespmem:v47+s9+$0x0], $0xffff;
	v56 =	vmul.f32 v11, v45;
	v58 =	vor.u32 $0x33, v1;
	v3 =	vadd.f32 v52, v3  }
0x136: {  	v59 =	vor.u32 $0x34, v2;
	v12 =	vld.idx.msk [tilespmem:v50+s12+$0x0], $0xffff  }
0x137: {  	v61 =	vld.idx.msk [tilespmem:v51+s9+$0x0], $0xffff;
	v60 =	vmul.f32 v8, v49;
	v62 =	vor.u32 $0x34, v1;
	v3 =	vadd.f32 v56, v3  }
0x138: {  	v63 =	vor.u32 $0x35, v2;
	v9 =	vld.idx.msk [tilespmem:v54+s12+$0x0], $0xffff  }
0x139: {  	v19 =	vor.u32 $0x35, v1;
	v18 =	vld.idx.msk [tilespmem:v55+s9+$0x0], $0xffff;
	v17 =	vmul.f32 v10, v53;
	v3 =	vadd.f32 v60, v3  }
0x13a: {  	v23 =	vor.u32 $0x36, v1;
	v11 =	vld.idx.msk [tilespmem:v58+s12+$0x0], $0xffff  }
0x13b: {  	v22 =	vld.idx.msk [tilespmem:v59+s9+$0x0], $0xffff;
	v20 =	vor.u32 $0x36, v2;
	v21 =	vmul.f32 v12, v57;
	v3 =	vadd.f32 v17, v3  }
0x13c: {  	v27 =	vor.u32 $0x37, v1;
	v8 =	vld.idx.msk [tilespmem:v62+s12+$0x0], $0xffff  }
0x13d: {  	v26 =	vld.idx.msk [tilespmem:v63+s9+$0x0], $0xffff;
	v24 =	vor.u32 $0x37, v2;
	v25 =	vmul.f32 v9, v61;
	v3 =	vadd.f32 v21, v3  }
0x13e: {  	v31 =	vor.u32 $0x38, v1;
	v10 =	vld.idx.msk [tilespmem:v19+s12+$0x0], $0xffff  }
0x13f: {  	v12 =	vld.idx.msk [tilespmem:v23+s12+$0x0], $0xffff;
	v28 =	vor.u32 $0x38, v2;
	v29 =	vmul.f32 v11, v18;
	v3 =	vadd.f32 v25, v3  }
0x140: {  	v35 =	vor.u32 $0x39, v1;
	v30 =	vld.idx.msk [tilespmem:v20+s9+$0x0], $0xffff  }
0x141: {  	v9 =	vld.idx.msk [tilespmem:v27+s12+$0x0], $0xffff;
	v32 =	vor.u32 $0x39, v2;
	v33 =	vmul.f32 v8, v22;
	v3 =	vadd.f32 v29, v3  }
0x142: {  	v39 =	vor.u32 $0x3A, v1;
	v34 =	vld.idx.msk [tilespmem:v24+s9+$0x0], $0xffff  }
0x143: {  	v37 =	vmul.f32 v10, v26;
	v11 =	vld.idx.msk [tilespmem:v31+s12+$0x0], $0xffff;
	v36 =	vor.u32 $0x3A, v2;
	v3 =	vadd.f32 v33, v3  }
0x144: {  	v43 =	vor.u32 $0x3B, v1;
	v38 =	vld.idx.msk [tilespmem:v28+s9+$0x0], $0xffff  }
0x145: {  	v8 =	vld.idx.msk [tilespmem:v35+s12+$0x0], $0xffff;
	v40 =	vor.u32 $0x3B, v2;
	v41 =	vmul.f32 v12, v30;
	v3 =	vadd.f32 v37, v3  }
0x146: {  	v47 =	vor.u32 $0x3C, v1;
	v42 =	vld.idx.msk [tilespmem:v32+s9+$0x0], $0xffff  }
0x147: {  	v10 =	vld.idx.msk [tilespmem:v39+s12+$0x0], $0xffff;
	v44 =	vor.u32 $0x3C, v2;
	v45 =	vmul.f32 v9, v34;
	v3 =	vadd.f32 v41, v3  }
0x148: {  	v51 =	vor.u32 $0x3D, v1;
	v46 =	vld.idx.msk [tilespmem:v36+s9+$0x0], $0xffff  }
0x149: {  	v12 =	vld.idx.msk [tilespmem:v43+s12+$0x0], $0xffff;
	v48 =	vor.u32 $0x3D, v2;
	v49 =	vmul.f32 v11, v38;
	v3 =	vadd.f32 v45, v3  }
0x14a: {  	v55 =	vor.u32 $0x3E, v1;
	v50 =	vld.idx.msk [tilespmem:v40+s9+$0x0], $0xffff  }
0x14b: {  	v9 =	vld.idx.msk [tilespmem:v47+s12+$0x0], $0xffff;
	v52 =	vor.u32 $0x3E, v2;
	v53 =	vmul.f32 v8, v42;
	v3 =	vadd.f32 v49, v3  }
0x14c: {  	v1 =	vor.u32 $0x3F, v1;
	v54 =	vld.idx.msk [tilespmem:v44+s9+$0x0], $0xffff  }
0x14d: {  	v58 =	vld.idx.msk [tilespmem:v51+s12+$0x0], $0xffff;
	v2 =	vor.u32 $0x3F, v2;
	v56 =	vmul.f32 v10, v46;
	v3 =	vadd.f32 v53, v3  }
0x14e: {  	v57 =	vld.idx.msk [tilespmem:v48+s9+$0x0], $0xffff  }
0x14f: {  	v8 =	vld.idx.msk [tilespmem:v55+s12+$0x0], $0xffff;
	v59 =	vmul.f32 v12, v50;
	v3 =	vadd.f32 v56, v3  }
0x150: {  	v60 =	vld.idx.msk [tilespmem:v52+s9+$0x0], $0xffff  }
0x151: {  	v1 =	vld.idx.msk [tilespmem:v1+s12+$0x0], $0xffff;
	v61 =	vmul.f32 v9, v54;
	v3 =	vadd.f32 v59, v3  }
0x152: {  	v2 =	vld.idx.msk [tilespmem:v2+s9+$0x0], $0xffff  }
0x153: {  	v62 =	vmul.f32 v58, v57;
	v3 =	vadd.f32 v61, v3;
	_ =	sdelay $0x1  }
0x154: {  	v63 =	vmul.f32 v8, v60;
	v3 =	vadd.f32 v62, v3  }
0x155: {  	p0 =	sne.s32 s15, $0x1F0  }
.Ltmp5:
0x156: {  	v1 =	vmul.f32 v1, v2;
	v3 =	vadd.f32 v63, v3;
	(pc) =	sbr.rel @p0 .LBB2_8-.Ltmp5, $3  }
0x157: {  	_ = 	snop  }
0x158: {  	v1 =	vadd.f32 v1, v3;
	_ =	sdelay $0x1  }
0x159: {  	s15 =	sadd.s32 $0x10, s15;
	[tilespmem:s16+$0x0] =	vst v1;
	s16 =	sadd.s32 $0x10, s16  }
0x15a: {  	s14 =	sadd.s32 $0x1, s14  }
0x15b: {  	p0 =	sne.s32 s14, s7  }
.Ltmp6:
0x15c: {  	_ = 	snop;
	(pc) =	sbr.rel @p0 .LBB2_1-.Ltmp6, $4  }
0x15d: {  	[hbm4b:s6+s2] =	stream.linear.scatter [tilespmem:s13], [sflag:$0x3], $0x200, $0x38;
	[tilespmem:$0x18400] =	vst v63  }
0x15e: {  	_ =	swait.ge [sflag:s8], $0x200  }
0x15f: {  	[sflag:s8] =	ssyncset.done $0x0  }
0x160: {  	[sflag:s8] =	ssyncadd.s32 $0xFFFFFE00  }
0x161: {  	_ =	sfence.sel $0x180000  }
0x162: {  	[bflag:$0x0] =	sbarrier.arrive $0xFFFF  }
0x163: {  	p0 =	sne.s32 s1, $0x0;
	_ =	strace $0x9000004A  }
0x164: {  	s0 =	sadd.s32 @!p0 $0x100000, s0;
	[bflag:$0x2] =	sbarrier.arrive $0xFFFF  }
0x165: {  	[sflag:s0] =	ssyncadd.tile.s32 @!p0 $0x1;
	_ =	shalt  }
.Lfunc_end2:
_tile_overlayer_lowered:
.L_overlay_start_2:
0x166: {  	(tag) =	ssettag $0x2  }
0x167: {  	s0 =	rddreg [dreg:$0x0];
	s2 =	stileid.u32  }
0x168: {  	s1 =	rddreg [dreg:$0x1];
	p0 =	sne.s32 s2, $0x0  }
0x169: {  	s3 =	rddreg [dreg:$0x2];
	[bflag:$0x3] =	sbarrier.arrive $0xFFFF;
	s2 =	simm.s32 @!p0 $0x1C03  }
0x16a: {  	[timem:s3], [sflag:s2] =	dma.local @!p0 [hbm:s0], s1  }
0x16b: {  	s0 =	simm.s32 @!p0 $0x3  }
0x16c: {  	_ =	swait.ge @!p0 [sflag:s0], s1  }
0x16d: {  	s1 =	ssub.s32 @!p0 $0x0, s1;
	[sflag:s0] =	ssyncset.done @!p0 $0x0  }
0x16e: {  	[sflag:s0] =	ssyncadd.s32 @!p0 s1  }
0x16f: {  	[bflag:$0x3] =	sbarrier.arrive $0xFFFF  }
0x170: {  	_ =	shalt  }

</sc_bundles>
